<compile_context>
chip_gen: v7x
topology: tpu7x:2x2x1
jax: 0.10.2.dev20260603
libtpu: 0.0.44.dev20260713+nightly
codegen_flags: <defaults>
</compile_context>

<pallas_src>
import functools

import jax
import jax.numpy as jnp
from jax import lax
from jax.experimental import pallas as pl
from jax.experimental.pallas import tpu as pltpu
from jax.experimental.pallas import tpu_sc as plsc

N_NODES = 10000
D = 128
N_EDGES = 320000

N_PAD = 10240
E_PAD = 327680
EDGES_PER_TILE = E_PAD // 32
ROWS_PER_TILE = N_PAD // 16
CHUNK = 128
N_CHUNKS = EDGES_PER_TILE // CHUNK
N_WB = ROWS_PER_TILE // 128
PHASES = 2
SLAB = N_CHUNKS // PHASES
PAIRS = SLAB // 2

_sc_mesh = plsc.VectorSubcoreMesh(core_axis_name="c", subcore_axis_name="s")


@functools.partial(
    pl.kernel, mesh=_sc_mesh,
    out_type=jax.ShapeDtypeStruct((2 * N_PAD, D), jnp.float32),
    scratch_types=[
        pltpu.VMEM((SLAB, CHUNK), jnp.int32),
        pltpu.VMEM((SLAB, CHUNK), jnp.int32),
        pltpu.VMEM((CHUNK, D), jnp.float32),
        pltpu.VMEM((CHUNK, D), jnp.float32),
        pltpu.VMEM_SHARED((N_PAD, D), jnp.float32),
        pltpu.SemaphoreType.DMA,
        pltpu.SemaphoreType.DMA,
    ],
)
def _aggregate(x_hbm, src_hbm, dst_hbm, zf, sum_out,
               src_v, dst_v, rows_a, rows_b, acc_sh, sem_a, sem_b):
    c = lax.axis_index("c")
    s = lax.axis_index("s")
    tile = c * 16 + s

    rb = s * ROWS_PER_TILE
    pltpu.sync_copy(zf, rows_a)
    for t in range(N_WB):
        pltpu.sync_copy(rows_a, acc_sh.at[pl.ds(rb + t * 128, 128)])
    plsc.subcore_barrier()

    for p in range(PHASES):
        slab_row = tile * N_CHUNKS + p * SLAB
        pltpu.sync_copy(src_hbm.at[pl.ds(slab_row, SLAB)], src_v)
        pltpu.sync_copy(dst_hbm.at[pl.ds(slab_row, SLAB)], dst_v)

        pltpu.async_copy(x_hbm.at[src_v.at[0]], rows_a, sem_a)

        def pair_body(k2, carry):
            ka = 2 * k2
            pltpu.async_copy(x_hbm.at[src_v.at[ka + 1]], rows_b, sem_b)
            pltpu.make_async_copy(x_hbm.at[src_v.at[ka]], rows_a, sem_a).wait()
            pltpu.sync_copy(rows_a, acc_sh.at[dst_v.at[ka]], add=True)

            @pl.when(k2 < PAIRS - 1)
            def _():
                pltpu.async_copy(x_hbm.at[src_v.at[ka + 2]], rows_a, sem_a)

            pltpu.make_async_copy(x_hbm.at[src_v.at[ka + 1]], rows_b, sem_b).wait()
            pltpu.sync_copy(rows_b, acc_sh.at[dst_v.at[ka + 1]], add=True)
            return carry

        lax.fori_loop(0, PAIRS, pair_body, 0)

    plsc.subcore_barrier()

    ob = c * N_PAD + s * ROWS_PER_TILE
    for t in range(N_WB):
        pltpu.sync_copy(acc_sh.at[pl.ds(rb + t * 128, 128)], rows_a)
        pltpu.sync_copy(rows_a, sum_out.at[pl.ds(ob + t * 128, 128)])


CROWS = N_PAD // 128


@functools.partial(
    pl.kernel, mesh=_sc_mesh,
    compiler_params=pltpu.CompilerParams(needs_layout_passes=False),
    out_type=jax.ShapeDtypeStruct((2 * CROWS, 128), jnp.float32),
    scratch_types=[
        pltpu.VMEM((EDGES_PER_TILE,), jnp.int32),
        pltpu.VMEM((CROWS, 128), jnp.float32),
        pltpu.VMEM((CROWS,), jnp.int32),
        pltpu.VMEM_SHARED((CROWS, 128), jnp.float32),
        pltpu.SemaphoreType.DMA,
    ],
)
def _degrees(dst_hbm, zf, iota_hbm, cnt_out, dst_v, hist_v, iota_v, acc_sh, sem):
    c = lax.axis_index("c")
    s = lax.axis_index("s")
    tile = c * 16 + s

    pltpu.sync_copy(zf.at[pl.ds(0, CROWS)], hist_v)

    @pl.when(s == 0)
    def _():
        pltpu.sync_copy(zf.at[pl.ds(0, CROWS)], acc_sh)

    pltpu.sync_copy(dst_hbm.at[pl.ds(tile * EDGES_PER_TILE, EDGES_PER_TILE)],
                    dst_v)
    pltpu.sync_copy(iota_hbm, iota_v)
    plsc.subcore_barrier()

    ones16 = jnp.ones((16,), jnp.float32)

    def hbody(i, carry):
        idx = dst_v[pl.ds(i * 16, 16)]
        row = lax.shift_right_logical(idx, 7)
        col = lax.bitwise_and(idx, 127)
        plsc.addupdate_scatter(hist_v, [row, col], ones16)
        return carry

    lax.fori_loop(0, EDGES_PER_TILE // 16, hbody, 0)

    pltpu.sync_copy(hist_v, acc_sh.at[iota_v], add=True)
    plsc.subcore_barrier()

    @pl.when(s == 0)
    def _():
        pltpu.sync_copy(acc_sh, hist_v)
        pltpu.sync_copy(hist_v, cnt_out.at[pl.ds(c * CROWS, CROWS)])


BLK = 1024


def _combine_body(relu, p_ref, cnt_ref, x_ref, wl_ref, wr_ref, b_ref, o_ref):
    ssum = p_ref[0] + p_ref[1]
    cnt = (cnt_ref[0] + cnt_ref[1]).reshape(BLK)
    agg = ssum / jnp.clip(cnt, 1.0, None)[:, None]
    out = (jnp.dot(agg, wl_ref[...], preferred_element_type=jnp.float32)
           + jnp.dot(x_ref[...], wr_ref[...], preferred_element_type=jnp.float32)
           + b_ref[0:1, :])
    if relu:
        out = jnp.maximum(out, 0.0)
    o_ref[...] = out


def _combine(p, cnt, x, wlT, wrT, b, relu):
    return pl.pallas_call(
        functools.partial(_combine_body, relu),
        grid=(N_PAD // BLK,),
        in_specs=[
            pl.BlockSpec((2, BLK, D), lambda i: (0, i, 0)),
            pl.BlockSpec((2, BLK // 128, 128), lambda i: (0, i, 0)),
            pl.BlockSpec((BLK, D), lambda i: (i, 0)),
            pl.BlockSpec((D, D), lambda i: (0, 0)),
            pl.BlockSpec((D, D), lambda i: (0, 0)),
            pl.BlockSpec((8, D), lambda i: (0, 0)),
        ],
        out_specs=pl.BlockSpec((BLK, D), lambda i: (i, 0)),
        out_shape=jax.ShapeDtypeStruct((N_PAD, D), jnp.float32),
    )(p, cnt, x, wlT, wrT, b)


def kernel(x, edge_index, W1l, b1l, W1r, W2l, b2l, W2r):
    src = edge_index[0].astype(jnp.int32)
    dst = edge_index[1].astype(jnp.int32)

    n_pad_e = E_PAD - N_EDGES
    pad_src = jnp.arange(n_pad_e, dtype=jnp.int32) % N_NODES
    pad_dst = N_NODES + (jnp.arange(n_pad_e, dtype=jnp.int32) % (N_PAD - N_NODES))
    srcr = jnp.concatenate([src, pad_src]).reshape(E_PAD // CHUNK, CHUNK)
    dstr = jnp.concatenate([dst, pad_dst]).reshape(E_PAD // CHUNK, CHUNK)

    zf = jnp.zeros((128, D), jnp.float32)
    x_pad = jnp.concatenate([x, jnp.zeros((N_PAD - N_NODES, D), jnp.float32)])

    b1 = jnp.broadcast_to(b1l.reshape(1, D), (8, D))
    b2 = jnp.broadcast_to(b2l.reshape(1, D), (8, D))

    dst_flat = jnp.concatenate([dst, pad_dst])
    iota80 = jnp.arange(CROWS, dtype=jnp.int32)
    cnt = _degrees(dst_flat, zf, iota80).reshape(2, CROWS, 128)
    p1 = _aggregate(x, srcr, dstr, zf).reshape(2, N_PAD, D)
    h = _combine(p1, cnt, x_pad, W1l.T, W1r.T, b1, relu=True)
    p2 = _aggregate(h, srcr, dstr, zf).reshape(2, N_PAD, D)
    out = _combine(p2, cnt, h, W2l.T, W2r.T, b2, relu=False)
    return out[:N_NODES]

# --- scband reference (transcript-rebuilt; emitter-appended) ---
"""Pipeline reference for scband-gnn-26482768347970 (READ-ONLY COPY).

The authoritative reference and input builder live on the scoring server;
editing this copy changes nothing except your own understanding.
"""

import jax, jax.numpy as jnp
import numpy as np

N_NODES = 10000
D = 128
N_EDGES = 320000


def setup_inputs(seed: int = 0) -> dict:
    key = jax.random.key(seed)
    ks = jax.random.split(key, 9)
    x = jax.random.normal(ks[0], (N_NODES, D), dtype=jnp.float32)
    edge_index = jax.random.randint(ks[1], (2, N_EDGES), 0, N_NODES, dtype=jnp.int64)
    s = 1.0 / np.sqrt(D)
    # SAGEConv params: lin_l (neighbor path, with bias), lin_r (root path, no bias)
    W1l = jax.random.uniform(ks[2], (D, D), dtype=jnp.float32, minval=-s, maxval=s)
    b1l = jax.random.uniform(ks[3], (D,), dtype=jnp.float32, minval=-s, maxval=s)
    W1r = jax.random.uniform(ks[4], (D, D), dtype=jnp.float32, minval=-s, maxval=s)
    W2l = jax.random.uniform(ks[5], (D, D), dtype=jnp.float32, minval=-s, maxval=s)
    b2l = jax.random.uniform(ks[6], (D,), dtype=jnp.float32, minval=-s, maxval=s)
    W2r = jax.random.uniform(ks[7], (D, D), dtype=jnp.float32, minval=-s, maxval=s)
    return {"x": x, "edge_index": edge_index, "W1l": W1l, "b1l": b1l, "W1r": W1r,
            "W2l": W2l, "b2l": b2l, "W2r": W2r}


def _sage_conv(x, src, dst, Wl, bl, Wr, n_nodes):
    # message: gather source-node features along each edge
    msgs = jnp.take(x, src, axis=0)
    # mean aggregation at destination nodes
    agg = jax.ops.segment_sum(msgs, dst, num_segments=n_nodes)
    cnt = jax.ops.segment_sum(jnp.ones((msgs.shape[0],), dtype=x.dtype), dst,
                              num_segments=n_nodes)
    agg = agg / jnp.clip(cnt, 1.0, None)[:, None]
    # lin_l(agg) + lin_r(x)
    return agg @ Wl.T + bl + x @ Wr.T


def reference(x, edge_index, W1l, b1l, W1r, W2l, b2l, W2r):
    # eval mode: DropEdge / DropNode / Dropout are disabled (self.training == False)
    src = edge_index[0]
    dst = edge_index[1]
    h = _sage_conv(x, src, dst, W1l, b1l, W1r, N_NODES)
    h = jax.nn.relu(h)
    out = _sage_conv(h, src, dst, W2l, b2l, W2r, N_NODES)
    return out

if __name__ == "__main__":
    import jax
    _d = setup_inputs()
    print(jax.jit(kernel)(*tuple(_d.values())))

</pallas_src>

<mosaic_0001>
#map = affine_map<(d0, d1) -> (0, 0)>
module attributes {stable_mosaic.version = 14 : i64} {
  func.func @_aggregate(%arg0: i32, %arg1: i32, %arg2: memref<10000x128xf32, #tpu.memory_space<hbm>>, %arg3: memref<2560x128xi32, #tpu.memory_space<hbm>>, %arg4: memref<2560x128xi32, #tpu.memory_space<hbm>>, %arg5: memref<128x128xf32, #tpu.memory_space<hbm>>, %arg6: memref<20480x128xf32, #tpu.memory_space<hbm>>, %arg7: memref<40x128xi32, #tpu.memory_space<vmem>>, %arg8: memref<40x128xi32, #tpu.memory_space<vmem>>, %arg9: memref<128x128xf32, #tpu.memory_space<vmem>>, %arg10: memref<128x128xf32, #tpu.memory_space<vmem>>, %arg11: memref<10240x128xf32, #tpu.memory_space<vmem_shared>>, %arg12: memref<!tpu.dma_semaphore, #tpu.memory_space<semaphore_mem>>, %arg13: memref<!tpu.dma_semaphore, #tpu.memory_space<semaphore_mem>>) attributes {dimension_semantics = [#tpu.dimension_semantics<core_parallel>, #tpu.dimension_semantics<subcore_parallel>], iteration_bounds = array<i64: 2, 16>, scalar_prefetch = 0 : i64, scratch_operands = 7 : i64, tpu.core_type = #tpu.core_type<sc_vector_subcore>, window_params = [{transform_indices = #map}, {transform_indices = #map}, {transform_indices = #map}, {transform_indices = #map}, {transform_indices = #map}]} {
    %mul3A = arith.constant 16 : i32
    %mul3A_0 = arith.muli %arg0, %mul3A : i32
    %add3A = arith.addi %mul3A_0, %arg1 : i32
    %mul3A_1 = arith.constant 640 : i32
    %mul3A_2 = arith.muli %arg1, %mul3A_1 : i32
    "tpu.region"() ({
      %run_scoped3A = tpu.sem_alloc : memref<!tpu.dma_semaphore, #tpu.memory_space<semaphore_mem>>
      tpu.enqueue_dma source(%arg5 : memref<128x128xf32, #tpu.memory_space<hbm>>) target(%arg9 : memref<128x128xf32, #tpu.memory_space<vmem>>) target_semaphore(%run_scoped3A : memref<!tpu.dma_semaphore, #tpu.memory_space<semaphore_mem>>)
      tpu.wait_dma2 semaphore(%run_scoped3A : memref<!tpu.dma_semaphore, #tpu.memory_space<semaphore_mem>>) src(%arg5 : memref<128x128xf32, #tpu.memory_space<hbm>>) dst(%arg9 : memref<128x128xf32, #tpu.memory_space<vmem>>)
      tpu.yield
    }) : () -> ()
    %add3A_3 = arith.constant 0 : i32
    %add3A_4 = arith.addi %mul3A_2, %add3A_3 : i32
    "tpu.region"() ({
      %run_scoped3A = tpu.sem_alloc : memref<!tpu.dma_semaphore, #tpu.memory_space<semaphore_mem>>
      %dma_start3A_71 = arith.constant 0 : i32
      %dma_start3A_72 = tpu.memref_slice %arg11[%add3A_4, %dma_start3A_71] : memref<10240x128xf32, #tpu.memory_space<vmem_shared>> -> memref<128x128xf32, #tpu.memory_space<vmem_shared>>
      %dma_start3A_73 = arith.constant 0 : i32
      %dma_start3A_74 = tpu.memref_slice %arg11[%add3A_4, %dma_start3A_73] : memref<10240x128xf32, #tpu.memory_space<vmem_shared>> -> memref<128x128xf32, #tpu.memory_space<vmem_shared>>
      tpu.enqueue_dma source(%arg9 : memref<128x128xf32, #tpu.memory_space<vmem>>) target(%dma_start3A_74 : memref<128x128xf32, #tpu.memory_space<vmem_shared>>) target_semaphore(%run_scoped3A : memref<!tpu.dma_semaphore, #tpu.memory_space<semaphore_mem>>)
      %dma_wait3A = arith.constant 0 : i32
      %dma_wait3A_75 = tpu.memref_slice %arg11[%add3A_4, %dma_wait3A] : memref<10240x128xf32, #tpu.memory_space<vmem_shared>> -> memref<128x128xf32, #tpu.memory_space<vmem_shared>>
      %dma_wait3A_76 = arith.constant 0 : i32
      %dma_wait3A_77 = tpu.memref_slice %arg11[%add3A_4, %dma_wait3A_76] : memref<10240x128xf32, #tpu.memory_space<vmem_shared>> -> memref<128x128xf32, #tpu.memory_space<vmem_shared>>
      tpu.wait_dma2 semaphore(%run_scoped3A : memref<!tpu.dma_semaphore, #tpu.memory_space<semaphore_mem>>) src(%arg9 : memref<128x128xf32, #tpu.memory_space<vmem>>) dst(%dma_wait3A_77 : memref<128x128xf32, #tpu.memory_space<vmem_shared>>)
      tpu.yield
    }) : () -> ()
    %add3A_5 = arith.constant 128 : i32
    %add3A_6 = arith.addi %mul3A_2, %add3A_5 : i32
    "tpu.region"() ({
      %run_scoped3A = tpu.sem_alloc : memref<!tpu.dma_semaphore, #tpu.memory_space<semaphore_mem>>
      %dma_start3A_71 = arith.constant 0 : i32
      %dma_start3A_72 = tpu.memref_slice %arg11[%add3A_6, %dma_start3A_71] : memref<10240x128xf32, #tpu.memory_space<vmem_shared>> -> memref<128x128xf32, #tpu.memory_space<vmem_shared>>
      %dma_start3A_73 = arith.constant 0 : i32
      %dma_start3A_74 = tpu.memref_slice %arg11[%add3A_6, %dma_start3A_73] : memref<10240x128xf32, #tpu.memory_space<vmem_shared>> -> memref<128x128xf32, #tpu.memory_space<vmem_shared>>
      tpu.enqueue_dma source(%arg9 : memref<128x128xf32, #tpu.memory_space<vmem>>) target(%dma_start3A_74 : memref<128x128xf32, #tpu.memory_space<vmem_shared>>) target_semaphore(%run_scoped3A : memref<!tpu.dma_semaphore, #tpu.memory_space<semaphore_mem>>)
      %dma_wait3A = arith.constant 0 : i32
      %dma_wait3A_75 = tpu.memref_slice %arg11[%add3A_6, %dma_wait3A] : memref<10240x128xf32, #tpu.memory_space<vmem_shared>> -> memref<128x128xf32, #tpu.memory_space<vmem_shared>>
      %dma_wait3A_76 = arith.constant 0 : i32
      %dma_wait3A_77 = tpu.memref_slice %arg11[%add3A_6, %dma_wait3A_76] : memref<10240x128xf32, #tpu.memory_space<vmem_shared>> -> memref<128x128xf32, #tpu.memory_space<vmem_shared>>
      tpu.wait_dma2 semaphore(%run_scoped3A : memref<!tpu.dma_semaphore, #tpu.memory_space<semaphore_mem>>) src(%arg9 : memref<128x128xf32, #tpu.memory_space<vmem>>) dst(%dma_wait3A_77 : memref<128x128xf32, #tpu.memory_space<vmem_shared>>)
      tpu.yield
    }) : () -> ()
    %add3A_7 = arith.constant 256 : i32
    %add3A_8 = arith.addi %mul3A_2, %add3A_7 : i32
    "tpu.region"() ({
      %run_scoped3A = tpu.sem_alloc : memref<!tpu.dma_semaphore, #tpu.memory_space<semaphore_mem>>
      %dma_start3A_71 = arith.constant 0 : i32
      %dma_start3A_72 = tpu.memref_slice %arg11[%add3A_8, %dma_start3A_71] : memref<10240x128xf32, #tpu.memory_space<vmem_shared>> -> memref<128x128xf32, #tpu.memory_space<vmem_shared>>
      %dma_start3A_73 = arith.constant 0 : i32
      %dma_start3A_74 = tpu.memref_slice %arg11[%add3A_8, %dma_start3A_73] : memref<10240x128xf32, #tpu.memory_space<vmem_shared>> -> memref<128x128xf32, #tpu.memory_space<vmem_shared>>
      tpu.enqueue_dma source(%arg9 : memref<128x128xf32, #tpu.memory_space<vmem>>) target(%dma_start3A_74 : memref<128x128xf32, #tpu.memory_space<vmem_shared>>) target_semaphore(%run_scoped3A : memref<!tpu.dma_semaphore, #tpu.memory_space<semaphore_mem>>)
      %dma_wait3A = arith.constant 0 : i32
      %dma_wait3A_75 = tpu.memref_slice %arg11[%add3A_8, %dma_wait3A] : memref<10240x128xf32, #tpu.memory_space<vmem_shared>> -> memref<128x128xf32, #tpu.memory_space<vmem_shared>>
      %dma_wait3A_76 = arith.constant 0 : i32
      %dma_wait3A_77 = tpu.memref_slice %arg11[%add3A_8, %dma_wait3A_76] : memref<10240x128xf32, #tpu.memory_space<vmem_shared>> -> memref<128x128xf32, #tpu.memory_space<vmem_shared>>
      tpu.wait_dma2 semaphore(%run_scoped3A : memref<!tpu.dma_semaphore, #tpu.memory_space<semaphore_mem>>) src(%arg9 : memref<128x128xf32, #tpu.memory_space<vmem>>) dst(%dma_wait3A_77 : memref<128x128xf32, #tpu.memory_space<vmem_shared>>)
      tpu.yield
    }) : () -> ()
    %add3A_9 = arith.constant 384 : i32
    %add3A_10 = arith.addi %mul3A_2, %add3A_9 : i32
    "tpu.region"() ({
      %run_scoped3A = tpu.sem_alloc : memref<!tpu.dma_semaphore, #tpu.memory_space<semaphore_mem>>
      %dma_start3A_71 = arith.constant 0 : i32
      %dma_start3A_72 = tpu.memref_slice %arg11[%add3A_10, %dma_start3A_71] : memref<10240x128xf32, #tpu.memory_space<vmem_shared>> -> memref<128x128xf32, #tpu.memory_space<vmem_shared>>
      %dma_start3A_73 = arith.constant 0 : i32
      %dma_start3A_74 = tpu.memref_slice %arg11[%add3A_10, %dma_start3A_73] : memref<10240x128xf32, #tpu.memory_space<vmem_shared>> -> memref<128x128xf32, #tpu.memory_space<vmem_shared>>
      tpu.enqueue_dma source(%arg9 : memref<128x128xf32, #tpu.memory_space<vmem>>) target(%dma_start3A_74 : memref<128x128xf32, #tpu.memory_space<vmem_shared>>) target_semaphore(%run_scoped3A : memref<!tpu.dma_semaphore, #tpu.memory_space<semaphore_mem>>)
      %dma_wait3A = arith.constant 0 : i32
      %dma_wait3A_75 = tpu.memref_slice %arg11[%add3A_10, %dma_wait3A] : memref<10240x128xf32, #tpu.memory_space<vmem_shared>> -> memref<128x128xf32, #tpu.memory_space<vmem_shared>>
      %dma_wait3A_76 = arith.constant 0 : i32
      %dma_wait3A_77 = tpu.memref_slice %arg11[%add3A_10, %dma_wait3A_76] : memref<10240x128xf32, #tpu.memory_space<vmem_shared>> -> memref<128x128xf32, #tpu.memory_space<vmem_shared>>
      tpu.wait_dma2 semaphore(%run_scoped3A : memref<!tpu.dma_semaphore, #tpu.memory_space<semaphore_mem>>) src(%arg9 : memref<128x128xf32, #tpu.memory_space<vmem>>) dst(%dma_wait3A_77 : memref<128x128xf32, #tpu.memory_space<vmem_shared>>)
      tpu.yield
    }) : () -> ()
    %add3A_11 = arith.constant 512 : i32
    %add3A_12 = arith.addi %mul3A_2, %add3A_11 : i32
    "tpu.region"() ({
      %run_scoped3A = tpu.sem_alloc : memref<!tpu.dma_semaphore, #tpu.memory_space<semaphore_mem>>
      %dma_start3A_71 = arith.constant 0 : i32
      %dma_start3A_72 = tpu.memref_slice %arg11[%add3A_12, %dma_start3A_71] : memref<10240x128xf32, #tpu.memory_space<vmem_shared>> -> memref<128x128xf32, #tpu.memory_space<vmem_shared>>
      %dma_start3A_73 = arith.constant 0 : i32
      %dma_start3A_74 = tpu.memref_slice %arg11[%add3A_12, %dma_start3A_73] : memref<10240x128xf32, #tpu.memory_space<vmem_shared>> -> memref<128x128xf32, #tpu.memory_space<vmem_shared>>
      tpu.enqueue_dma source(%arg9 : memref<128x128xf32, #tpu.memory_space<vmem>>) target(%dma_start3A_74 : memref<128x128xf32, #tpu.memory_space<vmem_shared>>) target_semaphore(%run_scoped3A : memref<!tpu.dma_semaphore, #tpu.memory_space<semaphore_mem>>)
      %dma_wait3A = arith.constant 0 : i32
      %dma_wait3A_75 = tpu.memref_slice %arg11[%add3A_12, %dma_wait3A] : memref<10240x128xf32, #tpu.memory_space<vmem_shared>> -> memref<128x128xf32, #tpu.memory_space<vmem_shared>>
      %dma_wait3A_76 = arith.constant 0 : i32
      %dma_wait3A_77 = tpu.memref_slice %arg11[%add3A_12, %dma_wait3A_76] : memref<10240x128xf32, #tpu.memory_space<vmem_shared>> -> memref<128x128xf32, #tpu.memory_space<vmem_shared>>
      tpu.wait_dma2 semaphore(%run_scoped3A : memref<!tpu.dma_semaphore, #tpu.memory_space<semaphore_mem>>) src(%arg9 : memref<128x128xf32, #tpu.memory_space<vmem>>) dst(%dma_wait3A_77 : memref<128x128xf32, #tpu.memory_space<vmem_shared>>)
      tpu.yield
    }) : () -> ()
    %barrier3A = arith.constant 0 : index
    tpu.barrier barrier_id(%barrier3A)
    %mul3A_13 = arith.constant 80 : i32
    %mul3A_14 = arith.muli %add3A, %mul3A_13 : i32
    %add3A_15 = arith.constant 0 : i32
    %add3A_16 = arith.addi %mul3A_14, %add3A_15 : i32
    "tpu.region"() ({
      %run_scoped3A = tpu.sem_alloc : memref<!tpu.dma_semaphore, #tpu.memory_space<semaphore_mem>>
      %dma_start3A_71 = arith.constant 0 : i32
      %dma_start3A_72 = tpu.memref_slice %arg3[%add3A_16, %dma_start3A_71] : memref<2560x128xi32, #tpu.memory_space<hbm>> -> memref<40x128xi32, #tpu.memory_space<hbm>>
      %dma_start3A_73 = arith.constant 0 : i32
      %dma_start3A_74 = tpu.memref_slice %arg3[%add3A_16, %dma_start3A_73] : memref<2560x128xi32, #tpu.memory_space<hbm>> -> memref<40x128xi32, #tpu.memory_space<hbm>>
      tpu.enqueue_dma source(%dma_start3A_74 : memref<40x128xi32, #tpu.memory_space<hbm>>) target(%arg7 : memref<40x128xi32, #tpu.memory_space<vmem>>) target_semaphore(%run_scoped3A : memref<!tpu.dma_semaphore, #tpu.memory_space<semaphore_mem>>)
      %dma_wait3A = arith.constant 0 : i32
      %dma_wait3A_75 = tpu.memref_slice %arg3[%add3A_16, %dma_wait3A] : memref<2560x128xi32, #tpu.memory_space<hbm>> -> memref<40x128xi32, #tpu.memory_space<hbm>>
      %dma_wait3A_76 = arith.constant 0 : i32
      %dma_wait3A_77 = tpu.memref_slice %arg3[%add3A_16, %dma_wait3A_76] : memref<2560x128xi32, #tpu.memory_space<hbm>> -> memref<40x128xi32, #tpu.memory_space<hbm>>
      tpu.wait_dma2 semaphore(%run_scoped3A : memref<!tpu.dma_semaphore, #tpu.memory_space<semaphore_mem>>) src(%dma_wait3A_77 : memref<40x128xi32, #tpu.memory_space<hbm>>) dst(%arg7 : memref<40x128xi32, #tpu.memory_space<vmem>>)
      tpu.yield
    }) : () -> ()
    "tpu.region"() ({
      %run_scoped3A = tpu.sem_alloc : memref<!tpu.dma_semaphore, #tpu.memory_space<semaphore_mem>>
      %dma_start3A_71 = arith.constant 0 : i32
      %dma_start3A_72 = tpu.memref_slice %arg4[%add3A_16, %dma_start3A_71] : memref<2560x128xi32, #tpu.memory_space<hbm>> -> memref<40x128xi32, #tpu.memory_space<hbm>>
      %dma_start3A_73 = arith.constant 0 : i32
      %dma_start3A_74 = tpu.memref_slice %arg4[%add3A_16, %dma_start3A_73] : memref<2560x128xi32, #tpu.memory_space<hbm>> -> memref<40x128xi32, #tpu.memory_space<hbm>>
      tpu.enqueue_dma source(%dma_start3A_74 : memref<40x128xi32, #tpu.memory_space<hbm>>) target(%arg8 : memref<40x128xi32, #tpu.memory_space<vmem>>) target_semaphore(%run_scoped3A : memref<!tpu.dma_semaphore, #tpu.memory_space<semaphore_mem>>)
      %dma_wait3A = arith.constant 0 : i32
      %dma_wait3A_75 = tpu.memref_slice %arg4[%add3A_16, %dma_wait3A] : memref<2560x128xi32, #tpu.memory_space<hbm>> -> memref<40x128xi32, #tpu.memory_space<hbm>>
      %dma_wait3A_76 = arith.constant 0 : i32
      %dma_wait3A_77 = tpu.memref_slice %arg4[%add3A_16, %dma_wait3A_76] : memref<2560x128xi32, #tpu.memory_space<hbm>> -> memref<40x128xi32, #tpu.memory_space<hbm>>
      tpu.wait_dma2 semaphore(%run_scoped3A : memref<!tpu.dma_semaphore, #tpu.memory_space<semaphore_mem>>) src(%dma_wait3A_77 : memref<40x128xi32, #tpu.memory_space<hbm>>) dst(%arg8 : memref<40x128xi32, #tpu.memory_space<vmem>>)
      tpu.yield
    }) : () -> ()
    %dma_start3A = arith.constant 0 : i32
    %dma_start3A_17 = arith.constant 0 : i32
    %dma_start3A_18 = tpu.memref_slice %arg7[%dma_start3A, %dma_start3A_17] : memref<40x128xi32, #tpu.memory_space<vmem>> -> memref<1x128xi32, #tpu.memory_space<vmem>>
    %dma_start3A_19 = tpu.memref_squeeze %dma_start3A_18 : memref<1x128xi32, #tpu.memory_space<vmem>> -> memref<128xi32, #tpu.memory_space<vmem>>
    %dma_start3A_20 = arith.constant 0 : i32
    %dma_start3A_21 = arith.constant 0 : i32
    %dma_start3A_22 = tpu.memref_slice %arg2[%dma_start3A_20, %dma_start3A_21] : memref<10000x128xf32, #tpu.memory_space<hbm>> -> memref<10000x128xf32, #tpu.memory_space<hbm>>
    tpu.enqueue_indirect_dma source(%dma_start3A_22 : memref<10000x128xf32, #tpu.memory_space<hbm>>) target(%arg9 : memref<128x128xf32, #tpu.memory_space<vmem>>) offsets(%dma_start3A_19 : memref<128xi32, #tpu.memory_space<vmem>>) semaphore(%arg12 : memref<!tpu.dma_semaphore, #tpu.memory_space<semaphore_mem>>)
    %scan3A = arith.constant 0 : i32
    %scan3A_23 = arith.constant 0 : i32
    %scan3A_24 = arith.constant 20 : i32
    %scan3A_25 = arith.addi %scan3A_23, %scan3A_24 : i32
    %scan3A_26 = arith.constant 1 : i32
    scf.for %scan3A_71 = %scan3A_23 to %scan3A_25 step %scan3A_26  : i32 {
      %mul3A_72 = arith.constant 2 : i32
      %mul3A_73 = arith.muli %mul3A_72, %scan3A_71 : i32
      %add3A_74 = arith.constant 1 : i32
      %add3A_75 = arith.addi %mul3A_73, %add3A_74 : i32
      %dma_start3A_76 = arith.constant 0 : i32
      %dma_start3A_77 = tpu.memref_slice %arg7[%add3A_75, %dma_start3A_76] : memref<40x128xi32, #tpu.memory_space<vmem>> -> memref<1x128xi32, #tpu.memory_space<vmem>>
      %dma_start3A_78 = tpu.memref_squeeze %dma_start3A_77 : memref<1x128xi32, #tpu.memory_space<vmem>> -> memref<128xi32, #tpu.memory_space<vmem>>
      %dma_start3A_79 = arith.constant 0 : i32
      %dma_start3A_80 = arith.constant 0 : i32
      %dma_start3A_81 = tpu.memref_slice %arg2[%dma_start3A_79, %dma_start3A_80] : memref<10000x128xf32, #tpu.memory_space<hbm>> -> memref<10000x128xf32, #tpu.memory_space<hbm>>
      tpu.enqueue_indirect_dma source(%dma_start3A_81 : memref<10000x128xf32, #tpu.memory_space<hbm>>) target(%arg10 : memref<128x128xf32, #tpu.memory_space<vmem>>) offsets(%dma_start3A_78 : memref<128xi32, #tpu.memory_space<vmem>>) semaphore(%arg13 : memref<!tpu.dma_semaphore, #tpu.memory_space<semaphore_mem>>)
      %dma_wait3A = arith.constant 0 : i32
      %dma_wait3A_82 = tpu.memref_slice %arg7[%mul3A_73, %dma_wait3A] : memref<40x128xi32, #tpu.memory_space<vmem>> -> memref<1x128xi32, #tpu.memory_space<vmem>>
      %dma_wait3A_83 = tpu.memref_squeeze %dma_wait3A_82 : memref<1x128xi32, #tpu.memory_space<vmem>> -> memref<128xi32, #tpu.memory_space<vmem>>
      %dma_wait3A_84 = arith.constant 0 : i32
      %dma_wait3A_85 = arith.constant 0 : i32
      %dma_wait3A_86 = tpu.memref_slice %arg2[%dma_wait3A_84, %dma_wait3A_85] : memref<10000x128xf32, #tpu.memory_space<hbm>> -> memref<10000x128xf32, #tpu.memory_space<hbm>>
      tpu.wait_indirect_dma semaphore(%arg12 : memref<!tpu.dma_semaphore, #tpu.memory_space<semaphore_mem>>) src(%dma_wait3A_86 : memref<10000x128xf32, #tpu.memory_space<hbm>>) dst(%arg9 : memref<128x128xf32, #tpu.memory_space<vmem>>)
      "tpu.region"() ({
        %run_scoped3A = tpu.sem_alloc : memref<!tpu.dma_semaphore, #tpu.memory_space<semaphore_mem>>
        %dma_start3A_99 = arith.constant 0 : i32
        %dma_start3A_100 = tpu.memref_slice %arg8[%mul3A_73, %dma_start3A_99] : memref<40x128xi32, #tpu.memory_space<vmem>> -> memref<1x128xi32, #tpu.memory_space<vmem>>
        %dma_start3A_101 = tpu.memref_squeeze %dma_start3A_100 : memref<1x128xi32, #tpu.memory_space<vmem>> -> memref<128xi32, #tpu.memory_space<vmem>>
        %dma_start3A_102 = arith.constant 0 : i32
        %dma_start3A_103 = arith.constant 0 : i32
        %dma_start3A_104 = tpu.memref_slice %arg11[%dma_start3A_102, %dma_start3A_103] : memref<10240x128xf32, #tpu.memory_space<vmem_shared>> -> memref<10240x128xf32, #tpu.memory_space<vmem_shared>>
        tpu.enqueue_indirect_dma source(%arg9 : memref<128x128xf32, #tpu.memory_space<vmem>>) target(%dma_start3A_104 : memref<10240x128xf32, #tpu.memory_space<vmem_shared>>) offsets(%dma_start3A_101 : memref<128xi32, #tpu.memory_space<vmem>>) semaphore(%run_scoped3A : memref<!tpu.dma_semaphore, #tpu.memory_space<semaphore_mem>>) {add = true}
        %dma_wait3A_105 = arith.constant 0 : i32
        %dma_wait3A_106 = tpu.memref_slice %arg8[%mul3A_73, %dma_wait3A_105] : memref<40x128xi32, #tpu.memory_space<vmem>> -> memref<1x128xi32, #tpu.memory_space<vmem>>
        %dma_wait3A_107 = tpu.memref_squeeze %dma_wait3A_106 : memref<1x128xi32, #tpu.memory_space<vmem>> -> memref<128xi32, #tpu.memory_space<vmem>>
        %dma_wait3A_108 = arith.constant 0 : i32
        %dma_wait3A_109 = arith.constant 0 : i32
        %dma_wait3A_110 = tpu.memref_slice %arg11[%dma_wait3A_108, %dma_wait3A_109] : memref<10240x128xf32, #tpu.memory_space<vmem_shared>> -> memref<10240x128xf32, #tpu.memory_space<vmem_shared>>
        tpu.wait_indirect_dma semaphore(%run_scoped3A : memref<!tpu.dma_semaphore, #tpu.memory_space<semaphore_mem>>) src(%arg9 : memref<128x128xf32, #tpu.memory_space<vmem>>) dst(%dma_wait3A_110 : memref<10240x128xf32, #tpu.memory_space<vmem_shared>>)
        tpu.yield
      }) : () -> ()
      %lt3A = arith.constant 19 : i32
      %lt3A_87 = arith.cmpi slt, %scan3A_71, %lt3A : i32
      %convert_element_type3A = arith.extui %lt3A_87 : i1 to i32
      %cond3A = arith.constant 0 : i32
      %cond3A_88 = arith.cmpi ne, %convert_element_type3A, %cond3A : i32
      scf.if %cond3A_88 {
        %add3A_99 = arith.constant 2 : i32
        %add3A_100 = arith.addi %mul3A_73, %add3A_99 : i32
        %dma_start3A_101 = arith.constant 0 : i32
        %dma_start3A_102 = tpu.memref_slice %arg7[%add3A_100, %dma_start3A_101] : memref<40x128xi32, #tpu.memory_space<vmem>> -> memref<1x128xi32, #tpu.memory_space<vmem>>
        %dma_start3A_103 = tpu.memref_squeeze %dma_start3A_102 : memref<1x128xi32, #tpu.memory_space<vmem>> -> memref<128xi32, #tpu.memory_space<vmem>>
        %dma_start3A_104 = arith.constant 0 : i32
        %dma_start3A_105 = arith.constant 0 : i32
        %dma_start3A_106 = tpu.memref_slice %arg2[%dma_start3A_104, %dma_start3A_105] : memref<10000x128xf32, #tpu.memory_space<hbm>> -> memref<10000x128xf32, #tpu.memory_space<hbm>>
        tpu.enqueue_indirect_dma source(%dma_start3A_106 : memref<10000x128xf32, #tpu.memory_space<hbm>>) target(%arg9 : memref<128x128xf32, #tpu.memory_space<vmem>>) offsets(%dma_start3A_103 : memref<128xi32, #tpu.memory_space<vmem>>) semaphore(%arg12 : memref<!tpu.dma_semaphore, #tpu.memory_space<semaphore_mem>>)
      } else {
      }
      %add3A_89 = arith.constant 1 : i32
      %add3A_90 = arith.addi %mul3A_73, %add3A_89 : i32
      %dma_wait3A_91 = arith.constant 0 : i32
      %dma_wait3A_92 = tpu.memref_slice %arg7[%add3A_90, %dma_wait3A_91] : memref<40x128xi32, #tpu.memory_space<vmem>> -> memref<1x128xi32, #tpu.memory_space<vmem>>
      %dma_wait3A_93 = tpu.memref_squeeze %dma_wait3A_92 : memref<1x128xi32, #tpu.memory_space<vmem>> -> memref<128xi32, #tpu.memory_space<vmem>>
      %dma_wait3A_94 = arith.constant 0 : i32
      %dma_wait3A_95 = arith.constant 0 : i32
      %dma_wait3A_96 = tpu.memref_slice %arg2[%dma_wait3A_94, %dma_wait3A_95] : memref<10000x128xf32, #tpu.memory_space<hbm>> -> memref<10000x128xf32, #tpu.memory_space<hbm>>
      tpu.wait_indirect_dma semaphore(%arg13 : memref<!tpu.dma_semaphore, #tpu.memory_space<semaphore_mem>>) src(%dma_wait3A_96 : memref<10000x128xf32, #tpu.memory_space<hbm>>) dst(%arg10 : memref<128x128xf32, #tpu.memory_space<vmem>>)
      %add3A_97 = arith.constant 1 : i32
      %add3A_98 = arith.addi %mul3A_73, %add3A_97 : i32
      "tpu.region"() ({
        %run_scoped3A = tpu.sem_alloc : memref<!tpu.dma_semaphore, #tpu.memory_space<semaphore_mem>>
        %dma_start3A_99 = arith.constant 0 : i32
        %dma_start3A_100 = tpu.memref_slice %arg8[%add3A_98, %dma_start3A_99] : memref<40x128xi32, #tpu.memory_space<vmem>> -> memref<1x128xi32, #tpu.memory_space<vmem>>
        %dma_start3A_101 = tpu.memref_squeeze %dma_start3A_100 : memref<1x128xi32, #tpu.memory_space<vmem>> -> memref<128xi32, #tpu.memory_space<vmem>>
        %dma_start3A_102 = arith.constant 0 : i32
        %dma_start3A_103 = arith.constant 0 : i32
        %dma_start3A_104 = tpu.memref_slice %arg11[%dma_start3A_102, %dma_start3A_103] : memref<10240x128xf32, #tpu.memory_space<vmem_shared>> -> memref<10240x128xf32, #tpu.memory_space<vmem_shared>>
        tpu.enqueue_indirect_dma source(%arg10 : memref<128x128xf32, #tpu.memory_space<vmem>>) target(%dma_start3A_104 : memref<10240x128xf32, #tpu.memory_space<vmem_shared>>) offsets(%dma_start3A_101 : memref<128xi32, #tpu.memory_space<vmem>>) semaphore(%run_scoped3A : memref<!tpu.dma_semaphore, #tpu.memory_space<semaphore_mem>>) {add = true}
        %dma_wait3A_105 = arith.constant 0 : i32
        %dma_wait3A_106 = tpu.memref_slice %arg8[%add3A_98, %dma_wait3A_105] : memref<40x128xi32, #tpu.memory_space<vmem>> -> memref<1x128xi32, #tpu.memory_space<vmem>>
        %dma_wait3A_107 = tpu.memref_squeeze %dma_wait3A_106 : memref<1x128xi32, #tpu.memory_space<vmem>> -> memref<128xi32, #tpu.memory_space<vmem>>
        %dma_wait3A_108 = arith.constant 0 : i32
        %dma_wait3A_109 = arith.constant 0 : i32
        %dma_wait3A_110 = tpu.memref_slice %arg11[%dma_wait3A_108, %dma_wait3A_109] : memref<10240x128xf32, #tpu.memory_space<vmem_shared>> -> memref<10240x128xf32, #tpu.memory_space<vmem_shared>>
        tpu.wait_indirect_dma semaphore(%run_scoped3A : memref<!tpu.dma_semaphore, #tpu.memory_space<semaphore_mem>>) src(%arg10 : memref<128x128xf32, #tpu.memory_space<vmem>>) dst(%dma_wait3A_110 : memref<10240x128xf32, #tpu.memory_space<vmem_shared>>)
        tpu.yield
      }) : () -> ()
    }
    %scan3A_27 = arith.constant 20 : i32
    %mul3A_28 = arith.constant 80 : i32
    %mul3A_29 = arith.muli %add3A, %mul3A_28 : i32
    %add3A_30 = arith.constant 40 : i32
    %add3A_31 = arith.addi %mul3A_29, %add3A_30 : i32
    "tpu.region"() ({
      %run_scoped3A = tpu.sem_alloc : memref<!tpu.dma_semaphore, #tpu.memory_space<semaphore_mem>>
      %dma_start3A_71 = arith.constant 0 : i32
      %dma_start3A_72 = tpu.memref_slice %arg3[%add3A_31, %dma_start3A_71] : memref<2560x128xi32, #tpu.memory_space<hbm>> -> memref<40x128xi32, #tpu.memory_space<hbm>>
      %dma_start3A_73 = arith.constant 0 : i32
      %dma_start3A_74 = tpu.memref_slice %arg3[%add3A_31, %dma_start3A_73] : memref<2560x128xi32, #tpu.memory_space<hbm>> -> memref<40x128xi32, #tpu.memory_space<hbm>>
      tpu.enqueue_dma source(%dma_start3A_74 : memref<40x128xi32, #tpu.memory_space<hbm>>) target(%arg7 : memref<40x128xi32, #tpu.memory_space<vmem>>) target_semaphore(%run_scoped3A : memref<!tpu.dma_semaphore, #tpu.memory_space<semaphore_mem>>)
      %dma_wait3A = arith.constant 0 : i32
      %dma_wait3A_75 = tpu.memref_slice %arg3[%add3A_31, %dma_wait3A] : memref<2560x128xi32, #tpu.memory_space<hbm>> -> memref<40x128xi32, #tpu.memory_space<hbm>>
      %dma_wait3A_76 = arith.constant 0 : i32
      %dma_wait3A_77 = tpu.memref_slice %arg3[%add3A_31, %dma_wait3A_76] : memref<2560x128xi32, #tpu.memory_space<hbm>> -> memref<40x128xi32, #tpu.memory_space<hbm>>
      tpu.wait_dma2 semaphore(%run_scoped3A : memref<!tpu.dma_semaphore, #tpu.memory_space<semaphore_mem>>) src(%dma_wait3A_77 : memref<40x128xi32, #tpu.memory_space<hbm>>) dst(%arg7 : memref<40x128xi32, #tpu.memory_space<vmem>>)
      tpu.yield
    }) : () -> ()
    "tpu.region"() ({
      %run_scoped3A = tpu.sem_alloc : memref<!tpu.dma_semaphore, #tpu.memory_space<semaphore_mem>>
      %dma_start3A_71 = arith.constant 0 : i32
      %dma_start3A_72 = tpu.memref_slice %arg4[%add3A_31, %dma_start3A_71] : memref<2560x128xi32, #tpu.memory_space<hbm>> -> memref<40x128xi32, #tpu.memory_space<hbm>>
      %dma_start3A_73 = arith.constant 0 : i32
      %dma_start3A_74 = tpu.memref_slice %arg4[%add3A_31, %dma_start3A_73] : memref<2560x128xi32, #tpu.memory_space<hbm>> -> memref<40x128xi32, #tpu.memory_space<hbm>>
      tpu.enqueue_dma source(%dma_start3A_74 : memref<40x128xi32, #tpu.memory_space<hbm>>) target(%arg8 : memref<40x128xi32, #tpu.memory_space<vmem>>) target_semaphore(%run_scoped3A : memref<!tpu.dma_semaphore, #tpu.memory_space<semaphore_mem>>)
      %dma_wait3A = arith.constant 0 : i32
      %dma_wait3A_75 = tpu.memref_slice %arg4[%add3A_31, %dma_wait3A] : memref<2560x128xi32, #tpu.memory_space<hbm>> -> memref<40x128xi32, #tpu.memory_space<hbm>>
      %dma_wait3A_76 = arith.constant 0 : i32
      %dma_wait3A_77 = tpu.memref_slice %arg4[%add3A_31, %dma_wait3A_76] : memref<2560x128xi32, #tpu.memory_space<hbm>> -> memref<40x128xi32, #tpu.memory_space<hbm>>
      tpu.wait_dma2 semaphore(%run_scoped3A : memref<!tpu.dma_semaphore, #tpu.memory_space<semaphore_mem>>) src(%dma_wait3A_77 : memref<40x128xi32, #tpu.memory_space<hbm>>) dst(%arg8 : memref<40x128xi32, #tpu.memory_space<vmem>>)
      tpu.yield
    }) : () -> ()
    %dma_start3A_32 = arith.constant 0 : i32
    %dma_start3A_33 = arith.constant 0 : i32
    %dma_start3A_34 = tpu.memref_slice %arg7[%dma_start3A_32, %dma_start3A_33] : memref<40x128xi32, #tpu.memory_space<vmem>> -> memref<1x128xi32, #tpu.memory_space<vmem>>
    %dma_start3A_35 = tpu.memref_squeeze %dma_start3A_34 : memref<1x128xi32, #tpu.memory_space<vmem>> -> memref<128xi32, #tpu.memory_space<vmem>>
    %dma_start3A_36 = arith.constant 0 : i32
    %dma_start3A_37 = arith.constant 0 : i32
    %dma_start3A_38 = tpu.memref_slice %arg2[%dma_start3A_36, %dma_start3A_37] : memref<10000x128xf32, #tpu.memory_space<hbm>> -> memref<10000x128xf32, #tpu.memory_space<hbm>>
    tpu.enqueue_indirect_dma source(%dma_start3A_38 : memref<10000x128xf32, #tpu.memory_space<hbm>>) target(%arg9 : memref<128x128xf32, #tpu.memory_space<vmem>>) offsets(%dma_start3A_35 : memref<128xi32, #tpu.memory_space<vmem>>) semaphore(%arg12 : memref<!tpu.dma_semaphore, #tpu.memory_space<semaphore_mem>>)
    %scan3A_39 = arith.constant 0 : i32
    %scan3A_40 = arith.constant 0 : i32
    %scan3A_41 = arith.constant 20 : i32
    %scan3A_42 = arith.addi %scan3A_40, %scan3A_41 : i32
    %scan3A_43 = arith.constant 1 : i32
    scf.for %scan3A_71 = %scan3A_40 to %scan3A_42 step %scan3A_43  : i32 {
      %mul3A_72 = arith.constant 2 : i32
      %mul3A_73 = arith.muli %mul3A_72, %scan3A_71 : i32
      %add3A_74 = arith.constant 1 : i32
      %add3A_75 = arith.addi %mul3A_73, %add3A_74 : i32
      %dma_start3A_76 = arith.constant 0 : i32
      %dma_start3A_77 = tpu.memref_slice %arg7[%add3A_75, %dma_start3A_76] : memref<40x128xi32, #tpu.memory_space<vmem>> -> memref<1x128xi32, #tpu.memory_space<vmem>>
      %dma_start3A_78 = tpu.memref_squeeze %dma_start3A_77 : memref<1x128xi32, #tpu.memory_space<vmem>> -> memref<128xi32, #tpu.memory_space<vmem>>
      %dma_start3A_79 = arith.constant 0 : i32
      %dma_start3A_80 = arith.constant 0 : i32
      %dma_start3A_81 = tpu.memref_slice %arg2[%dma_start3A_79, %dma_start3A_80] : memref<10000x128xf32, #tpu.memory_space<hbm>> -> memref<10000x128xf32, #tpu.memory_space<hbm>>
      tpu.enqueue_indirect_dma source(%dma_start3A_81 : memref<10000x128xf32, #tpu.memory_space<hbm>>) target(%arg10 : memref<128x128xf32, #tpu.memory_space<vmem>>) offsets(%dma_start3A_78 : memref<128xi32, #tpu.memory_space<vmem>>) semaphore(%arg13 : memref<!tpu.dma_semaphore, #tpu.memory_space<semaphore_mem>>)
      %dma_wait3A = arith.constant 0 : i32
      %dma_wait3A_82 = tpu.memref_slice %arg7[%mul3A_73, %dma_wait3A] : memref<40x128xi32, #tpu.memory_space<vmem>> -> memref<1x128xi32, #tpu.memory_space<vmem>>
      %dma_wait3A_83 = tpu.memref_squeeze %dma_wait3A_82 : memref<1x128xi32, #tpu.memory_space<vmem>> -> memref<128xi32, #tpu.memory_space<vmem>>
      %dma_wait3A_84 = arith.constant 0 : i32
      %dma_wait3A_85 = arith.constant 0 : i32
      %dma_wait3A_86 = tpu.memref_slice %arg2[%dma_wait3A_84, %dma_wait3A_85] : memref<10000x128xf32, #tpu.memory_space<hbm>> -> memref<10000x128xf32, #tpu.memory_space<hbm>>
      tpu.wait_indirect_dma semaphore(%arg12 : memref<!tpu.dma_semaphore, #tpu.memory_space<semaphore_mem>>) src(%dma_wait3A_86 : memref<10000x128xf32, #tpu.memory_space<hbm>>) dst(%arg9 : memref<128x128xf32, #tpu.memory_space<vmem>>)
      "tpu.region"() ({
        %run_scoped3A = tpu.sem_alloc : memref<!tpu.dma_semaphore, #tpu.memory_space<semaphore_mem>>
        %dma_start3A_99 = arith.constant 0 : i32
        %dma_start3A_100 = tpu.memref_slice %arg8[%mul3A_73, %dma_start3A_99] : memref<40x128xi32, #tpu.memory_space<vmem>> -> memref<1x128xi32, #tpu.memory_space<vmem>>
        %dma_start3A_101 = tpu.memref_squeeze %dma_start3A_100 : memref<1x128xi32, #tpu.memory_space<vmem>> -> memref<128xi32, #tpu.memory_space<vmem>>
        %dma_start3A_102 = arith.constant 0 : i32
        %dma_start3A_103 = arith.constant 0 : i32
        %dma_start3A_104 = tpu.memref_slice %arg11[%dma_start3A_102, %dma_start3A_103] : memref<10240x128xf32, #tpu.memory_space<vmem_shared>> -> memref<10240x128xf32, #tpu.memory_space<vmem_shared>>
        tpu.enqueue_indirect_dma source(%arg9 : memref<128x128xf32, #tpu.memory_space<vmem>>) target(%dma_start3A_104 : memref<10240x128xf32, #tpu.memory_space<vmem_shared>>) offsets(%dma_start3A_101 : memref<128xi32, #tpu.memory_space<vmem>>) semaphore(%run_scoped3A : memref<!tpu.dma_semaphore, #tpu.memory_space<semaphore_mem>>) {add = true}
        %dma_wait3A_105 = arith.constant 0 : i32
        %dma_wait3A_106 = tpu.memref_slice %arg8[%mul3A_73, %dma_wait3A_105] : memref<40x128xi32, #tpu.memory_space<vmem>> -> memref<1x128xi32, #tpu.memory_space<vmem>>
        %dma_wait3A_107 = tpu.memref_squeeze %dma_wait3A_106 : memref<1x128xi32, #tpu.memory_space<vmem>> -> memref<128xi32, #tpu.memory_space<vmem>>
        %dma_wait3A_108 = arith.constant 0 : i32
        %dma_wait3A_109 = arith.constant 0 : i32
        %dma_wait3A_110 = tpu.memref_slice %arg11[%dma_wait3A_108, %dma_wait3A_109] : memref<10240x128xf32, #tpu.memory_space<vmem_shared>> -> memref<10240x128xf32, #tpu.memory_space<vmem_shared>>
        tpu.wait_indirect_dma semaphore(%run_scoped3A : memref<!tpu.dma_semaphore, #tpu.memory_space<semaphore_mem>>) src(%arg9 : memref<128x128xf32, #tpu.memory_space<vmem>>) dst(%dma_wait3A_110 : memref<10240x128xf32, #tpu.memory_space<vmem_shared>>)
        tpu.yield
      }) : () -> ()
      %lt3A = arith.constant 19 : i32
      %lt3A_87 = arith.cmpi slt, %scan3A_71, %lt3A : i32
      %convert_element_type3A = arith.extui %lt3A_87 : i1 to i32
      %cond3A = arith.constant 0 : i32
      %cond3A_88 = arith.cmpi ne, %convert_element_type3A, %cond3A : i32
      scf.if %cond3A_88 {
        %add3A_99 = arith.constant 2 : i32
        %add3A_100 = arith.addi %mul3A_73, %add3A_99 : i32
        %dma_start3A_101 = arith.constant 0 : i32
        %dma_start3A_102 = tpu.memref_slice %arg7[%add3A_100, %dma_start3A_101] : memref<40x128xi32, #tpu.memory_space<vmem>> -> memref<1x128xi32, #tpu.memory_space<vmem>>
        %dma_start3A_103 = tpu.memref_squeeze %dma_start3A_102 : memref<1x128xi32, #tpu.memory_space<vmem>> -> memref<128xi32, #tpu.memory_space<vmem>>
        %dma_start3A_104 = arith.constant 0 : i32
        %dma_start3A_105 = arith.constant 0 : i32
        %dma_start3A_106 = tpu.memref_slice %arg2[%dma_start3A_104, %dma_start3A_105] : memref<10000x128xf32, #tpu.memory_space<hbm>> -> memref<10000x128xf32, #tpu.memory_space<hbm>>
        tpu.enqueue_indirect_dma source(%dma_start3A_106 : memref<10000x128xf32, #tpu.memory_space<hbm>>) target(%arg9 : memref<128x128xf32, #tpu.memory_space<vmem>>) offsets(%dma_start3A_103 : memref<128xi32, #tpu.memory_space<vmem>>) semaphore(%arg12 : memref<!tpu.dma_semaphore, #tpu.memory_space<semaphore_mem>>)
      } else {
      }
      %add3A_89 = arith.constant 1 : i32
      %add3A_90 = arith.addi %mul3A_73, %add3A_89 : i32
      %dma_wait3A_91 = arith.constant 0 : i32
      %dma_wait3A_92 = tpu.memref_slice %arg7[%add3A_90, %dma_wait3A_91] : memref<40x128xi32, #tpu.memory_space<vmem>> -> memref<1x128xi32, #tpu.memory_space<vmem>>
      %dma_wait3A_93 = tpu.memref_squeeze %dma_wait3A_92 : memref<1x128xi32, #tpu.memory_space<vmem>> -> memref<128xi32, #tpu.memory_space<vmem>>
      %dma_wait3A_94 = arith.constant 0 : i32
      %dma_wait3A_95 = arith.constant 0 : i32
      %dma_wait3A_96 = tpu.memref_slice %arg2[%dma_wait3A_94, %dma_wait3A_95] : memref<10000x128xf32, #tpu.memory_space<hbm>> -> memref<10000x128xf32, #tpu.memory_space<hbm>>
      tpu.wait_indirect_dma semaphore(%arg13 : memref<!tpu.dma_semaphore, #tpu.memory_space<semaphore_mem>>) src(%dma_wait3A_96 : memref<10000x128xf32, #tpu.memory_space<hbm>>) dst(%arg10 : memref<128x128xf32, #tpu.memory_space<vmem>>)
      %add3A_97 = arith.constant 1 : i32
      %add3A_98 = arith.addi %mul3A_73, %add3A_97 : i32
      "tpu.region"() ({
        %run_scoped3A = tpu.sem_alloc : memref<!tpu.dma_semaphore, #tpu.memory_space<semaphore_mem>>
        %dma_start3A_99 = arith.constant 0 : i32
        %dma_start3A_100 = tpu.memref_slice %arg8[%add3A_98, %dma_start3A_99] : memref<40x128xi32, #tpu.memory_space<vmem>> -> memref<1x128xi32, #tpu.memory_space<vmem>>
        %dma_start3A_101 = tpu.memref_squeeze %dma_start3A_100 : memref<1x128xi32, #tpu.memory_space<vmem>> -> memref<128xi32, #tpu.memory_space<vmem>>
        %dma_start3A_102 = arith.constant 0 : i32
        %dma_start3A_103 = arith.constant 0 : i32
        %dma_start3A_104 = tpu.memref_slice %arg11[%dma_start3A_102, %dma_start3A_103] : memref<10240x128xf32, #tpu.memory_space<vmem_shared>> -> memref<10240x128xf32, #tpu.memory_space<vmem_shared>>
        tpu.enqueue_indirect_dma source(%arg10 : memref<128x128xf32, #tpu.memory_space<vmem>>) target(%dma_start3A_104 : memref<10240x128xf32, #tpu.memory_space<vmem_shared>>) offsets(%dma_start3A_101 : memref<128xi32, #tpu.memory_space<vmem>>) semaphore(%run_scoped3A : memref<!tpu.dma_semaphore, #tpu.memory_space<semaphore_mem>>) {add = true}
        %dma_wait3A_105 = arith.constant 0 : i32
        %dma_wait3A_106 = tpu.memref_slice %arg8[%add3A_98, %dma_wait3A_105] : memref<40x128xi32, #tpu.memory_space<vmem>> -> memref<1x128xi32, #tpu.memory_space<vmem>>
        %dma_wait3A_107 = tpu.memref_squeeze %dma_wait3A_106 : memref<1x128xi32, #tpu.memory_space<vmem>> -> memref<128xi32, #tpu.memory_space<vmem>>
        %dma_wait3A_108 = arith.constant 0 : i32
        %dma_wait3A_109 = arith.constant 0 : i32
        %dma_wait3A_110 = tpu.memref_slice %arg11[%dma_wait3A_108, %dma_wait3A_109] : memref<10240x128xf32, #tpu.memory_space<vmem_shared>> -> memref<10240x128xf32, #tpu.memory_space<vmem_shared>>
        tpu.wait_indirect_dma semaphore(%run_scoped3A : memref<!tpu.dma_semaphore, #tpu.memory_space<semaphore_mem>>) src(%arg10 : memref<128x128xf32, #tpu.memory_space<vmem>>) dst(%dma_wait3A_110 : memref<10240x128xf32, #tpu.memory_space<vmem_shared>>)
        tpu.yield
      }) : () -> ()
    }
    %scan3A_44 = arith.constant 20 : i32
    %barrier3A_45 = arith.constant 0 : index
    tpu.barrier barrier_id(%barrier3A_45)
    %mul3A_46 = arith.constant 10240 : i32
    %mul3A_47 = arith.muli %arg0, %mul3A_46 : i32
    %mul3A_48 = arith.constant 640 : i32
    %mul3A_49 = arith.muli %arg1, %mul3A_48 : i32
    %add3A_50 = arith.addi %mul3A_47, %mul3A_49 : i32
    %add3A_51 = arith.constant 0 : i32
    %add3A_52 = arith.addi %mul3A_2, %add3A_51 : i32
    "tpu.region"() ({
      %run_scoped3A = tpu.sem_alloc : memref<!tpu.dma_semaphore, #tpu.memory_space<semaphore_mem>>
      %dma_start3A_71 = arith.constant 0 : i32
      %dma_start3A_72 = tpu.memref_slice %arg11[%add3A_52, %dma_start3A_71] : memref<10240x128xf32, #tpu.memory_space<vmem_shared>> -> memref<128x128xf32, #tpu.memory_space<vmem_shared>>
      %dma_start3A_73 = arith.constant 0 : i32
      %dma_start3A_74 = tpu.memref_slice %arg11[%add3A_52, %dma_start3A_73] : memref<10240x128xf32, #tpu.memory_space<vmem_shared>> -> memref<128x128xf32, #tpu.memory_space<vmem_shared>>
      tpu.enqueue_dma source(%dma_start3A_74 : memref<128x128xf32, #tpu.memory_space<vmem_shared>>) target(%arg9 : memref<128x128xf32, #tpu.memory_space<vmem>>) target_semaphore(%run_scoped3A : memref<!tpu.dma_semaphore, #tpu.memory_space<semaphore_mem>>)
      %dma_wait3A = arith.constant 0 : i32
      %dma_wait3A_75 = tpu.memref_slice %arg11[%add3A_52, %dma_wait3A] : memref<10240x128xf32, #tpu.memory_space<vmem_shared>> -> memref<128x128xf32, #tpu.memory_space<vmem_shared>>
      %dma_wait3A_76 = arith.constant 0 : i32
      %dma_wait3A_77 = tpu.memref_slice %arg11[%add3A_52, %dma_wait3A_76] : memref<10240x128xf32, #tpu.memory_space<vmem_shared>> -> memref<128x128xf32, #tpu.memory_space<vmem_shared>>
      tpu.wait_dma2 semaphore(%run_scoped3A : memref<!tpu.dma_semaphore, #tpu.memory_space<semaphore_mem>>) src(%dma_wait3A_77 : memref<128x128xf32, #tpu.memory_space<vmem_shared>>) dst(%arg9 : memref<128x128xf32, #tpu.memory_space<vmem>>)
      tpu.yield
    }) : () -> ()
    %add3A_53 = arith.constant 0 : i32
    %add3A_54 = arith.addi %add3A_50, %add3A_53 : i32
    "tpu.region"() ({
      %run_scoped3A = tpu.sem_alloc : memref<!tpu.dma_semaphore, #tpu.memory_space<semaphore_mem>>
      %dma_start3A_71 = arith.constant 0 : i32
      %dma_start3A_72 = tpu.memref_slice %arg6[%add3A_54, %dma_start3A_71] : memref<20480x128xf32, #tpu.memory_space<hbm>> -> memref<128x128xf32, #tpu.memory_space<hbm>>
      %dma_start3A_73 = arith.constant 0 : i32
      %dma_start3A_74 = tpu.memref_slice %arg6[%add3A_54, %dma_start3A_73] : memref<20480x128xf32, #tpu.memory_space<hbm>> -> memref<128x128xf32, #tpu.memory_space<hbm>>
      tpu.enqueue_dma source(%arg9 : memref<128x128xf32, #tpu.memory_space<vmem>>) target(%dma_start3A_74 : memref<128x128xf32, #tpu.memory_space<hbm>>) target_semaphore(%run_scoped3A : memref<!tpu.dma_semaphore, #tpu.memory_space<semaphore_mem>>)
      %dma_wait3A = arith.constant 0 : i32
      %dma_wait3A_75 = tpu.memref_slice %arg6[%add3A_54, %dma_wait3A] : memref<20480x128xf32, #tpu.memory_space<hbm>> -> memref<128x128xf32, #tpu.memory_space<hbm>>
      %dma_wait3A_76 = arith.constant 0 : i32
      %dma_wait3A_77 = tpu.memref_slice %arg6[%add3A_54, %dma_wait3A_76] : memref<20480x128xf32, #tpu.memory_space<hbm>> -> memref<128x128xf32, #tpu.memory_space<hbm>>
      tpu.wait_dma2 semaphore(%run_scoped3A : memref<!tpu.dma_semaphore, #tpu.memory_space<semaphore_mem>>) src(%arg9 : memref<128x128xf32, #tpu.memory_space<vmem>>) dst(%dma_wait3A_77 : memref<128x128xf32, #tpu.memory_space<hbm>>)
      tpu.yield
    }) : () -> ()
    %add3A_55 = arith.constant 128 : i32
    %add3A_56 = arith.addi %mul3A_2, %add3A_55 : i32
    "tpu.region"() ({
      %run_scoped3A = tpu.sem_alloc : memref<!tpu.dma_semaphore, #tpu.memory_space<semaphore_mem>>
      %dma_start3A_71 = arith.constant 0 : i32
      %dma_start3A_72 = tpu.memref_slice %arg11[%add3A_56, %dma_start3A_71] : memref<10240x128xf32, #tpu.memory_space<vmem_shared>> -> memref<128x128xf32, #tpu.memory_space<vmem_shared>>
      %dma_start3A_73 = arith.constant 0 : i32
      %dma_start3A_74 = tpu.memref_slice %arg11[%add3A_56, %dma_start3A_73] : memref<10240x128xf32, #tpu.memory_space<vmem_shared>> -> memref<128x128xf32, #tpu.memory_space<vmem_shared>>
      tpu.enqueue_dma source(%dma_start3A_74 : memref<128x128xf32, #tpu.memory_space<vmem_shared>>) target(%arg9 : memref<128x128xf32, #tpu.memory_space<vmem>>) target_semaphore(%run_scoped3A : memref<!tpu.dma_semaphore, #tpu.memory_space<semaphore_mem>>)
      %dma_wait3A = arith.constant 0 : i32
      %dma_wait3A_75 = tpu.memref_slice %arg11[%add3A_56, %dma_wait3A] : memref<10240x128xf32, #tpu.memory_space<vmem_shared>> -> memref<128x128xf32, #tpu.memory_space<vmem_shared>>
      %dma_wait3A_76 = arith.constant 0 : i32
      %dma_wait3A_77 = tpu.memref_slice %arg11[%add3A_56, %dma_wait3A_76] : memref<10240x128xf32, #tpu.memory_space<vmem_shared>> -> memref<128x128xf32, #tpu.memory_space<vmem_shared>>
      tpu.wait_dma2 semaphore(%run_scoped3A : memref<!tpu.dma_semaphore, #tpu.memory_space<semaphore_mem>>) src(%dma_wait3A_77 : memref<128x128xf32, #tpu.memory_space<vmem_shared>>) dst(%arg9 : memref<128x128xf32, #tpu.memory_space<vmem>>)
      tpu.yield
    }) : () -> ()
    %add3A_57 = arith.constant 128 : i32
    %add3A_58 = arith.addi %add3A_50, %add3A_57 : i32
    "tpu.region"() ({
      %run_scoped3A = tpu.sem_alloc : memref<!tpu.dma_semaphore, #tpu.memory_space<semaphore_mem>>
      %dma_start3A_71 = arith.constant 0 : i32
      %dma_start3A_72 = tpu.memref_slice %arg6[%add3A_58, %dma_start3A_71] : memref<20480x128xf32, #tpu.memory_space<hbm>> -> memref<128x128xf32, #tpu.memory_space<hbm>>
      %dma_start3A_73 = arith.constant 0 : i32
      %dma_start3A_74 = tpu.memref_slice %arg6[%add3A_58, %dma_start3A_73] : memref<20480x128xf32, #tpu.memory_space<hbm>> -> memref<128x128xf32, #tpu.memory_space<hbm>>
      tpu.enqueue_dma source(%arg9 : memref<128x128xf32, #tpu.memory_space<vmem>>) target(%dma_start3A_74 : memref<128x128xf32, #tpu.memory_space<hbm>>) target_semaphore(%run_scoped3A : memref<!tpu.dma_semaphore, #tpu.memory_space<semaphore_mem>>)
      %dma_wait3A = arith.constant 0 : i32
      %dma_wait3A_75 = tpu.memref_slice %arg6[%add3A_58, %dma_wait3A] : memref<20480x128xf32, #tpu.memory_space<hbm>> -> memref<128x128xf32, #tpu.memory_space<hbm>>
      %dma_wait3A_76 = arith.constant 0 : i32
      %dma_wait3A_77 = tpu.memref_slice %arg6[%add3A_58, %dma_wait3A_76] : memref<20480x128xf32, #tpu.memory_space<hbm>> -> memref<128x128xf32, #tpu.memory_space<hbm>>
      tpu.wait_dma2 semaphore(%run_scoped3A : memref<!tpu.dma_semaphore, #tpu.memory_space<semaphore_mem>>) src(%arg9 : memref<128x128xf32, #tpu.memory_space<vmem>>) dst(%dma_wait3A_77 : memref<128x128xf32, #tpu.memory_space<hbm>>)
      tpu.yield
    }) : () -> ()
    %add3A_59 = arith.constant 256 : i32
    %add3A_60 = arith.addi %mul3A_2, %add3A_59 : i32
    "tpu.region"() ({
      %run_scoped3A = tpu.sem_alloc : memref<!tpu.dma_semaphore, #tpu.memory_space<semaphore_mem>>
      %dma_start3A_71 = arith.constant 0 : i32
      %dma_start3A_72 = tpu.memref_slice %arg11[%add3A_60, %dma_start3A_71] : memref<10240x128xf32, #tpu.memory_space<vmem_shared>> -> memref<128x128xf32, #tpu.memory_space<vmem_shared>>
      %dma_start3A_73 = arith.constant 0 : i32
      %dma_start3A_74 = tpu.memref_slice %arg11[%add3A_60, %dma_start3A_73] : memref<10240x128xf32, #tpu.memory_space<vmem_shared>> -> memref<128x128xf32, #tpu.memory_space<vmem_shared>>
      tpu.enqueue_dma source(%dma_start3A_74 : memref<128x128xf32, #tpu.memory_space<vmem_shared>>) target(%arg9 : memref<128x128xf32, #tpu.memory_space<vmem>>) target_semaphore(%run_scoped3A : memref<!tpu.dma_semaphore, #tpu.memory_space<semaphore_mem>>)
      %dma_wait3A = arith.constant 0 : i32
      %dma_wait3A_75 = tpu.memref_slice %arg11[%add3A_60, %dma_wait3A] : memref<10240x128xf32, #tpu.memory_space<vmem_shared>> -> memref<128x128xf32, #tpu.memory_space<vmem_shared>>
      %dma_wait3A_76 = arith.constant 0 : i32
      %dma_wait3A_77 = tpu.memref_slice %arg11[%add3A_60, %dma_wait3A_76] : memref<10240x128xf32, #tpu.memory_space<vmem_shared>> -> memref<128x128xf32, #tpu.memory_space<vmem_shared>>
      tpu.wait_dma2 semaphore(%run_scoped3A : memref<!tpu.dma_semaphore, #tpu.memory_space<semaphore_mem>>) src(%dma_wait3A_77 : memref<128x128xf32, #tpu.memory_space<vmem_shared>>) dst(%arg9 : memref<128x128xf32, #tpu.memory_space<vmem>>)
      tpu.yield
    }) : () -> ()
    %add3A_61 = arith.constant 256 : i32
    %add3A_62 = arith.addi %add3A_50, %add3A_61 : i32
    "tpu.region"() ({
      %run_scoped3A = tpu.sem_alloc : memref<!tpu.dma_semaphore, #tpu.memory_space<semaphore_mem>>
      %dma_start3A_71 = arith.constant 0 : i32
      %dma_start3A_72 = tpu.memref_slice %arg6[%add3A_62, %dma_start3A_71] : memref<20480x128xf32, #tpu.memory_space<hbm>> -> memref<128x128xf32, #tpu.memory_space<hbm>>
      %dma_start3A_73 = arith.constant 0 : i32
      %dma_start3A_74 = tpu.memref_slice %arg6[%add3A_62, %dma_start3A_73] : memref<20480x128xf32, #tpu.memory_space<hbm>> -> memref<128x128xf32, #tpu.memory_space<hbm>>
      tpu.enqueue_dma source(%arg9 : memref<128x128xf32, #tpu.memory_space<vmem>>) target(%dma_start3A_74 : memref<128x128xf32, #tpu.memory_space<hbm>>) target_semaphore(%run_scoped3A : memref<!tpu.dma_semaphore, #tpu.memory_space<semaphore_mem>>)
      %dma_wait3A = arith.constant 0 : i32
      %dma_wait3A_75 = tpu.memref_slice %arg6[%add3A_62, %dma_wait3A] : memref<20480x128xf32, #tpu.memory_space<hbm>> -> memref<128x128xf32, #tpu.memory_space<hbm>>
      %dma_wait3A_76 = arith.constant 0 : i32
      %dma_wait3A_77 = tpu.memref_slice %arg6[%add3A_62, %dma_wait3A_76] : memref<20480x128xf32, #tpu.memory_space<hbm>> -> memref<128x128xf32, #tpu.memory_space<hbm>>
      tpu.wait_dma2 semaphore(%run_scoped3A : memref<!tpu.dma_semaphore, #tpu.memory_space<semaphore_mem>>) src(%arg9 : memref<128x128xf32, #tpu.memory_space<vmem>>) dst(%dma_wait3A_77 : memref<128x128xf32, #tpu.memory_space<hbm>>)
      tpu.yield
    }) : () -> ()
    %add3A_63 = arith.constant 384 : i32
    %add3A_64 = arith.addi %mul3A_2, %add3A_63 : i32
    "tpu.region"() ({
      %run_scoped3A = tpu.sem_alloc : memref<!tpu.dma_semaphore, #tpu.memory_space<semaphore_mem>>
      %dma_start3A_71 = arith.constant 0 : i32
      %dma_start3A_72 = tpu.memref_slice %arg11[%add3A_64, %dma_start3A_71] : memref<10240x128xf32, #tpu.memory_space<vmem_shared>> -> memref<128x128xf32, #tpu.memory_space<vmem_shared>>
      %dma_start3A_73 = arith.constant 0 : i32
      %dma_start3A_74 = tpu.memref_slice %arg11[%add3A_64, %dma_start3A_73] : memref<10240x128xf32, #tpu.memory_space<vmem_shared>> -> memref<128x128xf32, #tpu.memory_space<vmem_shared>>
      tpu.enqueue_dma source(%dma_start3A_74 : memref<128x128xf32, #tpu.memory_space<vmem_shared>>) target(%arg9 : memref<128x128xf32, #tpu.memory_space<vmem>>) target_semaphore(%run_scoped3A : memref<!tpu.dma_semaphore, #tpu.memory_space<semaphore_mem>>)
      %dma_wait3A = arith.constant 0 : i32
      %dma_wait3A_75 = tpu.memref_slice %arg11[%add3A_64, %dma_wait3A] : memref<10240x128xf32, #tpu.memory_space<vmem_shared>> -> memref<128x128xf32, #tpu.memory_space<vmem_shared>>
      %dma_wait3A_76 = arith.constant 0 : i32
      %dma_wait3A_77 = tpu.memref_slice %arg11[%add3A_64, %dma_wait3A_76] : memref<10240x128xf32, #tpu.memory_space<vmem_shared>> -> memref<128x128xf32, #tpu.memory_space<vmem_shared>>
      tpu.wait_dma2 semaphore(%run_scoped3A : memref<!tpu.dma_semaphore, #tpu.memory_space<semaphore_mem>>) src(%dma_wait3A_77 : memref<128x128xf32, #tpu.memory_space<vmem_shared>>) dst(%arg9 : memref<128x128xf32, #tpu.memory_space<vmem>>)
      tpu.yield
    }) : () -> ()
    %add3A_65 = arith.constant 384 : i32
    %add3A_66 = arith.addi %add3A_50, %add3A_65 : i32
    "tpu.region"() ({
      %run_scoped3A = tpu.sem_alloc : memref<!tpu.dma_semaphore, #tpu.memory_space<semaphore_mem>>
      %dma_start3A_71 = arith.constant 0 : i32
      %dma_start3A_72 = tpu.memref_slice %arg6[%add3A_66, %dma_start3A_71] : memref<20480x128xf32, #tpu.memory_space<hbm>> -> memref<128x128xf32, #tpu.memory_space<hbm>>
      %dma_start3A_73 = arith.constant 0 : i32
      %dma_start3A_74 = tpu.memref_slice %arg6[%add3A_66, %dma_start3A_73] : memref<20480x128xf32, #tpu.memory_space<hbm>> -> memref<128x128xf32, #tpu.memory_space<hbm>>
      tpu.enqueue_dma source(%arg9 : memref<128x128xf32, #tpu.memory_space<vmem>>) target(%dma_start3A_74 : memref<128x128xf32, #tpu.memory_space<hbm>>) target_semaphore(%run_scoped3A : memref<!tpu.dma_semaphore, #tpu.memory_space<semaphore_mem>>)
      %dma_wait3A = arith.constant 0 : i32
      %dma_wait3A_75 = tpu.memref_slice %arg6[%add3A_66, %dma_wait3A] : memref<20480x128xf32, #tpu.memory_space<hbm>> -> memref<128x128xf32, #tpu.memory_space<hbm>>
      %dma_wait3A_76 = arith.constant 0 : i32
      %dma_wait3A_77 = tpu.memref_slice %arg6[%add3A_66, %dma_wait3A_76] : memref<20480x128xf32, #tpu.memory_space<hbm>> -> memref<128x128xf32, #tpu.memory_space<hbm>>
      tpu.wait_dma2 semaphore(%run_scoped3A : memref<!tpu.dma_semaphore, #tpu.memory_space<semaphore_mem>>) src(%arg9 : memref<128x128xf32, #tpu.memory_space<vmem>>) dst(%dma_wait3A_77 : memref<128x128xf32, #tpu.memory_space<hbm>>)
      tpu.yield
    }) : () -> ()
    %add3A_67 = arith.constant 512 : i32
    %add3A_68 = arith.addi %mul3A_2, %add3A_67 : i32
    "tpu.region"() ({
      %run_scoped3A = tpu.sem_alloc : memref<!tpu.dma_semaphore, #tpu.memory_space<semaphore_mem>>
      %dma_start3A_71 = arith.constant 0 : i32
      %dma_start3A_72 = tpu.memref_slice %arg11[%add3A_68, %dma_start3A_71] : memref<10240x128xf32, #tpu.memory_space<vmem_shared>> -> memref<128x128xf32, #tpu.memory_space<vmem_shared>>
      %dma_start3A_73 = arith.constant 0 : i32
      %dma_start3A_74 = tpu.memref_slice %arg11[%add3A_68, %dma_start3A_73] : memref<10240x128xf32, #tpu.memory_space<vmem_shared>> -> memref<128x128xf32, #tpu.memory_space<vmem_shared>>
      tpu.enqueue_dma source(%dma_start3A_74 : memref<128x128xf32, #tpu.memory_space<vmem_shared>>) target(%arg9 : memref<128x128xf32, #tpu.memory_space<vmem>>) target_semaphore(%run_scoped3A : memref<!tpu.dma_semaphore, #tpu.memory_space<semaphore_mem>>)
      %dma_wait3A = arith.constant 0 : i32
      %dma_wait3A_75 = tpu.memref_slice %arg11[%add3A_68, %dma_wait3A] : memref<10240x128xf32, #tpu.memory_space<vmem_shared>> -> memref<128x128xf32, #tpu.memory_space<vmem_shared>>
      %dma_wait3A_76 = arith.constant 0 : i32
      %dma_wait3A_77 = tpu.memref_slice %arg11[%add3A_68, %dma_wait3A_76] : memref<10240x128xf32, #tpu.memory_space<vmem_shared>> -> memref<128x128xf32, #tpu.memory_space<vmem_shared>>
      tpu.wait_dma2 semaphore(%run_scoped3A : memref<!tpu.dma_semaphore, #tpu.memory_space<semaphore_mem>>) src(%dma_wait3A_77 : memref<128x128xf32, #tpu.memory_space<vmem_shared>>) dst(%arg9 : memref<128x128xf32, #tpu.memory_space<vmem>>)
      tpu.yield
    }) : () -> ()
    %add3A_69 = arith.constant 512 : i32
    %add3A_70 = arith.addi %add3A_50, %add3A_69 : i32
    "tpu.region"() ({
      %run_scoped3A = tpu.sem_alloc : memref<!tpu.dma_semaphore, #tpu.memory_space<semaphore_mem>>
      %dma_start3A_71 = arith.constant 0 : i32
      %dma_start3A_72 = tpu.memref_slice %arg6[%add3A_70, %dma_start3A_71] : memref<20480x128xf32, #tpu.memory_space<hbm>> -> memref<128x128xf32, #tpu.memory_space<hbm>>
      %dma_start3A_73 = arith.constant 0 : i32
      %dma_start3A_74 = tpu.memref_slice %arg6[%add3A_70, %dma_start3A_73] : memref<20480x128xf32, #tpu.memory_space<hbm>> -> memref<128x128xf32, #tpu.memory_space<hbm>>
      tpu.enqueue_dma source(%arg9 : memref<128x128xf32, #tpu.memory_space<vmem>>) target(%dma_start3A_74 : memref<128x128xf32, #tpu.memory_space<hbm>>) target_semaphore(%run_scoped3A : memref<!tpu.dma_semaphore, #tpu.memory_space<semaphore_mem>>)
      %dma_wait3A = arith.constant 0 : i32
      %dma_wait3A_75 = tpu.memref_slice %arg6[%add3A_70, %dma_wait3A] : memref<20480x128xf32, #tpu.memory_space<hbm>> -> memref<128x128xf32, #tpu.memory_space<hbm>>
      %dma_wait3A_76 = arith.constant 0 : i32
      %dma_wait3A_77 = tpu.memref_slice %arg6[%add3A_70, %dma_wait3A_76] : memref<20480x128xf32, #tpu.memory_space<hbm>> -> memref<128x128xf32, #tpu.memory_space<hbm>>
      tpu.wait_dma2 semaphore(%run_scoped3A : memref<!tpu.dma_semaphore, #tpu.memory_space<semaphore_mem>>) src(%arg9 : memref<128x128xf32, #tpu.memory_space<vmem>>) dst(%dma_wait3A_77 : memref<128x128xf32, #tpu.memory_space<hbm>>)
      tpu.yield
    }) : () -> ()
    return
  }
}

#map = affine_map<(d0, d1) -> (0)>
#map1 = affine_map<(d0, d1) -> (0, 0)>
module attributes {stable_mosaic.version = 14 : i64} {
  func.func @_degrees(%arg0: i32, %arg1: i32, %arg2: memref<327680xi32, #tpu.memory_space<hbm>>, %arg3: memref<128x128xf32, #tpu.memory_space<hbm>>, %arg4: memref<80xi32, #tpu.memory_space<hbm>>, %arg5: memref<160x128xf32, #tpu.memory_space<hbm>>, %arg6: memref<10240xi32, #tpu.memory_space<vmem>>, %arg7: memref<80x128xf32, #tpu.memory_space<vmem>>, %arg8: memref<80xi32, #tpu.memory_space<vmem>>, %arg9: memref<80x128xf32, #tpu.memory_space<vmem_shared>>, %arg10: memref<!tpu.dma_semaphore, #tpu.memory_space<semaphore_mem>>) attributes {dimension_semantics = [#tpu.dimension_semantics<core_parallel>, #tpu.dimension_semantics<subcore_parallel>], iteration_bounds = array<i64: 2, 16>, scalar_prefetch = 0 : i64, scratch_operands = 5 : i64, tpu.core_type = #tpu.core_type<sc_vector_subcore>, window_params = [{transform_indices = #map}, {transform_indices = #map1}, {transform_indices = #map}, {transform_indices = #map1}]} {
    %mul3A = arith.constant 16 : i32
    %mul3A_0 = arith.muli %arg0, %mul3A : i32
    %add3A = arith.addi %mul3A_0, %arg1 : i32
    "tpu.region"() ({
      %run_scoped3A = tpu.sem_alloc : memref<!tpu.dma_semaphore, #tpu.memory_space<semaphore_mem>>
      %dma_start3A = arith.constant 0 : i32
      %dma_start3A_17 = arith.constant 0 : i32
      %dma_start3A_18 = tpu.memref_slice %arg3[%dma_start3A, %dma_start3A_17] : memref<128x128xf32, #tpu.memory_space<hbm>> -> memref<80x128xf32, #tpu.memory_space<hbm>>
      %dma_start3A_19 = arith.constant 0 : i32
      %dma_start3A_20 = arith.constant 0 : i32
      %dma_start3A_21 = tpu.memref_slice %arg3[%dma_start3A_19, %dma_start3A_20] : memref<128x128xf32, #tpu.memory_space<hbm>> -> memref<80x128xf32, #tpu.memory_space<hbm>>
      tpu.enqueue_dma source(%dma_start3A_21 : memref<80x128xf32, #tpu.memory_space<hbm>>) target(%arg7 : memref<80x128xf32, #tpu.memory_space<vmem>>) target_semaphore(%run_scoped3A : memref<!tpu.dma_semaphore, #tpu.memory_space<semaphore_mem>>)
      %dma_wait3A = arith.constant 0 : i32
      %dma_wait3A_22 = arith.constant 0 : i32
      %dma_wait3A_23 = tpu.memref_slice %arg3[%dma_wait3A, %dma_wait3A_22] : memref<128x128xf32, #tpu.memory_space<hbm>> -> memref<80x128xf32, #tpu.memory_space<hbm>>
      %dma_wait3A_24 = arith.constant 0 : i32
      %dma_wait3A_25 = arith.constant 0 : i32
      %dma_wait3A_26 = tpu.memref_slice %arg3[%dma_wait3A_24, %dma_wait3A_25] : memref<128x128xf32, #tpu.memory_space<hbm>> -> memref<80x128xf32, #tpu.memory_space<hbm>>
      tpu.wait_dma2 semaphore(%run_scoped3A : memref<!tpu.dma_semaphore, #tpu.memory_space<semaphore_mem>>) src(%dma_wait3A_26 : memref<80x128xf32, #tpu.memory_space<hbm>>) dst(%arg7 : memref<80x128xf32, #tpu.memory_space<vmem>>)
      tpu.yield
    }) : () -> ()
    %eq3A = arith.constant 0 : i32
    %eq3A_1 = arith.cmpi eq, %arg1, %eq3A : i32
    %convert_element_type3A = arith.extui %eq3A_1 : i1 to i32
    %cond3A = arith.constant 0 : i32
    %cond3A_2 = arith.cmpi ne, %convert_element_type3A, %cond3A : i32
    scf.if %cond3A_2 {
      "tpu.region"() ({
        %run_scoped3A = tpu.sem_alloc : memref<!tpu.dma_semaphore, #tpu.memory_space<semaphore_mem>>
        %dma_start3A = arith.constant 0 : i32
        %dma_start3A_17 = arith.constant 0 : i32
        %dma_start3A_18 = tpu.memref_slice %arg3[%dma_start3A, %dma_start3A_17] : memref<128x128xf32, #tpu.memory_space<hbm>> -> memref<80x128xf32, #tpu.memory_space<hbm>>
        tpu.enqueue_dma source(%dma_start3A_18 : memref<80x128xf32, #tpu.memory_space<hbm>>) target(%arg9 : memref<80x128xf32, #tpu.memory_space<vmem_shared>>) target_semaphore(%run_scoped3A : memref<!tpu.dma_semaphore, #tpu.memory_space<semaphore_mem>>)
        %dma_wait3A = arith.constant 0 : i32
        %dma_wait3A_19 = arith.constant 0 : i32
        %dma_wait3A_20 = tpu.memref_slice %arg3[%dma_wait3A, %dma_wait3A_19] : memref<128x128xf32, #tpu.memory_space<hbm>> -> memref<80x128xf32, #tpu.memory_space<hbm>>
        tpu.wait_dma2 semaphore(%run_scoped3A : memref<!tpu.dma_semaphore, #tpu.memory_space<semaphore_mem>>) src(%dma_wait3A_20 : memref<80x128xf32, #tpu.memory_space<hbm>>) dst(%arg9 : memref<80x128xf32, #tpu.memory_space<vmem_shared>>)
        tpu.yield
      }) : () -> ()
    } else {
    }
    %mul3A_3 = arith.constant 10240 : i32
    %mul3A_4 = arith.muli %add3A, %mul3A_3 : i32
    "tpu.region"() ({
      %run_scoped3A = tpu.sem_alloc : memref<!tpu.dma_semaphore, #tpu.memory_space<semaphore_mem>>
      %dma_start3A = tpu.memref_slice %arg2[%mul3A_4] : memref<327680xi32, #tpu.memory_space<hbm>> -> memref<10240xi32, #tpu.memory_space<hbm>>
      %dma_start3A_17 = tpu.memref_slice %arg2[%mul3A_4] : memref<327680xi32, #tpu.memory_space<hbm>> -> memref<10240xi32, #tpu.memory_space<hbm>>
      tpu.enqueue_dma source(%dma_start3A_17 : memref<10240xi32, #tpu.memory_space<hbm>>) target(%arg6 : memref<10240xi32, #tpu.memory_space<vmem>>) target_semaphore(%run_scoped3A : memref<!tpu.dma_semaphore, #tpu.memory_space<semaphore_mem>>)
      %dma_wait3A = tpu.memref_slice %arg2[%mul3A_4] : memref<327680xi32, #tpu.memory_space<hbm>> -> memref<10240xi32, #tpu.memory_space<hbm>>
      %dma_wait3A_18 = tpu.memref_slice %arg2[%mul3A_4] : memref<327680xi32, #tpu.memory_space<hbm>> -> memref<10240xi32, #tpu.memory_space<hbm>>
      tpu.wait_dma2 semaphore(%run_scoped3A : memref<!tpu.dma_semaphore, #tpu.memory_space<semaphore_mem>>) src(%dma_wait3A_18 : memref<10240xi32, #tpu.memory_space<hbm>>) dst(%arg6 : memref<10240xi32, #tpu.memory_space<vmem>>)
      tpu.yield
    }) : () -> ()
    "tpu.region"() ({
      %run_scoped3A = tpu.sem_alloc : memref<!tpu.dma_semaphore, #tpu.memory_space<semaphore_mem>>
      tpu.enqueue_dma source(%arg4 : memref<80xi32, #tpu.memory_space<hbm>>) target(%arg8 : memref<80xi32, #tpu.memory_space<vmem>>) target_semaphore(%run_scoped3A : memref<!tpu.dma_semaphore, #tpu.memory_space<semaphore_mem>>)
      tpu.wait_dma2 semaphore(%run_scoped3A : memref<!tpu.dma_semaphore, #tpu.memory_space<semaphore_mem>>) src(%arg4 : memref<80xi32, #tpu.memory_space<hbm>>) dst(%arg8 : memref<80xi32, #tpu.memory_space<vmem>>)
      tpu.yield
    }) : () -> ()
    %barrier3A = arith.constant 0 : index
    tpu.barrier barrier_id(%barrier3A)
    %broadcast_in_dim3A = arith.constant 1.000000e+00 : f32
    %broadcast_in_dim3A_5 = vector.broadcast %broadcast_in_dim3A : f32 to vector<16xf32>
    %scan3A = arith.constant 0 : i32
    %scan3A_6 = arith.constant 0 : i32
    %scan3A_7 = arith.constant 640 : i32
    %scan3A_8 = arith.addi %scan3A_6, %scan3A_7 : i32
    %scan3A_9 = arith.constant 1 : i32
    scf.for %scan3A_17 = %scan3A_6 to %scan3A_8 step %scan3A_9  : i32 {
      %mul3A_18 = arith.constant 16 : i32
      %mul3A_19 = arith.muli %scan3A_17, %mul3A_18 : i32
      %get3A = arith.index_cast %mul3A_19 : i32 to index
      %get3A_20 = tpu.vector_load %arg6[%get3A] {strides = array<i32>} : memref<10240xi32, #tpu.memory_space<vmem>>, vector<16xi32>,
      %shift_right_logical3A = arith.constant 7 : i32
      %shift_right_logical3A_21 = vector.broadcast %shift_right_logical3A : i32 to vector<16xi32>
      %shift_right_logical3A_22 = arith.shrui %get3A_20, %shift_right_logical3A_21 : vector<16xi32>
      %and3A = arith.constant 127 : i32
      %and3A_23 = vector.broadcast %and3A : i32 to vector<16xi32>
      %and3A_24 = arith.andi %get3A_20, %and3A_23 : vector<16xi32>
      tpu.vector_store_idx %arg7[%shift_right_logical3A_22, %and3A_24], %broadcast_in_dim3A_5 {add = true} : memref<80x128xf32, #tpu.memory_space<vmem>>[vector<16xi32>, vector<16xi32>], vector<16xf32>,
    }
    %scan3A_10 = arith.constant 640 : i32
    "tpu.region"() ({
      %run_scoped3A = tpu.sem_alloc : memref<!tpu.dma_semaphore, #tpu.memory_space<semaphore_mem>>
      %dma_start3A = arith.constant 0 : i32
      %dma_start3A_17 = arith.constant 0 : i32
      %dma_start3A_18 = tpu.memref_slice %arg9[%dma_start3A, %dma_start3A_17] : memref<80x128xf32, #tpu.memory_space<vmem_shared>> -> memref<80x128xf32, #tpu.memory_space<vmem_shared>>
      tpu.enqueue_indirect_dma source(%arg7 : memref<80x128xf32, #tpu.memory_space<vmem>>) target(%dma_start3A_18 : memref<80x128xf32, #tpu.memory_space<vmem_shared>>) offsets(%arg8 : memref<80xi32, #tpu.memory_space<vmem>>) semaphore(%run_scoped3A : memref<!tpu.dma_semaphore, #tpu.memory_space<semaphore_mem>>) {add = true}
      %dma_wait3A = arith.constant 0 : i32
      %dma_wait3A_19 = arith.constant 0 : i32
      %dma_wait3A_20 = tpu.memref_slice %arg9[%dma_wait3A, %dma_wait3A_19] : memref<80x128xf32, #tpu.memory_space<vmem_shared>> -> memref<80x128xf32, #tpu.memory_space<vmem_shared>>
      tpu.wait_indirect_dma semaphore(%run_scoped3A : memref<!tpu.dma_semaphore, #tpu.memory_space<semaphore_mem>>) src(%arg7 : memref<80x128xf32, #tpu.memory_space<vmem>>) dst(%dma_wait3A_20 : memref<80x128xf32, #tpu.memory_space<vmem_shared>>)
      tpu.yield
    }) : () -> ()
    %barrier3A_11 = arith.constant 0 : index
    tpu.barrier barrier_id(%barrier3A_11)
    %eq3A_12 = arith.constant 0 : i32
    %eq3A_13 = arith.cmpi eq, %arg1, %eq3A_12 : i32
    %convert_element_type3A_14 = arith.extui %eq3A_13 : i1 to i32
    %cond3A_15 = arith.constant 0 : i32
    %cond3A_16 = arith.cmpi ne, %convert_element_type3A_14, %cond3A_15 : i32
    scf.if %cond3A_16 {
      "tpu.region"() ({
        %run_scoped3A = tpu.sem_alloc : memref<!tpu.dma_semaphore, #tpu.memory_space<semaphore_mem>>
        tpu.enqueue_dma source(%arg9 : memref<80x128xf32, #tpu.memory_space<vmem_shared>>) target(%arg7 : memref<80x128xf32, #tpu.memory_space<vmem>>) target_semaphore(%run_scoped3A : memref<!tpu.dma_semaphore, #tpu.memory_space<semaphore_mem>>)
        tpu.wait_dma2 semaphore(%run_scoped3A : memref<!tpu.dma_semaphore, #tpu.memory_space<semaphore_mem>>) src(%arg9 : memref<80x128xf32, #tpu.memory_space<vmem_shared>>) dst(%arg7 : memref<80x128xf32, #tpu.memory_space<vmem>>)
        tpu.yield
      }) : () -> ()
      %mul3A_17 = arith.constant 80 : i32
      %mul3A_18 = arith.muli %arg0, %mul3A_17 : i32
      "tpu.region"() ({
        %run_scoped3A = tpu.sem_alloc : memref<!tpu.dma_semaphore, #tpu.memory_space<semaphore_mem>>
        %dma_start3A = arith.constant 0 : i32
        %dma_start3A_19 = tpu.memref_slice %arg5[%mul3A_18, %dma_start3A] : memref<160x128xf32, #tpu.memory_space<hbm>> -> memref<80x128xf32, #tpu.memory_space<hbm>>
        %dma_start3A_20 = arith.constant 0 : i32
        %dma_start3A_21 = tpu.memref_slice %arg5[%mul3A_18, %dma_start3A_20] : memref<160x128xf32, #tpu.memory_space<hbm>> -> memref<80x128xf32, #tpu.memory_space<hbm>>
        tpu.enqueue_dma source(%arg7 : memref<80x128xf32, #tpu.memory_space<vmem>>) target(%dma_start3A_21 : memref<80x128xf32, #tpu.memory_space<hbm>>) target_semaphore(%run_scoped3A : memref<!tpu.dma_semaphore, #tpu.memory_space<semaphore_mem>>)
        %dma_wait3A = arith.constant 0 : i32
        %dma_wait3A_22 = tpu.memref_slice %arg5[%mul3A_18, %dma_wait3A] : memref<160x128xf32, #tpu.memory_space<hbm>> -> memref<80x128xf32, #tpu.memory_space<hbm>>
        %dma_wait3A_23 = arith.constant 0 : i32
        %dma_wait3A_24 = tpu.memref_slice %arg5[%mul3A_18, %dma_wait3A_23] : memref<160x128xf32, #tpu.memory_space<hbm>> -> memref<80x128xf32, #tpu.memory_space<hbm>>
        tpu.wait_dma2 semaphore(%run_scoped3A : memref<!tpu.dma_semaphore, #tpu.memory_space<semaphore_mem>>) src(%arg7 : memref<80x128xf32, #tpu.memory_space<vmem>>) dst(%dma_wait3A_24 : memref<80x128xf32, #tpu.memory_space<hbm>>)
        tpu.yield
      }) : () -> ()
    } else {
    }
    return
  }
}

#map = affine_map<(d0, d1) -> (0, 0)>
module attributes {stable_mosaic.version = 14 : i64} {
  func.func @_aggregate(%arg0: i32, %arg1: i32, %arg2: memref<10240x128xf32, #tpu.memory_space<hbm>>, %arg3: memref<2560x128xi32, #tpu.memory_space<hbm>>, %arg4: memref<2560x128xi32, #tpu.memory_space<hbm>>, %arg5: memref<128x128xf32, #tpu.memory_space<hbm>>, %arg6: memref<20480x128xf32, #tpu.memory_space<hbm>>, %arg7: memref<40x128xi32, #tpu.memory_space<vmem>>, %arg8: memref<40x128xi32, #tpu.memory_space<vmem>>, %arg9: memref<128x128xf32, #tpu.memory_space<vmem>>, %arg10: memref<128x128xf32, #tpu.memory_space<vmem>>, %arg11: memref<10240x128xf32, #tpu.memory_space<vmem_shared>>, %arg12: memref<!tpu.dma_semaphore, #tpu.memory_space<semaphore_mem>>, %arg13: memref<!tpu.dma_semaphore, #tpu.memory_space<semaphore_mem>>) attributes {dimension_semantics = [#tpu.dimension_semantics<core_parallel>, #tpu.dimension_semantics<subcore_parallel>], iteration_bounds = array<i64: 2, 16>, scalar_prefetch = 0 : i64, scratch_operands = 7 : i64, tpu.core_type = #tpu.core_type<sc_vector_subcore>, window_params = [{transform_indices = #map}, {transform_indices = #map}, {transform_indices = #map}, {transform_indices = #map}, {transform_indices = #map}]} {
    %mul3A = arith.constant 16 : i32
    %mul3A_0 = arith.muli %arg0, %mul3A : i32
    %add3A = arith.addi %mul3A_0, %arg1 : i32
    %mul3A_1 = arith.constant 640 : i32
    %mul3A_2 = arith.muli %arg1, %mul3A_1 : i32
    "tpu.region"() ({
      %run_scoped3A = tpu.sem_alloc : memref<!tpu.dma_semaphore, #tpu.memory_space<semaphore_mem>>
      tpu.enqueue_dma source(%arg5 : memref<128x128xf32, #tpu.memory_space<hbm>>) target(%arg9 : memref<128x128xf32, #tpu.memory_space<vmem>>) target_semaphore(%run_scoped3A : memref<!tpu.dma_semaphore, #tpu.memory_space<semaphore_mem>>)
      tpu.wait_dma2 semaphore(%run_scoped3A : memref<!tpu.dma_semaphore, #tpu.memory_space<semaphore_mem>>) src(%arg5 : memref<128x128xf32, #tpu.memory_space<hbm>>) dst(%arg9 : memref<128x128xf32, #tpu.memory_space<vmem>>)
      tpu.yield
    }) : () -> ()
    %add3A_3 = arith.constant 0 : i32
    %add3A_4 = arith.addi %mul3A_2, %add3A_3 : i32
    "tpu.region"() ({
      %run_scoped3A = tpu.sem_alloc : memref<!tpu.dma_semaphore, #tpu.memory_space<semaphore_mem>>
      %dma_start3A_71 = arith.constant 0 : i32
      %dma_start3A_72 = tpu.memref_slice %arg11[%add3A_4, %dma_start3A_71] : memref<10240x128xf32, #tpu.memory_space<vmem_shared>> -> memref<128x128xf32, #tpu.memory_space<vmem_shared>>
      %dma_start3A_73 = arith.constant 0 : i32
      %dma_start3A_74 = tpu.memref_slice %arg11[%add3A_4, %dma_start3A_73] : memref<10240x128xf32, #tpu.memory_space<vmem_shared>> -> memref<128x128xf32, #tpu.memory_space<vmem_shared>>
      tpu.enqueue_dma source(%arg9 : memref<128x128xf32, #tpu.memory_space<vmem>>) target(%dma_start3A_74 : memref<128x128xf32, #tpu.memory_space<vmem_shared>>) target_semaphore(%run_scoped3A : memref<!tpu.dma_semaphore, #tpu.memory_space<semaphore_mem>>)
      %dma_wait3A = arith.constant 0 : i32
      %dma_wait3A_75 = tpu.memref_slice %arg11[%add3A_4, %dma_wait3A] : memref<10240x128xf32, #tpu.memory_space<vmem_shared>> -> memref<128x128xf32, #tpu.memory_space<vmem_shared>>
      %dma_wait3A_76 = arith.constant 0 : i32
      %dma_wait3A_77 = tpu.memref_slice %arg11[%add3A_4, %dma_wait3A_76] : memref<10240x128xf32, #tpu.memory_space<vmem_shared>> -> memref<128x128xf32, #tpu.memory_space<vmem_shared>>
      tpu.wait_dma2 semaphore(%run_scoped3A : memref<!tpu.dma_semaphore, #tpu.memory_space<semaphore_mem>>) src(%arg9 : memref<128x128xf32, #tpu.memory_space<vmem>>) dst(%dma_wait3A_77 : memref<128x128xf32, #tpu.memory_space<vmem_shared>>)
      tpu.yield
    }) : () -> ()
    %add3A_5 = arith.constant 128 : i32
    %add3A_6 = arith.addi %mul3A_2, %add3A_5 : i32
    "tpu.region"() ({
      %run_scoped3A = tpu.sem_alloc : memref<!tpu.dma_semaphore, #tpu.memory_space<semaphore_mem>>
      %dma_start3A_71 = arith.constant 0 : i32
      %dma_start3A_72 = tpu.memref_slice %arg11[%add3A_6, %dma_start3A_71] : memref<10240x128xf32, #tpu.memory_space<vmem_shared>> -> memref<128x128xf32, #tpu.memory_space<vmem_shared>>
      %dma_start3A_73 = arith.constant 0 : i32
      %dma_start3A_74 = tpu.memref_slice %arg11[%add3A_6, %dma_start3A_73] : memref<10240x128xf32, #tpu.memory_space<vmem_shared>> -> memref<128x128xf32, #tpu.memory_space<vmem_shared>>
      tpu.enqueue_dma source(%arg9 : memref<128x128xf32, #tpu.memory_space<vmem>>) target(%dma_start3A_74 : memref<128x128xf32, #tpu.memory_space<vmem_shared>>) target_semaphore(%run_scoped3A : memref<!tpu.dma_semaphore, #tpu.memory_space<semaphore_mem>>)
      %dma_wait3A = arith.constant 0 : i32
      %dma_wait3A_75 = tpu.memref_slice %arg11[%add3A_6, %dma_wait3A] : memref<10240x128xf32, #tpu.memory_space<vmem_shared>> -> memref<128x128xf32, #tpu.memory_space<vmem_shared>>
      %dma_wait3A_76 = arith.constant 0 : i32
      %dma_wait3A_77 = tpu.memref_slice %arg11[%add3A_6, %dma_wait3A_76] : memref<10240x128xf32, #tpu.memory_space<vmem_shared>> -> memref<128x128xf32, #tpu.memory_space<vmem_shared>>
      tpu.wait_dma2 semaphore(%run_scoped3A : memref<!tpu.dma_semaphore, #tpu.memory_space<semaphore_mem>>) src(%arg9 : memref<128x128xf32, #tpu.memory_space<vmem>>) dst(%dma_wait3A_77 : memref<128x128xf32, #tpu.memory_space<vmem_shared>>)
      tpu.yield
    }) : () -> ()
    %add3A_7 = arith.constant 256 : i32
    %add3A_8 = arith.addi %mul3A_2, %add3A_7 : i32
    "tpu.region"() ({
      %run_scoped3A = tpu.sem_alloc : memref<!tpu.dma_semaphore, #tpu.memory_space<semaphore_mem>>
      %dma_start3A_71 = arith.constant 0 : i32
      %dma_start3A_72 = tpu.memref_slice %arg11[%add3A_8, %dma_start3A_71] : memref<10240x128xf32, #tpu.memory_space<vmem_shared>> -> memref<128x128xf32, #tpu.memory_space<vmem_shared>>
      %dma_start3A_73 = arith.constant 0 : i32
      %dma_start3A_74 = tpu.memref_slice %arg11[%add3A_8, %dma_start3A_73] : memref<10240x128xf32, #tpu.memory_space<vmem_shared>> -> memref<128x128xf32, #tpu.memory_space<vmem_shared>>
      tpu.enqueue_dma source(%arg9 : memref<128x128xf32, #tpu.memory_space<vmem>>) target(%dma_start3A_74 : memref<128x128xf32, #tpu.memory_space<vmem_shared>>) target_semaphore(%run_scoped3A : memref<!tpu.dma_semaphore, #tpu.memory_space<semaphore_mem>>)
      %dma_wait3A = arith.constant 0 : i32
      %dma_wait3A_75 = tpu.memref_slice %arg11[%add3A_8, %dma_wait3A] : memref<10240x128xf32, #tpu.memory_space<vmem_shared>> -> memref<128x128xf32, #tpu.memory_space<vmem_shared>>
      %dma_wait3A_76 = arith.constant 0 : i32
      %dma_wait3A_77 = tpu.memref_slice %arg11[%add3A_8, %dma_wait3A_76] : memref<10240x128xf32, #tpu.memory_space<vmem_shared>> -> memref<128x128xf32, #tpu.memory_space<vmem_shared>>
      tpu.wait_dma2 semaphore(%run_scoped3A : memref<!tpu.dma_semaphore, #tpu.memory_space<semaphore_mem>>) src(%arg9 : memref<128x128xf32, #tpu.memory_space<vmem>>) dst(%dma_wait3A_77 : memref<128x128xf32, #tpu.memory_space<vmem_shared>>)
      tpu.yield
    }) : () -> ()
    %add3A_9 = arith.constant 384 : i32
    %add3A_10 = arith.addi %mul3A_2, %add3A_9 : i32
    "tpu.region"() ({
      %run_scoped3A = tpu.sem_alloc : memref<!tpu.dma_semaphore, #tpu.memory_space<semaphore_mem>>
      %dma_start3A_71 = arith.constant 0 : i32
      %dma_start3A_72 = tpu.memref_slice %arg11[%add3A_10, %dma_start3A_71] : memref<10240x128xf32, #tpu.memory_space<vmem_shared>> -> memref<128x128xf32, #tpu.memory_space<vmem_shared>>
      %dma_start3A_73 = arith.constant 0 : i32
      %dma_start3A_74 = tpu.memref_slice %arg11[%add3A_10, %dma_start3A_73] : memref<10240x128xf32, #tpu.memory_space<vmem_shared>> -> memref<128x128xf32, #tpu.memory_space<vmem_shared>>
      tpu.enqueue_dma source(%arg9 : memref<128x128xf32, #tpu.memory_space<vmem>>) target(%dma_start3A_74 : memref<128x128xf32, #tpu.memory_space<vmem_shared>>) target_semaphore(%run_scoped3A : memref<!tpu.dma_semaphore, #tpu.memory_space<semaphore_mem>>)
      %dma_wait3A = arith.constant 0 : i32
      %dma_wait3A_75 = tpu.memref_slice %arg11[%add3A_10, %dma_wait3A] : memref<10240x128xf32, #tpu.memory_space<vmem_shared>> -> memref<128x128xf32, #tpu.memory_space<vmem_shared>>
      %dma_wait3A_76 = arith.constant 0 : i32
      %dma_wait3A_77 = tpu.memref_slice %arg11[%add3A_10, %dma_wait3A_76] : memref<10240x128xf32, #tpu.memory_space<vmem_shared>> -> memref<128x128xf32, #tpu.memory_space<vmem_shared>>
      tpu.wait_dma2 semaphore(%run_scoped3A : memref<!tpu.dma_semaphore, #tpu.memory_space<semaphore_mem>>) src(%arg9 : memref<128x128xf32, #tpu.memory_space<vmem>>) dst(%dma_wait3A_77 : memref<128x128xf32, #tpu.memory_space<vmem_shared>>)
      tpu.yield
    }) : () -> ()
    %add3A_11 = arith.constant 512 : i32
    %add3A_12 = arith.addi %mul3A_2, %add3A_11 : i32
    "tpu.region"() ({
      %run_scoped3A = tpu.sem_alloc : memref<!tpu.dma_semaphore, #tpu.memory_space<semaphore_mem>>
      %dma_start3A_71 = arith.constant 0 : i32
      %dma_start3A_72 = tpu.memref_slice %arg11[%add3A_12, %dma_start3A_71] : memref<10240x128xf32, #tpu.memory_space<vmem_shared>> -> memref<128x128xf32, #tpu.memory_space<vmem_shared>>
      %dma_start3A_73 = arith.constant 0 : i32
      %dma_start3A_74 = tpu.memref_slice %arg11[%add3A_12, %dma_start3A_73] : memref<10240x128xf32, #tpu.memory_space<vmem_shared>> -> memref<128x128xf32, #tpu.memory_space<vmem_shared>>
      tpu.enqueue_dma source(%arg9 : memref<128x128xf32, #tpu.memory_space<vmem>>) target(%dma_start3A_74 : memref<128x128xf32, #tpu.memory_space<vmem_shared>>) target_semaphore(%run_scoped3A : memref<!tpu.dma_semaphore, #tpu.memory_space<semaphore_mem>>)
      %dma_wait3A = arith.constant 0 : i32
      %dma_wait3A_75 = tpu.memref_slice %arg11[%add3A_12, %dma_wait3A] : memref<10240x128xf32, #tpu.memory_space<vmem_shared>> -> memref<128x128xf32, #tpu.memory_space<vmem_shared>>
      %dma_wait3A_76 = arith.constant 0 : i32
      %dma_wait3A_77 = tpu.memref_slice %arg11[%add3A_12, %dma_wait3A_76] : memref<10240x128xf32, #tpu.memory_space<vmem_shared>> -> memref<128x128xf32, #tpu.memory_space<vmem_shared>>
      tpu.wait_dma2 semaphore(%run_scoped3A : memref<!tpu.dma_semaphore, #tpu.memory_space<semaphore_mem>>) src(%arg9 : memref<128x128xf32, #tpu.memory_space<vmem>>) dst(%dma_wait3A_77 : memref<128x128xf32, #tpu.memory_space<vmem_shared>>)
      tpu.yield
    }) : () -> ()
    %barrier3A = arith.constant 0 : index
    tpu.barrier barrier_id(%barrier3A)
    %mul3A_13 = arith.constant 80 : i32
    %mul3A_14 = arith.muli %add3A, %mul3A_13 : i32
    %add3A_15 = arith.constant 0 : i32
    %add3A_16 = arith.addi %mul3A_14, %add3A_15 : i32
    "tpu.region"() ({
      %run_scoped3A = tpu.sem_alloc : memref<!tpu.dma_semaphore, #tpu.memory_space<semaphore_mem>>
      %dma_start3A_71 = arith.constant 0 : i32
      %dma_start3A_72 = tpu.memref_slice %arg3[%add3A_16, %dma_start3A_71] : memref<2560x128xi32, #tpu.memory_space<hbm>> -> memref<40x128xi32, #tpu.memory_space<hbm>>
      %dma_start3A_73 = arith.constant 0 : i32
      %dma_start3A_74 = tpu.memref_slice %arg3[%add3A_16, %dma_start3A_73] : memref<2560x128xi32, #tpu.memory_space<hbm>> -> memref<40x128xi32, #tpu.memory_space<hbm>>
      tpu.enqueue_dma source(%dma_start3A_74 : memref<40x128xi32, #tpu.memory_space<hbm>>) target(%arg7 : memref<40x128xi32, #tpu.memory_space<vmem>>) target_semaphore(%run_scoped3A : memref<!tpu.dma_semaphore, #tpu.memory_space<semaphore_mem>>)
      %dma_wait3A = arith.constant 0 : i32
      %dma_wait3A_75 = tpu.memref_slice %arg3[%add3A_16, %dma_wait3A] : memref<2560x128xi32, #tpu.memory_space<hbm>> -> memref<40x128xi32, #tpu.memory_space<hbm>>
      %dma_wait3A_76 = arith.constant 0 : i32
      %dma_wait3A_77 = tpu.memref_slice %arg3[%add3A_16, %dma_wait3A_76] : memref<2560x128xi32, #tpu.memory_space<hbm>> -> memref<40x128xi32, #tpu.memory_space<hbm>>
      tpu.wait_dma2 semaphore(%run_scoped3A : memref<!tpu.dma_semaphore, #tpu.memory_space<semaphore_mem>>) src(%dma_wait3A_77 : memref<40x128xi32, #tpu.memory_space<hbm>>) dst(%arg7 : memref<40x128xi32, #tpu.memory_space<vmem>>)
      tpu.yield
    }) : () -> ()
    "tpu.region"() ({
      %run_scoped3A = tpu.sem_alloc : memref<!tpu.dma_semaphore, #tpu.memory_space<semaphore_mem>>
      %dma_start3A_71 = arith.constant 0 : i32
      %dma_start3A_72 = tpu.memref_slice %arg4[%add3A_16, %dma_start3A_71] : memref<2560x128xi32, #tpu.memory_space<hbm>> -> memref<40x128xi32, #tpu.memory_space<hbm>>
      %dma_start3A_73 = arith.constant 0 : i32
      %dma_start3A_74 = tpu.memref_slice %arg4[%add3A_16, %dma_start3A_73] : memref<2560x128xi32, #tpu.memory_space<hbm>> -> memref<40x128xi32, #tpu.memory_space<hbm>>
      tpu.enqueue_dma source(%dma_start3A_74 : memref<40x128xi32, #tpu.memory_space<hbm>>) target(%arg8 : memref<40x128xi32, #tpu.memory_space<vmem>>) target_semaphore(%run_scoped3A : memref<!tpu.dma_semaphore, #tpu.memory_space<semaphore_mem>>)
      %dma_wait3A = arith.constant 0 : i32
      %dma_wait3A_75 = tpu.memref_slice %arg4[%add3A_16, %dma_wait3A] : memref<2560x128xi32, #tpu.memory_space<hbm>> -> memref<40x128xi32, #tpu.memory_space<hbm>>
      %dma_wait3A_76 = arith.constant 0 : i32
      %dma_wait3A_77 = tpu.memref_slice %arg4[%add3A_16, %dma_wait3A_76] : memref<2560x128xi32, #tpu.memory_space<hbm>> -> memref<40x128xi32, #tpu.memory_space<hbm>>
      tpu.wait_dma2 semaphore(%run_scoped3A : memref<!tpu.dma_semaphore, #tpu.memory_space<semaphore_mem>>) src(%dma_wait3A_77 : memref<40x128xi32, #tpu.memory_space<hbm>>) dst(%arg8 : memref<40x128xi32, #tpu.memory_space<vmem>>)
      tpu.yield
    }) : () -> ()
    %dma_start3A = arith.constant 0 : i32
    %dma_start3A_17 = arith.constant 0 : i32
    %dma_start3A_18 = tpu.memref_slice %arg7[%dma_start3A, %dma_start3A_17] : memref<40x128xi32, #tpu.memory_space<vmem>> -> memref<1x128xi32, #tpu.memory_space<vmem>>
    %dma_start3A_19 = tpu.memref_squeeze %dma_start3A_18 : memref<1x128xi32, #tpu.memory_space<vmem>> -> memref<128xi32, #tpu.memory_space<vmem>>
    %dma_start3A_20 = arith.constant 0 : i32
    %dma_start3A_21 = arith.constant 0 : i32
    %dma_start3A_22 = tpu.memref_slice %arg2[%dma_start3A_20, %dma_start3A_21] : memref<10240x128xf32, #tpu.memory_space<hbm>> -> memref<10240x128xf32, #tpu.memory_space<hbm>>
    tpu.enqueue_indirect_dma source(%dma_start3A_22 : memref<10240x128xf32, #tpu.memory_space<hbm>>) target(%arg9 : memref<128x128xf32, #tpu.memory_space<vmem>>) offsets(%dma_start3A_19 : memref<128xi32, #tpu.memory_space<vmem>>) semaphore(%arg12 : memref<!tpu.dma_semaphore, #tpu.memory_space<semaphore_mem>>)
    %scan3A = arith.constant 0 : i32
    %scan3A_23 = arith.constant 0 : i32
    %scan3A_24 = arith.constant 20 : i32
    %scan3A_25 = arith.addi %scan3A_23, %scan3A_24 : i32
    %scan3A_26 = arith.constant 1 : i32
    scf.for %scan3A_71 = %scan3A_23 to %scan3A_25 step %scan3A_26  : i32 {
      %mul3A_72 = arith.constant 2 : i32
      %mul3A_73 = arith.muli %mul3A_72, %scan3A_71 : i32
      %add3A_74 = arith.constant 1 : i32
      %add3A_75 = arith.addi %mul3A_73, %add3A_74 : i32
      %dma_start3A_76 = arith.constant 0 : i32
      %dma_start3A_77 = tpu.memref_slice %arg7[%add3A_75, %dma_start3A_76] : memref<40x128xi32, #tpu.memory_space<vmem>> -> memref<1x128xi32, #tpu.memory_space<vmem>>
      %dma_start3A_78 = tpu.memref_squeeze %dma_start3A_77 : memref<1x128xi32, #tpu.memory_space<vmem>> -> memref<128xi32, #tpu.memory_space<vmem>>
      %dma_start3A_79 = arith.constant 0 : i32
      %dma_start3A_80 = arith.constant 0 : i32
      %dma_start3A_81 = tpu.memref_slice %arg2[%dma_start3A_79, %dma_start3A_80] : memref<10240x128xf32, #tpu.memory_space<hbm>> -> memref<10240x128xf32, #tpu.memory_space<hbm>>
      tpu.enqueue_indirect_dma source(%dma_start3A_81 : memref<10240x128xf32, #tpu.memory_space<hbm>>) target(%arg10 : memref<128x128xf32, #tpu.memory_space<vmem>>) offsets(%dma_start3A_78 : memref<128xi32, #tpu.memory_space<vmem>>) semaphore(%arg13 : memref<!tpu.dma_semaphore, #tpu.memory_space<semaphore_mem>>)
      %dma_wait3A = arith.constant 0 : i32
      %dma_wait3A_82 = tpu.memref_slice %arg7[%mul3A_73, %dma_wait3A] : memref<40x128xi32, #tpu.memory_space<vmem>> -> memref<1x128xi32, #tpu.memory_space<vmem>>
      %dma_wait3A_83 = tpu.memref_squeeze %dma_wait3A_82 : memref<1x128xi32, #tpu.memory_space<vmem>> -> memref<128xi32, #tpu.memory_space<vmem>>
      %dma_wait3A_84 = arith.constant 0 : i32
      %dma_wait3A_85 = arith.constant 0 : i32
      %dma_wait3A_86 = tpu.memref_slice %arg2[%dma_wait3A_84, %dma_wait3A_85] : memref<10240x128xf32, #tpu.memory_space<hbm>> -> memref<10240x128xf32, #tpu.memory_space<hbm>>
      tpu.wait_indirect_dma semaphore(%arg12 : memref<!tpu.dma_semaphore, #tpu.memory_space<semaphore_mem>>) src(%dma_wait3A_86 : memref<10240x128xf32, #tpu.memory_space<hbm>>) dst(%arg9 : memref<128x128xf32, #tpu.memory_space<vmem>>)
      "tpu.region"() ({
        %run_scoped3A = tpu.sem_alloc : memref<!tpu.dma_semaphore, #tpu.memory_space<semaphore_mem>>
        %dma_start3A_99 = arith.constant 0 : i32
        %dma_start3A_100 = tpu.memref_slice %arg8[%mul3A_73, %dma_start3A_99] : memref<40x128xi32, #tpu.memory_space<vmem>> -> memref<1x128xi32, #tpu.memory_space<vmem>>
        %dma_start3A_101 = tpu.memref_squeeze %dma_start3A_100 : memref<1x128xi32, #tpu.memory_space<vmem>> -> memref<128xi32, #tpu.memory_space<vmem>>
        %dma_start3A_102 = arith.constant 0 : i32
        %dma_start3A_103 = arith.constant 0 : i32
        %dma_start3A_104 = tpu.memref_slice %arg11[%dma_start3A_102, %dma_start3A_103] : memref<10240x128xf32, #tpu.memory_space<vmem_shared>> -> memref<10240x128xf32, #tpu.memory_space<vmem_shared>>
        tpu.enqueue_indirect_dma source(%arg9 : memref<128x128xf32, #tpu.memory_space<vmem>>) target(%dma_start3A_104 : memref<10240x128xf32, #tpu.memory_space<vmem_shared>>) offsets(%dma_start3A_101 : memref<128xi32, #tpu.memory_space<vmem>>) semaphore(%run_scoped3A : memref<!tpu.dma_semaphore, #tpu.memory_space<semaphore_mem>>) {add = true}
        %dma_wait3A_105 = arith.constant 0 : i32
        %dma_wait3A_106 = tpu.memref_slice %arg8[%mul3A_73, %dma_wait3A_105] : memref<40x128xi32, #tpu.memory_space<vmem>> -> memref<1x128xi32, #tpu.memory_space<vmem>>
        %dma_wait3A_107 = tpu.memref_squeeze %dma_wait3A_106 : memref<1x128xi32, #tpu.memory_space<vmem>> -> memref<128xi32, #tpu.memory_space<vmem>>
        %dma_wait3A_108 = arith.constant 0 : i32
        %dma_wait3A_109 = arith.constant 0 : i32
        %dma_wait3A_110 = tpu.memref_slice %arg11[%dma_wait3A_108, %dma_wait3A_109] : memref<10240x128xf32, #tpu.memory_space<vmem_shared>> -> memref<10240x128xf32, #tpu.memory_space<vmem_shared>>
        tpu.wait_indirect_dma semaphore(%run_scoped3A : memref<!tpu.dma_semaphore, #tpu.memory_space<semaphore_mem>>) src(%arg9 : memref<128x128xf32, #tpu.memory_space<vmem>>) dst(%dma_wait3A_110 : memref<10240x128xf32, #tpu.memory_space<vmem_shared>>)
        tpu.yield
      }) : () -> ()
      %lt3A = arith.constant 19 : i32
      %lt3A_87 = arith.cmpi slt, %scan3A_71, %lt3A : i32
      %convert_element_type3A = arith.extui %lt3A_87 : i1 to i32
      %cond3A = arith.constant 0 : i32
      %cond3A_88 = arith.cmpi ne, %convert_element_type3A, %cond3A : i32
      scf.if %cond3A_88 {
        %add3A_99 = arith.constant 2 : i32
        %add3A_100 = arith.addi %mul3A_73, %add3A_99 : i32
        %dma_start3A_101 = arith.constant 0 : i32
        %dma_start3A_102 = tpu.memref_slice %arg7[%add3A_100, %dma_start3A_101] : memref<40x128xi32, #tpu.memory_space<vmem>> -> memref<1x128xi32, #tpu.memory_space<vmem>>
        %dma_start3A_103 = tpu.memref_squeeze %dma_start3A_102 : memref<1x128xi32, #tpu.memory_space<vmem>> -> memref<128xi32, #tpu.memory_space<vmem>>
        %dma_start3A_104 = arith.constant 0 : i32
        %dma_start3A_105 = arith.constant 0 : i32
        %dma_start3A_106 = tpu.memref_slice %arg2[%dma_start3A_104, %dma_start3A_105] : memref<10240x128xf32, #tpu.memory_space<hbm>> -> memref<10240x128xf32, #tpu.memory_space<hbm>>
        tpu.enqueue_indirect_dma source(%dma_start3A_106 : memref<10240x128xf32, #tpu.memory_space<hbm>>) target(%arg9 : memref<128x128xf32, #tpu.memory_space<vmem>>) offsets(%dma_start3A_103 : memref<128xi32, #tpu.memory_space<vmem>>) semaphore(%arg12 : memref<!tpu.dma_semaphore, #tpu.memory_space<semaphore_mem>>)
      } else {
      }
      %add3A_89 = arith.constant 1 : i32
      %add3A_90 = arith.addi %mul3A_73, %add3A_89 : i32
      %dma_wait3A_91 = arith.constant 0 : i32
      %dma_wait3A_92 = tpu.memref_slice %arg7[%add3A_90, %dma_wait3A_91] : memref<40x128xi32, #tpu.memory_space<vmem>> -> memref<1x128xi32, #tpu.memory_space<vmem>>
      %dma_wait3A_93 = tpu.memref_squeeze %dma_wait3A_92 : memref<1x128xi32, #tpu.memory_space<vmem>> -> memref<128xi32, #tpu.memory_space<vmem>>
      %dma_wait3A_94 = arith.constant 0 : i32
      %dma_wait3A_95 = arith.constant 0 : i32
      %dma_wait3A_96 = tpu.memref_slice %arg2[%dma_wait3A_94, %dma_wait3A_95] : memref<10240x128xf32, #tpu.memory_space<hbm>> -> memref<10240x128xf32, #tpu.memory_space<hbm>>
      tpu.wait_indirect_dma semaphore(%arg13 : memref<!tpu.dma_semaphore, #tpu.memory_space<semaphore_mem>>) src(%dma_wait3A_96 : memref<10240x128xf32, #tpu.memory_space<hbm>>) dst(%arg10 : memref<128x128xf32, #tpu.memory_space<vmem>>)
      %add3A_97 = arith.constant 1 : i32
      %add3A_98 = arith.addi %mul3A_73, %add3A_97 : i32
      "tpu.region"() ({
        %run_scoped3A = tpu.sem_alloc : memref<!tpu.dma_semaphore, #tpu.memory_space<semaphore_mem>>
        %dma_start3A_99 = arith.constant 0 : i32
        %dma_start3A_100 = tpu.memref_slice %arg8[%add3A_98, %dma_start3A_99] : memref<40x128xi32, #tpu.memory_space<vmem>> -> memref<1x128xi32, #tpu.memory_space<vmem>>
        %dma_start3A_101 = tpu.memref_squeeze %dma_start3A_100 : memref<1x128xi32, #tpu.memory_space<vmem>> -> memref<128xi32, #tpu.memory_space<vmem>>
        %dma_start3A_102 = arith.constant 0 : i32
        %dma_start3A_103 = arith.constant 0 : i32
        %dma_start3A_104 = tpu.memref_slice %arg11[%dma_start3A_102, %dma_start3A_103] : memref<10240x128xf32, #tpu.memory_space<vmem_shared>> -> memref<10240x128xf32, #tpu.memory_space<vmem_shared>>
        tpu.enqueue_indirect_dma source(%arg10 : memref<128x128xf32, #tpu.memory_space<vmem>>) target(%dma_start3A_104 : memref<10240x128xf32, #tpu.memory_space<vmem_shared>>) offsets(%dma_start3A_101 : memref<128xi32, #tpu.memory_space<vmem>>) semaphore(%run_scoped3A : memref<!tpu.dma_semaphore, #tpu.memory_space<semaphore_mem>>) {add = true}
        %dma_wait3A_105 = arith.constant 0 : i32
        %dma_wait3A_106 = tpu.memref_slice %arg8[%add3A_98, %dma_wait3A_105] : memref<40x128xi32, #tpu.memory_space<vmem>> -> memref<1x128xi32, #tpu.memory_space<vmem>>
        %dma_wait3A_107 = tpu.memref_squeeze %dma_wait3A_106 : memref<1x128xi32, #tpu.memory_space<vmem>> -> memref<128xi32, #tpu.memory_space<vmem>>
        %dma_wait3A_108 = arith.constant 0 : i32
        %dma_wait3A_109 = arith.constant 0 : i32
        %dma_wait3A_110 = tpu.memref_slice %arg11[%dma_wait3A_108, %dma_wait3A_109] : memref<10240x128xf32, #tpu.memory_space<vmem_shared>> -> memref<10240x128xf32, #tpu.memory_space<vmem_shared>>
        tpu.wait_indirect_dma semaphore(%run_scoped3A : memref<!tpu.dma_semaphore, #tpu.memory_space<semaphore_mem>>) src(%arg10 : memref<128x128xf32, #tpu.memory_space<vmem>>) dst(%dma_wait3A_110 : memref<10240x128xf32, #tpu.memory_space<vmem_shared>>)
        tpu.yield
      }) : () -> ()
    }
    %scan3A_27 = arith.constant 20 : i32
    %mul3A_28 = arith.constant 80 : i32
    %mul3A_29 = arith.muli %add3A, %mul3A_28 : i32
    %add3A_30 = arith.constant 40 : i32
    %add3A_31 = arith.addi %mul3A_29, %add3A_30 : i32
    "tpu.region"() ({
      %run_scoped3A = tpu.sem_alloc : memref<!tpu.dma_semaphore, #tpu.memory_space<semaphore_mem>>
      %dma_start3A_71 = arith.constant 0 : i32
      %dma_start3A_72 = tpu.memref_slice %arg3[%add3A_31, %dma_start3A_71] : memref<2560x128xi32, #tpu.memory_space<hbm>> -> memref<40x128xi32, #tpu.memory_space<hbm>>
      %dma_start3A_73 = arith.constant 0 : i32
      %dma_start3A_74 = tpu.memref_slice %arg3[%add3A_31, %dma_start3A_73] : memref<2560x128xi32, #tpu.memory_space<hbm>> -> memref<40x128xi32, #tpu.memory_space<hbm>>
      tpu.enqueue_dma source(%dma_start3A_74 : memref<40x128xi32, #tpu.memory_space<hbm>>) target(%arg7 : memref<40x128xi32, #tpu.memory_space<vmem>>) target_semaphore(%run_scoped3A : memref<!tpu.dma_semaphore, #tpu.memory_space<semaphore_mem>>)
      %dma_wait3A = arith.constant 0 : i32
      %dma_wait3A_75 = tpu.memref_slice %arg3[%add3A_31, %dma_wait3A] : memref<2560x128xi32, #tpu.memory_space<hbm>> -> memref<40x128xi32, #tpu.memory_space<hbm>>
      %dma_wait3A_76 = arith.constant 0 : i32
      %dma_wait3A_77 = tpu.memref_slice %arg3[%add3A_31, %dma_wait3A_76] : memref<2560x128xi32, #tpu.memory_space<hbm>> -> memref<40x128xi32, #tpu.memory_space<hbm>>
      tpu.wait_dma2 semaphore(%run_scoped3A : memref<!tpu.dma_semaphore, #tpu.memory_space<semaphore_mem>>) src(%dma_wait3A_77 : memref<40x128xi32, #tpu.memory_space<hbm>>) dst(%arg7 : memref<40x128xi32, #tpu.memory_space<vmem>>)
      tpu.yield
    }) : () -> ()
    "tpu.region"() ({
      %run_scoped3A = tpu.sem_alloc : memref<!tpu.dma_semaphore, #tpu.memory_space<semaphore_mem>>
      %dma_start3A_71 = arith.constant 0 : i32
      %dma_start3A_72 = tpu.memref_slice %arg4[%add3A_31, %dma_start3A_71] : memref<2560x128xi32, #tpu.memory_space<hbm>> -> memref<40x128xi32, #tpu.memory_space<hbm>>
      %dma_start3A_73 = arith.constant 0 : i32
      %dma_start3A_74 = tpu.memref_slice %arg4[%add3A_31, %dma_start3A_73] : memref<2560x128xi32, #tpu.memory_space<hbm>> -> memref<40x128xi32, #tpu.memory_space<hbm>>
      tpu.enqueue_dma source(%dma_start3A_74 : memref<40x128xi32, #tpu.memory_space<hbm>>) target(%arg8 : memref<40x128xi32, #tpu.memory_space<vmem>>) target_semaphore(%run_scoped3A : memref<!tpu.dma_semaphore, #tpu.memory_space<semaphore_mem>>)
      %dma_wait3A = arith.constant 0 : i32
      %dma_wait3A_75 = tpu.memref_slice %arg4[%add3A_31, %dma_wait3A] : memref<2560x128xi32, #tpu.memory_space<hbm>> -> memref<40x128xi32, #tpu.memory_space<hbm>>
      %dma_wait3A_76 = arith.constant 0 : i32
      %dma_wait3A_77 = tpu.memref_slice %arg4[%add3A_31, %dma_wait3A_76] : memref<2560x128xi32, #tpu.memory_space<hbm>> -> memref<40x128xi32, #tpu.memory_space<hbm>>
      tpu.wait_dma2 semaphore(%run_scoped3A : memref<!tpu.dma_semaphore, #tpu.memory_space<semaphore_mem>>) src(%dma_wait3A_77 : memref<40x128xi32, #tpu.memory_space<hbm>>) dst(%arg8 : memref<40x128xi32, #tpu.memory_space<vmem>>)
      tpu.yield
    }) : () -> ()
    %dma_start3A_32 = arith.constant 0 : i32
    %dma_start3A_33 = arith.constant 0 : i32
    %dma_start3A_34 = tpu.memref_slice %arg7[%dma_start3A_32, %dma_start3A_33] : memref<40x128xi32, #tpu.memory_space<vmem>> -> memref<1x128xi32, #tpu.memory_space<vmem>>
    %dma_start3A_35 = tpu.memref_squeeze %dma_start3A_34 : memref<1x128xi32, #tpu.memory_space<vmem>> -> memref<128xi32, #tpu.memory_space<vmem>>
    %dma_start3A_36 = arith.constant 0 : i32
    %dma_start3A_37 = arith.constant 0 : i32
    %dma_start3A_38 = tpu.memref_slice %arg2[%dma_start3A_36, %dma_start3A_37] : memref<10240x128xf32, #tpu.memory_space<hbm>> -> memref<10240x128xf32, #tpu.memory_space<hbm>>
    tpu.enqueue_indirect_dma source(%dma_start3A_38 : memref<10240x128xf32, #tpu.memory_space<hbm>>) target(%arg9 : memref<128x128xf32, #tpu.memory_space<vmem>>) offsets(%dma_start3A_35 : memref<128xi32, #tpu.memory_space<vmem>>) semaphore(%arg12 : memref<!tpu.dma_semaphore, #tpu.memory_space<semaphore_mem>>)
    %scan3A_39 = arith.constant 0 : i32
    %scan3A_40 = arith.constant 0 : i32
    %scan3A_41 = arith.constant 20 : i32
    %scan3A_42 = arith.addi %scan3A_40, %scan3A_41 : i32
    %scan3A_43 = arith.constant 1 : i32
    scf.for %scan3A_71 = %scan3A_40 to %scan3A_42 step %scan3A_43  : i32 {
      %mul3A_72 = arith.constant 2 : i32
      %mul3A_73 = arith.muli %mul3A_72, %scan3A_71 : i32
      %add3A_74 = arith.constant 1 : i32
      %add3A_75 = arith.addi %mul3A_73, %add3A_74 : i32
      %dma_start3A_76 = arith.constant 0 : i32
      %dma_start3A_77 = tpu.memref_slice %arg7[%add3A_75, %dma_start3A_76] : memref<40x128xi32, #tpu.memory_space<vmem>> -> memref<1x128xi32, #tpu.memory_space<vmem>>
      %dma_start3A_78 = tpu.memref_squeeze %dma_start3A_77 : memref<1x128xi32, #tpu.memory_space<vmem>> -> memref<128xi32, #tpu.memory_space<vmem>>
      %dma_start3A_79 = arith.constant 0 : i32
      %dma_start3A_80 = arith.constant 0 : i32
      %dma_start3A_81 = tpu.memref_slice %arg2[%dma_start3A_79, %dma_start3A_80] : memref<10240x128xf32, #tpu.memory_space<hbm>> -> memref<10240x128xf32, #tpu.memory_space<hbm>>
      tpu.enqueue_indirect_dma source(%dma_start3A_81 : memref<10240x128xf32, #tpu.memory_space<hbm>>) target(%arg10 : memref<128x128xf32, #tpu.memory_space<vmem>>) offsets(%dma_start3A_78 : memref<128xi32, #tpu.memory_space<vmem>>) semaphore(%arg13 : memref<!tpu.dma_semaphore, #tpu.memory_space<semaphore_mem>>)
      %dma_wait3A = arith.constant 0 : i32
      %dma_wait3A_82 = tpu.memref_slice %arg7[%mul3A_73, %dma_wait3A] : memref<40x128xi32, #tpu.memory_space<vmem>> -> memref<1x128xi32, #tpu.memory_space<vmem>>
      %dma_wait3A_83 = tpu.memref_squeeze %dma_wait3A_82 : memref<1x128xi32, #tpu.memory_space<vmem>> -> memref<128xi32, #tpu.memory_space<vmem>>
      %dma_wait3A_84 = arith.constant 0 : i32
      %dma_wait3A_85 = arith.constant 0 : i32
      %dma_wait3A_86 = tpu.memref_slice %arg2[%dma_wait3A_84, %dma_wait3A_85] : memref<10240x128xf32, #tpu.memory_space<hbm>> -> memref<10240x128xf32, #tpu.memory_space<hbm>>
      tpu.wait_indirect_dma semaphore(%arg12 : memref<!tpu.dma_semaphore, #tpu.memory_space<semaphore_mem>>) src(%dma_wait3A_86 : memref<10240x128xf32, #tpu.memory_space<hbm>>) dst(%arg9 : memref<128x128xf32, #tpu.memory_space<vmem>>)
      "tpu.region"() ({
        %run_scoped3A = tpu.sem_alloc : memref<!tpu.dma_semaphore, #tpu.memory_space<semaphore_mem>>
        %dma_start3A_99 = arith.constant 0 : i32
        %dma_start3A_100 = tpu.memref_slice %arg8[%mul3A_73, %dma_start3A_99] : memref<40x128xi32, #tpu.memory_space<vmem>> -> memref<1x128xi32, #tpu.memory_space<vmem>>
        %dma_start3A_101 = tpu.memref_squeeze %dma_start3A_100 : memref<1x128xi32, #tpu.memory_space<vmem>> -> memref<128xi32, #tpu.memory_space<vmem>>
        %dma_start3A_102 = arith.constant 0 : i32
        %dma_start3A_103 = arith.constant 0 : i32
        %dma_start3A_104 = tpu.memref_slice %arg11[%dma_start3A_102, %dma_start3A_103] : memref<10240x128xf32, #tpu.memory_space<vmem_shared>> -> memref<10240x128xf32, #tpu.memory_space<vmem_shared>>
        tpu.enqueue_indirect_dma source(%arg9 : memref<128x128xf32, #tpu.memory_space<vmem>>) target(%dma_start3A_104 : memref<10240x128xf32, #tpu.memory_space<vmem_shared>>) offsets(%dma_start3A_101 : memref<128xi32, #tpu.memory_space<vmem>>) semaphore(%run_scoped3A : memref<!tpu.dma_semaphore, #tpu.memory_space<semaphore_mem>>) {add = true}
        %dma_wait3A_105 = arith.constant 0 : i32
        %dma_wait3A_106 = tpu.memref_slice %arg8[%mul3A_73, %dma_wait3A_105] : memref<40x128xi32, #tpu.memory_space<vmem>> -> memref<1x128xi32, #tpu.memory_space<vmem>>
        %dma_wait3A_107 = tpu.memref_squeeze %dma_wait3A_106 : memref<1x128xi32, #tpu.memory_space<vmem>> -> memref<128xi32, #tpu.memory_space<vmem>>
        %dma_wait3A_108 = arith.constant 0 : i32
        %dma_wait3A_109 = arith.constant 0 : i32
        %dma_wait3A_110 = tpu.memref_slice %arg11[%dma_wait3A_108, %dma_wait3A_109] : memref<10240x128xf32, #tpu.memory_space<vmem_shared>> -> memref<10240x128xf32, #tpu.memory_space<vmem_shared>>
        tpu.wait_indirect_dma semaphore(%run_scoped3A : memref<!tpu.dma_semaphore, #tpu.memory_space<semaphore_mem>>) src(%arg9 : memref<128x128xf32, #tpu.memory_space<vmem>>) dst(%dma_wait3A_110 : memref<10240x128xf32, #tpu.memory_space<vmem_shared>>)
        tpu.yield
      }) : () -> ()
      %lt3A = arith.constant 19 : i32
      %lt3A_87 = arith.cmpi slt, %scan3A_71, %lt3A : i32
      %convert_element_type3A = arith.extui %lt3A_87 : i1 to i32
      %cond3A = arith.constant 0 : i32
      %cond3A_88 = arith.cmpi ne, %convert_element_type3A, %cond3A : i32
      scf.if %cond3A_88 {
        %add3A_99 = arith.constant 2 : i32
        %add3A_100 = arith.addi %mul3A_73, %add3A_99 : i32
        %dma_start3A_101 = arith.constant 0 : i32
        %dma_start3A_102 = tpu.memref_slice %arg7[%add3A_100, %dma_start3A_101] : memref<40x128xi32, #tpu.memory_space<vmem>> -> memref<1x128xi32, #tpu.memory_space<vmem>>
        %dma_start3A_103 = tpu.memref_squeeze %dma_start3A_102 : memref<1x128xi32, #tpu.memory_space<vmem>> -> memref<128xi32, #tpu.memory_space<vmem>>
        %dma_start3A_104 = arith.constant 0 : i32
        %dma_start3A_105 = arith.constant 0 : i32
        %dma_start3A_106 = tpu.memref_slice %arg2[%dma_start3A_104, %dma_start3A_105] : memref<10240x128xf32, #tpu.memory_space<hbm>> -> memref<10240x128xf32, #tpu.memory_space<hbm>>
        tpu.enqueue_indirect_dma source(%dma_start3A_106 : memref<10240x128xf32, #tpu.memory_space<hbm>>) target(%arg9 : memref<128x128xf32, #tpu.memory_space<vmem>>) offsets(%dma_start3A_103 : memref<128xi32, #tpu.memory_space<vmem>>) semaphore(%arg12 : memref<!tpu.dma_semaphore, #tpu.memory_space<semaphore_mem>>)
      } else {
      }
      %add3A_89 = arith.constant 1 : i32
      %add3A_90 = arith.addi %mul3A_73, %add3A_89 : i32
      %dma_wait3A_91 = arith.constant 0 : i32
      %dma_wait3A_92 = tpu.memref_slice %arg7[%add3A_90, %dma_wait3A_91] : memref<40x128xi32, #tpu.memory_space<vmem>> -> memref<1x128xi32, #tpu.memory_space<vmem>>
      %dma_wait3A_93 = tpu.memref_squeeze %dma_wait3A_92 : memref<1x128xi32, #tpu.memory_space<vmem>> -> memref<128xi32, #tpu.memory_space<vmem>>
      %dma_wait3A_94 = arith.constant 0 : i32
      %dma_wait3A_95 = arith.constant 0 : i32
      %dma_wait3A_96 = tpu.memref_slice %arg2[%dma_wait3A_94, %dma_wait3A_95] : memref<10240x128xf32, #tpu.memory_space<hbm>> -> memref<10240x128xf32, #tpu.memory_space<hbm>>
      tpu.wait_indirect_dma semaphore(%arg13 : memref<!tpu.dma_semaphore, #tpu.memory_space<semaphore_mem>>) src(%dma_wait3A_96 : memref<10240x128xf32, #tpu.memory_space<hbm>>) dst(%arg10 : memref<128x128xf32, #tpu.memory_space<vmem>>)
      %add3A_97 = arith.constant 1 : i32
      %add3A_98 = arith.addi %mul3A_73, %add3A_97 : i32
      "tpu.region"() ({
        %run_scoped3A = tpu.sem_alloc : memref<!tpu.dma_semaphore, #tpu.memory_space<semaphore_mem>>
        %dma_start3A_99 = arith.constant 0 : i32
        %dma_start3A_100 = tpu.memref_slice %arg8[%add3A_98, %dma_start3A_99] : memref<40x128xi32, #tpu.memory_space<vmem>> -> memref<1x128xi32, #tpu.memory_space<vmem>>
        %dma_start3A_101 = tpu.memref_squeeze %dma_start3A_100 : memref<1x128xi32, #tpu.memory_space<vmem>> -> memref<128xi32, #tpu.memory_space<vmem>>
        %dma_start3A_102 = arith.constant 0 : i32
        %dma_start3A_103 = arith.constant 0 : i32
        %dma_start3A_104 = tpu.memref_slice %arg11[%dma_start3A_102, %dma_start3A_103] : memref<10240x128xf32, #tpu.memory_space<vmem_shared>> -> memref<10240x128xf32, #tpu.memory_space<vmem_shared>>
        tpu.enqueue_indirect_dma source(%arg10 : memref<128x128xf32, #tpu.memory_space<vmem>>) target(%dma_start3A_104 : memref<10240x128xf32, #tpu.memory_space<vmem_shared>>) offsets(%dma_start3A_101 : memref<128xi32, #tpu.memory_space<vmem>>) semaphore(%run_scoped3A : memref<!tpu.dma_semaphore, #tpu.memory_space<semaphore_mem>>) {add = true}
        %dma_wait3A_105 = arith.constant 0 : i32
        %dma_wait3A_106 = tpu.memref_slice %arg8[%add3A_98, %dma_wait3A_105] : memref<40x128xi32, #tpu.memory_space<vmem>> -> memref<1x128xi32, #tpu.memory_space<vmem>>
        %dma_wait3A_107 = tpu.memref_squeeze %dma_wait3A_106 : memref<1x128xi32, #tpu.memory_space<vmem>> -> memref<128xi32, #tpu.memory_space<vmem>>
        %dma_wait3A_108 = arith.constant 0 : i32
        %dma_wait3A_109 = arith.constant 0 : i32
        %dma_wait3A_110 = tpu.memref_slice %arg11[%dma_wait3A_108, %dma_wait3A_109] : memref<10240x128xf32, #tpu.memory_space<vmem_shared>> -> memref<10240x128xf32, #tpu.memory_space<vmem_shared>>
        tpu.wait_indirect_dma semaphore(%run_scoped3A : memref<!tpu.dma_semaphore, #tpu.memory_space<semaphore_mem>>) src(%arg10 : memref<128x128xf32, #tpu.memory_space<vmem>>) dst(%dma_wait3A_110 : memref<10240x128xf32, #tpu.memory_space<vmem_shared>>)
        tpu.yield
      }) : () -> ()
    }
    %scan3A_44 = arith.constant 20 : i32
    %barrier3A_45 = arith.constant 0 : index
    tpu.barrier barrier_id(%barrier3A_45)
    %mul3A_46 = arith.constant 10240 : i32
    %mul3A_47 = arith.muli %arg0, %mul3A_46 : i32
    %mul3A_48 = arith.constant 640 : i32
    %mul3A_49 = arith.muli %arg1, %mul3A_48 : i32
    %add3A_50 = arith.addi %mul3A_47, %mul3A_49 : i32
    %add3A_51 = arith.constant 0 : i32
    %add3A_52 = arith.addi %mul3A_2, %add3A_51 : i32
    "tpu.region"() ({
      %run_scoped3A = tpu.sem_alloc : memref<!tpu.dma_semaphore, #tpu.memory_space<semaphore_mem>>
      %dma_start3A_71 = arith.constant 0 : i32
      %dma_start3A_72 = tpu.memref_slice %arg11[%add3A_52, %dma_start3A_71] : memref<10240x128xf32, #tpu.memory_space<vmem_shared>> -> memref<128x128xf32, #tpu.memory_space<vmem_shared>>
      %dma_start3A_73 = arith.constant 0 : i32
      %dma_start3A_74 = tpu.memref_slice %arg11[%add3A_52, %dma_start3A_73] : memref<10240x128xf32, #tpu.memory_space<vmem_shared>> -> memref<128x128xf32, #tpu.memory_space<vmem_shared>>
      tpu.enqueue_dma source(%dma_start3A_74 : memref<128x128xf32, #tpu.memory_space<vmem_shared>>) target(%arg9 : memref<128x128xf32, #tpu.memory_space<vmem>>) target_semaphore(%run_scoped3A : memref<!tpu.dma_semaphore, #tpu.memory_space<semaphore_mem>>)
      %dma_wait3A = arith.constant 0 : i32
      %dma_wait3A_75 = tpu.memref_slice %arg11[%add3A_52, %dma_wait3A] : memref<10240x128xf32, #tpu.memory_space<vmem_shared>> -> memref<128x128xf32, #tpu.memory_space<vmem_shared>>
      %dma_wait3A_76 = arith.constant 0 : i32
      %dma_wait3A_77 = tpu.memref_slice %arg11[%add3A_52, %dma_wait3A_76] : memref<10240x128xf32, #tpu.memory_space<vmem_shared>> -> memref<128x128xf32, #tpu.memory_space<vmem_shared>>
      tpu.wait_dma2 semaphore(%run_scoped3A : memref<!tpu.dma_semaphore, #tpu.memory_space<semaphore_mem>>) src(%dma_wait3A_77 : memref<128x128xf32, #tpu.memory_space<vmem_shared>>) dst(%arg9 : memref<128x128xf32, #tpu.memory_space<vmem>>)
      tpu.yield
    }) : () -> ()
    %add3A_53 = arith.constant 0 : i32
    %add3A_54 = arith.addi %add3A_50, %add3A_53 : i32
    "tpu.region"() ({
      %run_scoped3A = tpu.sem_alloc : memref<!tpu.dma_semaphore, #tpu.memory_space<semaphore_mem>>
      %dma_start3A_71 = arith.constant 0 : i32
      %dma_start3A_72 = tpu.memref_slice %arg6[%add3A_54, %dma_start3A_71] : memref<20480x128xf32, #tpu.memory_space<hbm>> -> memref<128x128xf32, #tpu.memory_space<hbm>>
      %dma_start3A_73 = arith.constant 0 : i32
      %dma_start3A_74 = tpu.memref_slice %arg6[%add3A_54, %dma_start3A_73] : memref<20480x128xf32, #tpu.memory_space<hbm>> -> memref<128x128xf32, #tpu.memory_space<hbm>>
      tpu.enqueue_dma source(%arg9 : memref<128x128xf32, #tpu.memory_space<vmem>>) target(%dma_start3A_74 : memref<128x128xf32, #tpu.memory_space<hbm>>) target_semaphore(%run_scoped3A : memref<!tpu.dma_semaphore, #tpu.memory_space<semaphore_mem>>)
      %dma_wait3A = arith.constant 0 : i32
      %dma_wait3A_75 = tpu.memref_slice %arg6[%add3A_54, %dma_wait3A] : memref<20480x128xf32, #tpu.memory_space<hbm>> -> memref<128x128xf32, #tpu.memory_space<hbm>>
      %dma_wait3A_76 = arith.constant 0 : i32
      %dma_wait3A_77 = tpu.memref_slice %arg6[%add3A_54, %dma_wait3A_76] : memref<20480x128xf32, #tpu.memory_space<hbm>> -> memref<128x128xf32, #tpu.memory_space<hbm>>
      tpu.wait_dma2 semaphore(%run_scoped3A : memref<!tpu.dma_semaphore, #tpu.memory_space<semaphore_mem>>) src(%arg9 : memref<128x128xf32, #tpu.memory_space<vmem>>) dst(%dma_wait3A_77 : memref<128x128xf32, #tpu.memory_space<hbm>>)
      tpu.yield
    }) : () -> ()
    %add3A_55 = arith.constant 128 : i32
    %add3A_56 = arith.addi %mul3A_2, %add3A_55 : i32
    "tpu.region"() ({
      %run_scoped3A = tpu.sem_alloc : memref<!tpu.dma_semaphore, #tpu.memory_space<semaphore_mem>>
      %dma_start3A_71 = arith.constant 0 : i32
      %dma_start3A_72 = tpu.memref_slice %arg11[%add3A_56, %dma_start3A_71] : memref<10240x128xf32, #tpu.memory_space<vmem_shared>> -> memref<128x128xf32, #tpu.memory_space<vmem_shared>>
      %dma_start3A_73 = arith.constant 0 : i32
      %dma_start3A_74 = tpu.memref_slice %arg11[%add3A_56, %dma_start3A_73] : memref<10240x128xf32, #tpu.memory_space<vmem_shared>> -> memref<128x128xf32, #tpu.memory_space<vmem_shared>>
      tpu.enqueue_dma source(%dma_start3A_74 : memref<128x128xf32, #tpu.memory_space<vmem_shared>>) target(%arg9 : memref<128x128xf32, #tpu.memory_space<vmem>>) target_semaphore(%run_scoped3A : memref<!tpu.dma_semaphore, #tpu.memory_space<semaphore_mem>>)
      %dma_wait3A = arith.constant 0 : i32
      %dma_wait3A_75 = tpu.memref_slice %arg11[%add3A_56, %dma_wait3A] : memref<10240x128xf32, #tpu.memory_space<vmem_shared>> -> memref<128x128xf32, #tpu.memory_space<vmem_shared>>
      %dma_wait3A_76 = arith.constant 0 : i32
      %dma_wait3A_77 = tpu.memref_slice %arg11[%add3A_56, %dma_wait3A_76] : memref<10240x128xf32, #tpu.memory_space<vmem_shared>> -> memref<128x128xf32, #tpu.memory_space<vmem_shared>>
      tpu.wait_dma2 semaphore(%run_scoped3A : memref<!tpu.dma_semaphore, #tpu.memory_space<semaphore_mem>>) src(%dma_wait3A_77 : memref<128x128xf32, #tpu.memory_space<vmem_shared>>) dst(%arg9 : memref<128x128xf32, #tpu.memory_space<vmem>>)
      tpu.yield
    }) : () -> ()
    %add3A_57 = arith.constant 128 : i32
    %add3A_58 = arith.addi %add3A_50, %add3A_57 : i32
    "tpu.region"() ({
      %run_scoped3A = tpu.sem_alloc : memref<!tpu.dma_semaphore, #tpu.memory_space<semaphore_mem>>
      %dma_start3A_71 = arith.constant 0 : i32
      %dma_start3A_72 = tpu.memref_slice %arg6[%add3A_58, %dma_start3A_71] : memref<20480x128xf32, #tpu.memory_space<hbm>> -> memref<128x128xf32, #tpu.memory_space<hbm>>
      %dma_start3A_73 = arith.constant 0 : i32
      %dma_start3A_74 = tpu.memref_slice %arg6[%add3A_58, %dma_start3A_73] : memref<20480x128xf32, #tpu.memory_space<hbm>> -> memref<128x128xf32, #tpu.memory_space<hbm>>
      tpu.enqueue_dma source(%arg9 : memref<128x128xf32, #tpu.memory_space<vmem>>) target(%dma_start3A_74 : memref<128x128xf32, #tpu.memory_space<hbm>>) target_semaphore(%run_scoped3A : memref<!tpu.dma_semaphore, #tpu.memory_space<semaphore_mem>>)
      %dma_wait3A = arith.constant 0 : i32
      %dma_wait3A_75 = tpu.memref_slice %arg6[%add3A_58, %dma_wait3A] : memref<20480x128xf32, #tpu.memory_space<hbm>> -> memref<128x128xf32, #tpu.memory_space<hbm>>
      %dma_wait3A_76 = arith.constant 0 : i32
      %dma_wait3A_77 = tpu.memref_slice %arg6[%add3A_58, %dma_wait3A_76] : memref<20480x128xf32, #tpu.memory_space<hbm>> -> memref<128x128xf32, #tpu.memory_space<hbm>>
      tpu.wait_dma2 semaphore(%run_scoped3A : memref<!tpu.dma_semaphore, #tpu.memory_space<semaphore_mem>>) src(%arg9 : memref<128x128xf32, #tpu.memory_space<vmem>>) dst(%dma_wait3A_77 : memref<128x128xf32, #tpu.memory_space<hbm>>)
      tpu.yield
    }) : () -> ()
    %add3A_59 = arith.constant 256 : i32
    %add3A_60 = arith.addi %mul3A_2, %add3A_59 : i32
    "tpu.region"() ({
      %run_scoped3A = tpu.sem_alloc : memref<!tpu.dma_semaphore, #tpu.memory_space<semaphore_mem>>
      %dma_start3A_71 = arith.constant 0 : i32
      %dma_start3A_72 = tpu.memref_slice %arg11[%add3A_60, %dma_start3A_71] : memref<10240x128xf32, #tpu.memory_space<vmem_shared>> -> memref<128x128xf32, #tpu.memory_space<vmem_shared>>
      %dma_start3A_73 = arith.constant 0 : i32
      %dma_start3A_74 = tpu.memref_slice %arg11[%add3A_60, %dma_start3A_73] : memref<10240x128xf32, #tpu.memory_space<vmem_shared>> -> memref<128x128xf32, #tpu.memory_space<vmem_shared>>
      tpu.enqueue_dma source(%dma_start3A_74 : memref<128x128xf32, #tpu.memory_space<vmem_shared>>) target(%arg9 : memref<128x128xf32, #tpu.memory_space<vmem>>) target_semaphore(%run_scoped3A : memref<!tpu.dma_semaphore, #tpu.memory_space<semaphore_mem>>)
      %dma_wait3A = arith.constant 0 : i32
      %dma_wait3A_75 = tpu.memref_slice %arg11[%add3A_60, %dma_wait3A] : memref<10240x128xf32, #tpu.memory_space<vmem_shared>> -> memref<128x128xf32, #tpu.memory_space<vmem_shared>>
      %dma_wait3A_76 = arith.constant 0 : i32
      %dma_wait3A_77 = tpu.memref_slice %arg11[%add3A_60, %dma_wait3A_76] : memref<10240x128xf32, #tpu.memory_space<vmem_shared>> -> memref<128x128xf32, #tpu.memory_space<vmem_shared>>
      tpu.wait_dma2 semaphore(%run_scoped3A : memref<!tpu.dma_semaphore, #tpu.memory_space<semaphore_mem>>) src(%dma_wait3A_77 : memref<128x128xf32, #tpu.memory_space<vmem_shared>>) dst(%arg9 : memref<128x128xf32, #tpu.memory_space<vmem>>)
      tpu.yield
    }) : () -> ()
    %add3A_61 = arith.constant 256 : i32
    %add3A_62 = arith.addi %add3A_50, %add3A_61 : i32
    "tpu.region"() ({
      %run_scoped3A = tpu.sem_alloc : memref<!tpu.dma_semaphore, #tpu.memory_space<semaphore_mem>>
      %dma_start3A_71 = arith.constant 0 : i32
      %dma_start3A_72 = tpu.memref_slice %arg6[%add3A_62, %dma_start3A_71] : memref<20480x128xf32, #tpu.memory_space<hbm>> -> memref<128x128xf32, #tpu.memory_space<hbm>>
      %dma_start3A_73 = arith.constant 0 : i32
      %dma_start3A_74 = tpu.memref_slice %arg6[%add3A_62, %dma_start3A_73] : memref<20480x128xf32, #tpu.memory_space<hbm>> -> memref<128x128xf32, #tpu.memory_space<hbm>>
      tpu.enqueue_dma source(%arg9 : memref<128x128xf32, #tpu.memory_space<vmem>>) target(%dma_start3A_74 : memref<128x128xf32, #tpu.memory_space<hbm>>) target_semaphore(%run_scoped3A : memref<!tpu.dma_semaphore, #tpu.memory_space<semaphore_mem>>)
      %dma_wait3A = arith.constant 0 : i32
      %dma_wait3A_75 = tpu.memref_slice %arg6[%add3A_62, %dma_wait3A] : memref<20480x128xf32, #tpu.memory_space<hbm>> -> memref<128x128xf32, #tpu.memory_space<hbm>>
      %dma_wait3A_76 = arith.constant 0 : i32
      %dma_wait3A_77 = tpu.memref_slice %arg6[%add3A_62, %dma_wait3A_76] : memref<20480x128xf32, #tpu.memory_space<hbm>> -> memref<128x128xf32, #tpu.memory_space<hbm>>
      tpu.wait_dma2 semaphore(%run_scoped3A : memref<!tpu.dma_semaphore, #tpu.memory_space<semaphore_mem>>) src(%arg9 : memref<128x128xf32, #tpu.memory_space<vmem>>) dst(%dma_wait3A_77 : memref<128x128xf32, #tpu.memory_space<hbm>>)
      tpu.yield
    }) : () -> ()
    %add3A_63 = arith.constant 384 : i32
    %add3A_64 = arith.addi %mul3A_2, %add3A_63 : i32
    "tpu.region"() ({
      %run_scoped3A = tpu.sem_alloc : memref<!tpu.dma_semaphore, #tpu.memory_space<semaphore_mem>>
      %dma_start3A_71 = arith.constant 0 : i32
      %dma_start3A_72 = tpu.memref_slice %arg11[%add3A_64, %dma_start3A_71] : memref<10240x128xf32, #tpu.memory_space<vmem_shared>> -> memref<128x128xf32, #tpu.memory_space<vmem_shared>>
      %dma_start3A_73 = arith.constant 0 : i32
      %dma_start3A_74 = tpu.memref_slice %arg11[%add3A_64, %dma_start3A_73] : memref<10240x128xf32, #tpu.memory_space<vmem_shared>> -> memref<128x128xf32, #tpu.memory_space<vmem_shared>>
      tpu.enqueue_dma source(%dma_start3A_74 : memref<128x128xf32, #tpu.memory_space<vmem_shared>>) target(%arg9 : memref<128x128xf32, #tpu.memory_space<vmem>>) target_semaphore(%run_scoped3A : memref<!tpu.dma_semaphore, #tpu.memory_space<semaphore_mem>>)
      %dma_wait3A = arith.constant 0 : i32
      %dma_wait3A_75 = tpu.memref_slice %arg11[%add3A_64, %dma_wait3A] : memref<10240x128xf32, #tpu.memory_space<vmem_shared>> -> memref<128x128xf32, #tpu.memory_space<vmem_shared>>
      %dma_wait3A_76 = arith.constant 0 : i32
      %dma_wait3A_77 = tpu.memref_slice %arg11[%add3A_64, %dma_wait3A_76] : memref<10240x128xf32, #tpu.memory_space<vmem_shared>> -> memref<128x128xf32, #tpu.memory_space<vmem_shared>>
      tpu.wait_dma2 semaphore(%run_scoped3A : memref<!tpu.dma_semaphore, #tpu.memory_space<semaphore_mem>>) src(%dma_wait3A_77 : memref<128x128xf32, #tpu.memory_space<vmem_shared>>) dst(%arg9 : memref<128x128xf32, #tpu.memory_space<vmem>>)
      tpu.yield
    }) : () -> ()
    %add3A_65 = arith.constant 384 : i32
    %add3A_66 = arith.addi %add3A_50, %add3A_65 : i32
    "tpu.region"() ({
      %run_scoped3A = tpu.sem_alloc : memref<!tpu.dma_semaphore, #tpu.memory_space<semaphore_mem>>
      %dma_start3A_71 = arith.constant 0 : i32
      %dma_start3A_72 = tpu.memref_slice %arg6[%add3A_66, %dma_start3A_71] : memref<20480x128xf32, #tpu.memory_space<hbm>> -> memref<128x128xf32, #tpu.memory_space<hbm>>
      %dma_start3A_73 = arith.constant 0 : i32
      %dma_start3A_74 = tpu.memref_slice %arg6[%add3A_66, %dma_start3A_73] : memref<20480x128xf32, #tpu.memory_space<hbm>> -> memref<128x128xf32, #tpu.memory_space<hbm>>
      tpu.enqueue_dma source(%arg9 : memref<128x128xf32, #tpu.memory_space<vmem>>) target(%dma_start3A_74 : memref<128x128xf32, #tpu.memory_space<hbm>>) target_semaphore(%run_scoped3A : memref<!tpu.dma_semaphore, #tpu.memory_space<semaphore_mem>>)
      %dma_wait3A = arith.constant 0 : i32
      %dma_wait3A_75 = tpu.memref_slice %arg6[%add3A_66, %dma_wait3A] : memref<20480x128xf32, #tpu.memory_space<hbm>> -> memref<128x128xf32, #tpu.memory_space<hbm>>
      %dma_wait3A_76 = arith.constant 0 : i32
      %dma_wait3A_77 = tpu.memref_slice %arg6[%add3A_66, %dma_wait3A_76] : memref<20480x128xf32, #tpu.memory_space<hbm>> -> memref<128x128xf32, #tpu.memory_space<hbm>>
      tpu.wait_dma2 semaphore(%run_scoped3A : memref<!tpu.dma_semaphore, #tpu.memory_space<semaphore_mem>>) src(%arg9 : memref<128x128xf32, #tpu.memory_space<vmem>>) dst(%dma_wait3A_77 : memref<128x128xf32, #tpu.memory_space<hbm>>)
      tpu.yield
    }) : () -> ()
    %add3A_67 = arith.constant 512 : i32
    %add3A_68 = arith.addi %mul3A_2, %add3A_67 : i32
    "tpu.region"() ({
      %run_scoped3A = tpu.sem_alloc : memref<!tpu.dma_semaphore, #tpu.memory_space<semaphore_mem>>
      %dma_start3A_71 = arith.constant 0 : i32
      %dma_start3A_72 = tpu.memref_slice %arg11[%add3A_68, %dma_start3A_71] : memref<10240x128xf32, #tpu.memory_space<vmem_shared>> -> memref<128x128xf32, #tpu.memory_space<vmem_shared>>
      %dma_start3A_73 = arith.constant 0 : i32
      %dma_start3A_74 = tpu.memref_slice %arg11[%add3A_68, %dma_start3A_73] : memref<10240x128xf32, #tpu.memory_space<vmem_shared>> -> memref<128x128xf32, #tpu.memory_space<vmem_shared>>
      tpu.enqueue_dma source(%dma_start3A_74 : memref<128x128xf32, #tpu.memory_space<vmem_shared>>) target(%arg9 : memref<128x128xf32, #tpu.memory_space<vmem>>) target_semaphore(%run_scoped3A : memref<!tpu.dma_semaphore, #tpu.memory_space<semaphore_mem>>)
      %dma_wait3A = arith.constant 0 : i32
      %dma_wait3A_75 = tpu.memref_slice %arg11[%add3A_68, %dma_wait3A] : memref<10240x128xf32, #tpu.memory_space<vmem_shared>> -> memref<128x128xf32, #tpu.memory_space<vmem_shared>>
      %dma_wait3A_76 = arith.constant 0 : i32
      %dma_wait3A_77 = tpu.memref_slice %arg11[%add3A_68, %dma_wait3A_76] : memref<10240x128xf32, #tpu.memory_space<vmem_shared>> -> memref<128x128xf32, #tpu.memory_space<vmem_shared>>
      tpu.wait_dma2 semaphore(%run_scoped3A : memref<!tpu.dma_semaphore, #tpu.memory_space<semaphore_mem>>) src(%dma_wait3A_77 : memref<128x128xf32, #tpu.memory_space<vmem_shared>>) dst(%arg9 : memref<128x128xf32, #tpu.memory_space<vmem>>)
      tpu.yield
    }) : () -> ()
    %add3A_69 = arith.constant 512 : i32
    %add3A_70 = arith.addi %add3A_50, %add3A_69 : i32
    "tpu.region"() ({
      %run_scoped3A = tpu.sem_alloc : memref<!tpu.dma_semaphore, #tpu.memory_space<semaphore_mem>>
      %dma_start3A_71 = arith.constant 0 : i32
      %dma_start3A_72 = tpu.memref_slice %arg6[%add3A_70, %dma_start3A_71] : memref<20480x128xf32, #tpu.memory_space<hbm>> -> memref<128x128xf32, #tpu.memory_space<hbm>>
      %dma_start3A_73 = arith.constant 0 : i32
      %dma_start3A_74 = tpu.memref_slice %arg6[%add3A_70, %dma_start3A_73] : memref<20480x128xf32, #tpu.memory_space<hbm>> -> memref<128x128xf32, #tpu.memory_space<hbm>>
      tpu.enqueue_dma source(%arg9 : memref<128x128xf32, #tpu.memory_space<vmem>>) target(%dma_start3A_74 : memref<128x128xf32, #tpu.memory_space<hbm>>) target_semaphore(%run_scoped3A : memref<!tpu.dma_semaphore, #tpu.memory_space<semaphore_mem>>)
      %dma_wait3A = arith.constant 0 : i32
      %dma_wait3A_75 = tpu.memref_slice %arg6[%add3A_70, %dma_wait3A] : memref<20480x128xf32, #tpu.memory_space<hbm>> -> memref<128x128xf32, #tpu.memory_space<hbm>>
      %dma_wait3A_76 = arith.constant 0 : i32
      %dma_wait3A_77 = tpu.memref_slice %arg6[%add3A_70, %dma_wait3A_76] : memref<20480x128xf32, #tpu.memory_space<hbm>> -> memref<128x128xf32, #tpu.memory_space<hbm>>
      tpu.wait_dma2 semaphore(%run_scoped3A : memref<!tpu.dma_semaphore, #tpu.memory_space<semaphore_mem>>) src(%arg9 : memref<128x128xf32, #tpu.memory_space<vmem>>) dst(%dma_wait3A_77 : memref<128x128xf32, #tpu.memory_space<hbm>>)
      tpu.yield
    }) : () -> ()
    return
  }
}

module attributes {stable_mosaic.version = 14 : i64} {
  func.func @_combine_body(%arg0: i32, %arg1: memref<2x1024x128xf32, #tpu.memory_space<vmem>>, %arg2: memref<2x8x128xf32, #tpu.memory_space<vmem>>, %arg3: memref<1024x128xf32, #tpu.memory_space<vmem>>, %arg4: memref<128x128xf32, #tpu.memory_space<vmem>>, %arg5: memref<128x128xf32, #tpu.memory_space<vmem>>, %arg6: memref<8x128xf32, #tpu.memory_space<vmem>>, %arg7: memref<1024x128xf32, #tpu.memory_space<vmem>>) attributes {dimension_semantics = [#tpu.dimension_semantics<arbitrary>], iteration_bounds = array<i64: 10>, scalar_prefetch = 0 : i64, scratch_operands = 0 : i64, tpu.core_type = #tpu.core_type<tc>, window_params = [{transform_indices = @transform_0, window_bounds = array<i64: 2, 1024, 128>}, {transform_indices = @transform_1, window_bounds = array<i64: 2, 8, 128>}, {transform_indices = @transform_2, window_bounds = array<i64: 1024, 128>}, {pipeline_mode = #tpu.pipeline_mode<synchronous>, transform_indices = @transform_3, window_bounds = array<i64: 128, 128>}, {pipeline_mode = #tpu.pipeline_mode<synchronous>, transform_indices = @transform_4, window_bounds = array<i64: 128, 128>}, {pipeline_mode = #tpu.pipeline_mode<synchronous>, transform_indices = @transform_5, window_bounds = array<i64: 8, 128>}, {transform_indices = @transform_6, window_bounds = array<i64: 1024, 128>}]} {
    %get3A = arith.constant 0 : index
    %get3A_0 = arith.constant 0 : index
    %get3A_1 = arith.constant 0 : index
    %get3A_2 = vector.load %arg1[%get3A, %get3A_0, %get3A_1] : memref<2x1024x128xf32, #tpu.memory_space<vmem>>, vector<1x1024x128xf32>
    %get3A_3 = vector.shape_cast %get3A_2 : vector<1x1024x128xf32> to vector<1024x128xf32>
    %get3A_4 = arith.constant 1 : index
    %get3A_5 = arith.constant 0 : index
    %get3A_6 = arith.constant 0 : index
    %get3A_7 = vector.load %arg1[%get3A_4, %get3A_5, %get3A_6] : memref<2x1024x128xf32, #tpu.memory_space<vmem>>, vector<1x1024x128xf32>
    %get3A_8 = vector.shape_cast %get3A_7 : vector<1x1024x128xf32> to vector<1024x128xf32>
    %add3A = arith.addf %get3A_3, %get3A_8 : vector<1024x128xf32>
    %get3A_9 = arith.constant 0 : index
    %get3A_10 = arith.constant 0 : index
    %get3A_11 = arith.constant 0 : index
    %get3A_12 = vector.load %arg2[%get3A_9, %get3A_10, %get3A_11] : memref<2x8x128xf32, #tpu.memory_space<vmem>>, vector<1x8x128xf32>
    %get3A_13 = vector.shape_cast %get3A_12 : vector<1x8x128xf32> to vector<8x128xf32>
    %get3A_14 = arith.constant 1 : index
    %get3A_15 = arith.constant 0 : index
    %get3A_16 = arith.constant 0 : index
    %get3A_17 = vector.load %arg2[%get3A_14, %get3A_15, %get3A_16] : memref<2x8x128xf32, #tpu.memory_space<vmem>>, vector<1x8x128xf32>
    %get3A_18 = vector.shape_cast %get3A_17 : vector<1x8x128xf32> to vector<8x128xf32>
    %add3A_19 = arith.addf %get3A_13, %get3A_18 : vector<8x128xf32>
    %reshape3A = vector.shape_cast %add3A_19 : vector<8x128xf32> to vector<1024xf32>
    %jit3A = arith.constant 1.000000e+00 : f32
    %max3A = vector.broadcast %jit3A : f32 to vector<1024xf32>
    %max3A_20 = arith.maximumf %max3A, %reshape3A : vector<1024xf32>
    %broadcast_in_dim3A = vector.shape_cast %max3A_20 : vector<1024xf32> to vector<1024x1xf32>
    %div3A = vector.broadcast %broadcast_in_dim3A : vector<1024x1xf32> to vector<1024x128xf32>
    %div3A_21 = arith.divf %add3A, %div3A : vector<1024x128xf32>
    %get3A_22 = arith.constant 0 : index
    %get3A_23 = arith.constant 0 : index
    %get3A_24 = vector.load %arg4[%get3A_22, %get3A_23] : memref<128x128xf32, #tpu.memory_space<vmem>>, vector<128x128xf32>
    %dot_general3A = arith.constant dense<0.000000e+00> : vector<1024x128xf32>
    %dot_general3A_25 = tpu.matmul %div3A_21, %get3A_24, %dot_general3A {dimension_numbers = #tpu.dot_dimension_numbers<[1], [0], [0], [1], [0, 0, 1, 1], [], []>, transpose_lhs_hint = false} : vector<1024x128xf32>, vector<128x128xf32>, vector<1024x128xf32> -> vector<1024x128xf32>
    %get3A_26 = arith.constant 0 : index
    %get3A_27 = arith.constant 0 : index
    %get3A_28 = vector.load %arg3[%get3A_26, %get3A_27] : memref<1024x128xf32, #tpu.memory_space<vmem>>, vector<1024x128xf32>
    %get3A_29 = arith.constant 0 : index
    %get3A_30 = arith.constant 0 : index
    %get3A_31 = vector.load %arg5[%get3A_29, %get3A_30] : memref<128x128xf32, #tpu.memory_space<vmem>>, vector<128x128xf32>
    %dot_general3A_32 = arith.constant dense<0.000000e+00> : vector<1024x128xf32>
    %dot_general3A_33 = tpu.matmul %get3A_28, %get3A_31, %dot_general3A_32 {dimension_numbers = #tpu.dot_dimension_numbers<[1], [0], [0], [1], [0, 0, 1, 1], [], []>, transpose_lhs_hint = false} : vector<1024x128xf32>, vector<128x128xf32>, vector<1024x128xf32> -> vector<1024x128xf32>
    %add3A_34 = arith.addf %dot_general3A_25, %dot_general3A_33 : vector<1024x128xf32>
    %get3A_35 = arith.constant 0 : index
    %get3A_36 = arith.constant 0 : index
    %get3A_37 = vector.load %arg6[%get3A_35, %get3A_36] : memref<8x128xf32, #tpu.memory_space<vmem>>, vector<1x128xf32>
    %add3A_38 = vector.broadcast %get3A_37 : vector<1x128xf32> to vector<1024x128xf32>
    %add3A_39 = arith.addf %add3A_34, %add3A_38 : vector<1024x128xf32>
    %swap3A = arith.constant 0 : index
    %swap3A_40 = arith.constant 0 : index
    %swap3A_41 = vector.load %arg7[%swap3A, %swap3A_40] : memref<1024x128xf32, #tpu.memory_space<vmem>>, vector<1024x128xf32>
    tpu.vector_store %arg7[%swap3A, %swap3A_40], %add3A_39 {strides = array<i32>} : memref<1024x128xf32, #tpu.memory_space<vmem>>, vector<1024x128xf32>,
    return
  }
  func.func @transform_0(%arg0: i32) -> (i32, i32, i32) {
    %c0_i32 = arith.constant 0 : i32
    %c0_i32_0 = arith.constant 0 : i32
    %c0_i32_1 = arith.constant 0 : i32
    return %c0_i32, %arg0, %c0_i32_0 : i32, i32, i32
  }
  func.func @transform_1(%arg0: i32) -> (i32, i32, i32) {
    %c0_i32 = arith.constant 0 : i32
    %c0_i32_0 = arith.constant 0 : i32
    %c0_i32_1 = arith.constant 0 : i32
    return %c0_i32, %arg0, %c0_i32_0 : i32, i32, i32
  }
  func.func @transform_2(%arg0: i32) -> (i32, i32) {
    %c0_i32 = arith.constant 0 : i32
    %c0_i32_0 = arith.constant 0 : i32
    return %arg0, %c0_i32 : i32, i32
  }
  func.func @transform_3(%arg0: i32) -> (i32, i32) {
    %c0_i32 = arith.constant 0 : i32
    %c0_i32_0 = arith.constant 0 : i32
    %c0_i32_1 = arith.constant 0 : i32
    return %c0_i32, %c0_i32_0 : i32, i32
  }
  func.func @transform_4(%arg0: i32) -> (i32, i32) {
    %c0_i32 = arith.constant 0 : i32
    %c0_i32_0 = arith.constant 0 : i32
    %c0_i32_1 = arith.constant 0 : i32
    return %c0_i32, %c0_i32_0 : i32, i32
  }
  func.func @transform_5(%arg0: i32) -> (i32, i32) {
    %c0_i32 = arith.constant 0 : i32
    %c0_i32_0 = arith.constant 0 : i32
    %c0_i32_1 = arith.constant 0 : i32
    return %c0_i32, %c0_i32_0 : i32, i32
  }
  func.func @transform_6(%arg0: i32) -> (i32, i32) {
    %c0_i32 = arith.constant 0 : i32
    %c0_i32_0 = arith.constant 0 : i32
    return %arg0, %c0_i32 : i32, i32
  }
}

module attributes {stable_mosaic.version = 14 : i64} {
  func.func @_combine_body(%arg0: i32, %arg1: memref<2x1024x128xf32, #tpu.memory_space<vmem>>, %arg2: memref<2x8x128xf32, #tpu.memory_space<vmem>>, %arg3: memref<1024x128xf32, #tpu.memory_space<vmem>>, %arg4: memref<128x128xf32, #tpu.memory_space<vmem>>, %arg5: memref<128x128xf32, #tpu.memory_space<vmem>>, %arg6: memref<8x128xf32, #tpu.memory_space<vmem>>, %arg7: memref<1024x128xf32, #tpu.memory_space<vmem>>) attributes {dimension_semantics = [#tpu.dimension_semantics<arbitrary>], iteration_bounds = array<i64: 10>, scalar_prefetch = 0 : i64, scratch_operands = 0 : i64, tpu.core_type = #tpu.core_type<tc>, window_params = [{transform_indices = @transform_0, window_bounds = array<i64: 2, 1024, 128>}, {transform_indices = @transform_1, window_bounds = array<i64: 2, 8, 128>}, {transform_indices = @transform_2, window_bounds = array<i64: 1024, 128>}, {pipeline_mode = #tpu.pipeline_mode<synchronous>, transform_indices = @transform_3, window_bounds = array<i64: 128, 128>}, {pipeline_mode = #tpu.pipeline_mode<synchronous>, transform_indices = @transform_4, window_bounds = array<i64: 128, 128>}, {pipeline_mode = #tpu.pipeline_mode<synchronous>, transform_indices = @transform_5, window_bounds = array<i64: 8, 128>}, {transform_indices = @transform_6, window_bounds = array<i64: 1024, 128>}]} {
    %get3A = arith.constant 0 : index
    %get3A_0 = arith.constant 0 : index
    %get3A_1 = arith.constant 0 : index
    %get3A_2 = vector.load %arg1[%get3A, %get3A_0, %get3A_1] : memref<2x1024x128xf32, #tpu.memory_space<vmem>>, vector<1x1024x128xf32>
    %get3A_3 = vector.shape_cast %get3A_2 : vector<1x1024x128xf32> to vector<1024x128xf32>
    %get3A_4 = arith.constant 1 : index
    %get3A_5 = arith.constant 0 : index
    %get3A_6 = arith.constant 0 : index
    %get3A_7 = vector.load %arg1[%get3A_4, %get3A_5, %get3A_6] : memref<2x1024x128xf32, #tpu.memory_space<vmem>>, vector<1x1024x128xf32>
    %get3A_8 = vector.shape_cast %get3A_7 : vector<1x1024x128xf32> to vector<1024x128xf32>
    %add3A = arith.addf %get3A_3, %get3A_8 : vector<1024x128xf32>
    %get3A_9 = arith.constant 0 : index
    %get3A_10 = arith.constant 0 : index
    %get3A_11 = arith.constant 0 : index
    %get3A_12 = vector.load %arg2[%get3A_9, %get3A_10, %get3A_11] : memref<2x8x128xf32, #tpu.memory_space<vmem>>, vector<1x8x128xf32>
    %get3A_13 = vector.shape_cast %get3A_12 : vector<1x8x128xf32> to vector<8x128xf32>
    %get3A_14 = arith.constant 1 : index
    %get3A_15 = arith.constant 0 : index
    %get3A_16 = arith.constant 0 : index
    %get3A_17 = vector.load %arg2[%get3A_14, %get3A_15, %get3A_16] : memref<2x8x128xf32, #tpu.memory_space<vmem>>, vector<1x8x128xf32>
    %get3A_18 = vector.shape_cast %get3A_17 : vector<1x8x128xf32> to vector<8x128xf32>
    %add3A_19 = arith.addf %get3A_13, %get3A_18 : vector<8x128xf32>
    %reshape3A = vector.shape_cast %add3A_19 : vector<8x128xf32> to vector<1024xf32>
    %jit3A = arith.constant 1.000000e+00 : f32
    %max3A = vector.broadcast %jit3A : f32 to vector<1024xf32>
    %max3A_20 = arith.maximumf %max3A, %reshape3A : vector<1024xf32>
    %broadcast_in_dim3A = vector.shape_cast %max3A_20 : vector<1024xf32> to vector<1024x1xf32>
    %div3A = vector.broadcast %broadcast_in_dim3A : vector<1024x1xf32> to vector<1024x128xf32>
    %div3A_21 = arith.divf %add3A, %div3A : vector<1024x128xf32>
    %get3A_22 = arith.constant 0 : index
    %get3A_23 = arith.constant 0 : index
    %get3A_24 = vector.load %arg4[%get3A_22, %get3A_23] : memref<128x128xf32, #tpu.memory_space<vmem>>, vector<128x128xf32>
    %dot_general3A = arith.constant dense<0.000000e+00> : vector<1024x128xf32>
    %dot_general3A_25 = tpu.matmul %div3A_21, %get3A_24, %dot_general3A {dimension_numbers = #tpu.dot_dimension_numbers<[1], [0], [0], [1], [0, 0, 1, 1], [], []>, transpose_lhs_hint = false} : vector<1024x128xf32>, vector<128x128xf32>, vector<1024x128xf32> -> vector<1024x128xf32>
    %get3A_26 = arith.constant 0 : index
    %get3A_27 = arith.constant 0 : index
    %get3A_28 = vector.load %arg3[%get3A_26, %get3A_27] : memref<1024x128xf32, #tpu.memory_space<vmem>>, vector<1024x128xf32>
    %get3A_29 = arith.constant 0 : index
    %get3A_30 = arith.constant 0 : index
    %get3A_31 = vector.load %arg5[%get3A_29, %get3A_30] : memref<128x128xf32, #tpu.memory_space<vmem>>, vector<128x128xf32>
    %dot_general3A_32 = arith.constant dense<0.000000e+00> : vector<1024x128xf32>
    %dot_general3A_33 = tpu.matmul %get3A_28, %get3A_31, %dot_general3A_32 {dimension_numbers = #tpu.dot_dimension_numbers<[1], [0], [0], [1], [0, 0, 1, 1], [], []>, transpose_lhs_hint = false} : vector<1024x128xf32>, vector<128x128xf32>, vector<1024x128xf32> -> vector<1024x128xf32>
    %add3A_34 = arith.addf %dot_general3A_25, %dot_general3A_33 : vector<1024x128xf32>
    %get3A_35 = arith.constant 0 : index
    %get3A_36 = arith.constant 0 : index
    %get3A_37 = vector.load %arg6[%get3A_35, %get3A_36] : memref<8x128xf32, #tpu.memory_space<vmem>>, vector<1x128xf32>
    %add3A_38 = vector.broadcast %get3A_37 : vector<1x128xf32> to vector<1024x128xf32>
    %add3A_39 = arith.addf %add3A_34, %add3A_38 : vector<1024x128xf32>
    %max3A_40 = arith.constant 0.000000e+00 : f32
    %max3A_41 = vector.broadcast %max3A_40 : f32 to vector<1024x128xf32>
    %max3A_42 = arith.maximumf %add3A_39, %max3A_41 : vector<1024x128xf32>
    %swap3A = arith.constant 0 : index
    %swap3A_43 = arith.constant 0 : index
    %swap3A_44 = vector.load %arg7[%swap3A, %swap3A_43] : memref<1024x128xf32, #tpu.memory_space<vmem>>, vector<1024x128xf32>
    tpu.vector_store %arg7[%swap3A, %swap3A_43], %max3A_42 {strides = array<i32>} : memref<1024x128xf32, #tpu.memory_space<vmem>>, vector<1024x128xf32>,
    return
  }
  func.func @transform_0(%arg0: i32) -> (i32, i32, i32) {
    %c0_i32 = arith.constant 0 : i32
    %c0_i32_0 = arith.constant 0 : i32
    %c0_i32_1 = arith.constant 0 : i32
    return %c0_i32, %arg0, %c0_i32_0 : i32, i32, i32
  }
  func.func @transform_1(%arg0: i32) -> (i32, i32, i32) {
    %c0_i32 = arith.constant 0 : i32
    %c0_i32_0 = arith.constant 0 : i32
    %c0_i32_1 = arith.constant 0 : i32
    return %c0_i32, %arg0, %c0_i32_0 : i32, i32, i32
  }
  func.func @transform_2(%arg0: i32) -> (i32, i32) {
    %c0_i32 = arith.constant 0 : i32
    %c0_i32_0 = arith.constant 0 : i32
    return %arg0, %c0_i32 : i32, i32
  }
  func.func @transform_3(%arg0: i32) -> (i32, i32) {
    %c0_i32 = arith.constant 0 : i32
    %c0_i32_0 = arith.constant 0 : i32
    %c0_i32_1 = arith.constant 0 : i32
    return %c0_i32, %c0_i32_0 : i32, i32
  }
  func.func @transform_4(%arg0: i32) -> (i32, i32) {
    %c0_i32 = arith.constant 0 : i32
    %c0_i32_0 = arith.constant 0 : i32
    %c0_i32_1 = arith.constant 0 : i32
    return %c0_i32, %c0_i32_0 : i32, i32
  }
  func.func @transform_5(%arg0: i32) -> (i32, i32) {
    %c0_i32 = arith.constant 0 : i32
    %c0_i32_0 = arith.constant 0 : i32
    %c0_i32_1 = arith.constant 0 : i32
    return %c0_i32, %c0_i32_0 : i32, i32
  }
  func.func @transform_6(%arg0: i32) -> (i32, i32) {
    %c0_i32 = arith.constant 0 : i32
    %c0_i32_0 = arith.constant 0 : i32
    return %arg0, %c0_i32 : i32, i32
  }
}

</mosaic_0001>

<sc_bundles>
// kernel: kernel.10.cloned.1.call-start
scs
__scs_entry_jumppad:
0x0: {  	(pc) =	sbr.rel $0x88, $3  }
0x1: {  	(tag) =	ssettag $0x0;
	lr =	simm.s32 $0x1  }
0x2: {  	[smem:$0x3F99] =	sst lr;
	_ =	strace $0xD0000000  }
0x3: {  	_ = 	snop  }
0x4: {  	_ = 	snop  }
0x5: {  	_ = 	snop  }
0x6: {  	_ = 	snop  }
0x7: {  	_ = 	snop  }
__scs_overlays_trampoline_lowered:
0x8: {  	[smem:$0x3FA8] =	sst s0  }
0x9: {  	[smem:$0x3FA9] =	sst s1  }
0xa: {  	[smem:$0x3FAA] =	sst s2  }
0xb: {  	[smem:$0x3FAB] =	sst s3  }
0xc: {  	[smem:$0x3FAC] =	sst s4  }
0xd: {  	[smem:$0x3FAD] =	sst s5  }
0xe: {  	[smem:$0x3FAE] =	sst s6  }
0xf: {  	[smem:$0x3FAF] =	sst s7  }
0x10: {  	[smem:$0x3FB0] =	sst s8  }
0x11: {  	[smem:$0x3FB1] =	sst s9;
	s0 =	simm.s32 @!p0 $0x0  }
0x12: {  	s1 =	sld [smem:$0x3F97];
	s0 =	simm.s32 @p0 $0x1  }
0x13: {  	[smem:$0x3FB2] =	sst s0;
	s0 =	simm.s32 @!p1 $0x0  }
0x14: {  	s2 =	sld [smem:$0x3F96];
	s0 =	simm.s32 @p1 $0x1  }
0x15: {  	[smem:$0x3FB3] =	sst s0;
	s0 =	simm.s32 @!p2 $0x0  }
0x16: {  	s3 =	sld [smem:$0x3FDB];
	s0 =	simm.s32 @p2 $0x1  }
0x17: {  	s4 =	simm.s32 $0x1BF5;
	[smem:$0x3FB5] =	sst s0  }
0x18: {  	s0 =	sld [smem:$0x3F98];
	_ =	swait.ge [sflag:s4], $0x0  }
0x19: {  	s7 =	sld [smem:$0x3F99]  }
0x1a: {  	s8 =	sadd.s32 $0xFFFFE003, lr  }
0x1b: {  	s9 =	sadd.s32 $0xFFFFFEF7, lr;
	s5 =	simm.s32 $0xFFFFFFFF;
	p2 =	slt.u32 s8, $0xFFFFF086  }
0x1c: {  	p1 =	slt.u32 s9, $0xF7A;
	s5 =	simm.s32 @!p2 $0x0  }
0x1d: {  	s5 =	simm.s32 @p1 $0x1;
	p0 =	seq.s32 s7, s2  }
0x1e: {  	s7 =	smul.u32 @!p0 $0xF7A, s2;
	p2 =	seq.s32 @!p0 s5, $0x0  }
0x1f: {  	s9 =	smul.u32 $0xF7A, s1;
	s8 =	simm.s32 @!p0 $0x1BF5;
	p2 =	por !p2, p0  }
0x20: {  	[sflag:s8] =	ssyncset.s32 @!p0 $0xFFFFF086;
	s6 =	sadd.s32 @!p0 s3, s7;
	s7 =	simm.s32 @!p0 $0x108  }
0x21: {  	s3 =	sadd.s32 s3, s9;
	s6 =	sadd.s32 @!p0 $0x88, s6;
	s7 =	simm.s32 @p2 $0x1082  }
0x22: {  	[simem:s7], [sflag:s8] =	dma.local @!p0 [hbm:s6], $0xF7A  }
0x23: {  	s9 =	sor.u32 $0xD0000000, s2;
	s6 =	simm.s32 $0x108;
	_ =	swait.ge @!p0 [sflag:s8], $0x0  }
0x24: {  	s3 =	sadd.s32 $0x88, s3;
	s6 =	simm.s32 @!p1 $0x1082;
	[sflag:s4] =	ssyncset.s32 $0xFFFFF086  }
0x25: {  	[simem:s6], [sflag:s4] =	dma.local [hbm:s3], $0xF7A  }
0x26: {  	[smem:$0x3F99] =	sst s1;
	(tag) =	ssettag s2;
	_ =	strace s9  }
0x27: {  	s1 =	sld [smem:$0x3FA9]  }
0x28: {  	s2 =	sld [smem:$0x3FAA]  }
0x29: {  	s4 =	sld [smem:$0x3FAC]  }
0x2a: {  	p0 =	seq.s32 s5, $0x0;
	s5 =	sld [smem:$0x3FAD]  }
0x2b: {  	s6 =	sld [smem:$0x3FAE]  }
0x2c: {  	s7 =	sld [smem:$0x3FAF]  }
0x2d: {  	s3 =	simm.s32 $0x108;
	s8 =	sld [smem:$0x3FB0]  }
0x2e: {  	s3 =	simm.s32 @!p0 $0x1082;
	s9 =	sld [smem:$0x3FB1]  }
0x2f: {  	lr =	sadd.s32 s0, s3;
	s0 =	sld [smem:$0x3FA8]  }
0x30: {  	s3 =	sld [smem:$0x3FAB]  }
0x31: {  	[smem:$0x3FB4] =	sst s10  }
0x32: {  	s10 =	sld [smem:$0x3FB2];
	_ =	sdelay $0x3  }
0x33: {  	p0 =	seq.s32 s10, $0x1;
	s10 =	sld [smem:$0x3FB4];
	_ =	sdelay $0x3  }
0x34: {  	[smem:$0x3FB4] =	sst s10  }
0x35: {  	s10 =	sld [smem:$0x3FB3];
	_ =	sdelay $0x3  }
0x36: {  	p1 =	seq.s32 s10, $0x1;
	s10 =	sld [smem:$0x3FB4];
	_ =	sdelay $0x3  }
0x37: {  	[smem:$0x3FB4] =	sst s10  }
0x38: {  	s10 =	sld [smem:$0x3FB5]  }
0x39: {  	_ = 	snop;
	(pc) =	sbr.ind lr, $3  }
0x3a: {  	_ = 	snop  }
0x3b: {  	_ = 	snop  }
0x3c: {  	p2 =	seq.s32 s10, $0x1;
	s10 =	sld [smem:$0x3FB4]  }
0x3d: {  	_ =	shalt  }
0x3e: {  	_ =	shalt  }
0x3f: {  	_ =	shalt  }
0x40: {  	_ =	shalt  }
0x41: {  	_ =	shalt  }
0x42: {  	_ =	shalt  }
0x43: {  	_ =	shalt  }
0x44: {  	_ =	shalt  }
0x45: {  	_ =	shalt  }
0x46: {  	_ =	shalt  }
0x47: {  	_ =	shalt  }
0x48: {  	_ =	shalt  }
0x49: {  	_ =	shalt  }
0x4a: {  	_ =	shalt  }
0x4b: {  	_ =	shalt  }
0x4c: {  	_ =	shalt  }
0x4d: {  	_ =	shalt  }
0x4e: {  	_ =	shalt  }
0x4f: {  	_ =	shalt  }
0x50: {  	_ =	shalt  }
0x51: {  	_ =	shalt  }
0x52: {  	_ =	shalt  }
0x53: {  	_ =	shalt  }
0x54: {  	_ =	shalt  }
0x55: {  	_ =	shalt  }
0x56: {  	_ =	shalt  }
0x57: {  	_ =	shalt  }
0x58: {  	_ =	shalt  }
0x59: {  	_ =	shalt  }
0x5a: {  	_ =	shalt  }
0x5b: {  	_ =	shalt  }
0x5c: {  	_ =	shalt  }
0x5d: {  	_ =	shalt  }
0x5e: {  	_ =	shalt  }
0x5f: {  	_ =	shalt  }
0x60: {  	_ =	shalt  }
0x61: {  	_ =	shalt  }
0x62: {  	_ =	shalt  }
0x63: {  	_ =	shalt  }
0x64: {  	_ =	shalt  }
0x65: {  	_ =	shalt  }
0x66: {  	_ =	shalt  }
0x67: {  	_ =	shalt  }
0x68: {  	_ =	shalt  }
0x69: {  	_ =	shalt  }
0x6a: {  	_ =	shalt  }
0x6b: {  	_ =	shalt  }
0x6c: {  	_ =	shalt  }
0x6d: {  	_ =	shalt  }
0x6e: {  	_ =	shalt  }
0x6f: {  	_ =	shalt  }
0x70: {  	_ =	shalt  }
0x71: {  	_ =	shalt  }
0x72: {  	_ =	shalt  }
0x73: {  	_ =	shalt  }
0x74: {  	_ =	shalt  }
0x75: {  	_ =	shalt  }
0x76: {  	_ =	shalt  }
0x77: {  	_ =	shalt  }
0x78: {  	_ =	shalt  }
0x79: {  	_ =	shalt  }
0x7a: {  	_ =	shalt  }
0x7b: {  	_ =	shalt  }
0x7c: {  	_ =	shalt  }
0x7d: {  	_ =	shalt  }
0x7e: {  	_ =	shalt  }
0x7f: {  	_ =	shalt  }
0x80: {  	_ =	shalt  }
0x81: {  	_ =	shalt  }
0x82: {  	_ =	shalt  }
0x83: {  	_ =	shalt  }
0x84: {  	_ =	shalt  }
0x85: {  	_ =	shalt  }
0x86: {  	_ =	shalt  }
0x87: {  	_ =	shalt  }
.Lfunc_end0:
.L_simem_size_0:
called_computation.1_lowered:
.L_overlay_start_0:
0x88: {  	s2 =	sld [smem:$0x3FD9]  }
0x89: {  	s3 =	sld [smem:$0x3FFE];
	_ =	sdelay $0x1  }
0x8a: {  	s1 =	srdreg.scid  }
0x8b: {  	s0 =	sand.u32 $0x1, s1  }
0x8c: {  	s17 =	sshll.u32 s0, $0xA;
	s2 =	sadd.s32 s3, s2  }
0x8d: {  	s2 =	sadd.s32 s2, s17  }
0x8e: {  	[smem:$0x3FC0] =	sst s2  }
0x8f: {  	_ = 	snop  }
0x90: {  	s2 =	sld [smem:$0x3FC9]  }
0x91: {  	s18 =	sld [smem:$0x3FD0];
	(tm) =	ssettm $0x1  }
0x92: {  	s4 =	sld [smem:$0x3FFB];
	_ =	sdelay $0x3  }
0x93: {  	_ =	strace s4  }
0x94: {  	s4 =	sld [smem:$0x3FFC];
	_ =	sdelay $0x3  }
0x95: {  	_ =	strace s4  }
0x96: {  	s4 =	sld [smem:$0x3FFD];
	_ =	sdelay $0x3  }
0x97: {  	_ =	strace s4  }
0x98: {  	_ =	strace $0x8FFFFFFF  }
0x99: {  	s19 =	sld [smem:$0x3FDB];
	_ =	sdelay $0x1  }
0x9a: {  	s5 =	simm.s32 $_scs_section_size  }
0x9b: {  	s6 =	simm.s32 $_size__tile_overlayer_lowered;
	s7 =	simm.s32 $_tile_overlayer_lowered  }
0x9c: {  	s22 =	simm.s32 $0x1BFF;
	s21 =	sshll.u32 s7, $0x1;
	s4 =	sadd.s32 s5, s19  }
0x9d: {  	s8 =	simm.s32 $0x0;
	s20 =	sshll.u32 s6, $0x1;
	s6 =	sadd.s32 s21, s4  }
0x9e: {  	[timem:s8], [sflag:s22] =	dma.local [hbm:s6], s20  }
0x9f: {  	_ =	swait.ge [sflag:s22], s20  }
0xa0: {  	s5 =	ssub.s32 $0x0, s20;
	[sflag:s22] =	ssyncset.done $0x0  }
0xa1: {  	[sflag:s22] =	ssyncadd.s32 s5;
	_ =	sdelay $0x1  }
0xa2: {  	s23 =	simm.s32 $0x1B8B  }
0xa3: {  	_ =	swait.ge [sflag:s23], $0x1  }
0xa4: {  	[sflag:s23] =	ssyncset.done $0x0  }
0xa5: {  	s25 =	simm.s32 $0x1B8E;
	s24 =	sld [smem:$0x3FFE];
	[sflag:s23] =	ssyncadd.s32 $0xFFFFFFFF  }
0xa6: {  	s26 =	simm.s32 $execute0_lowered;
	[smem:$0x3FD2] =	sst s25  }
0xa7: {  	s6 =	sshll.u32 s26, $0x1;
	_ =	strace $0x80000046;
	[dreg:$0x1] =	wrdreg $0xFFFFFFFF  }
0xa8: {  	s28 =	simm.s32 $_size_execute0_lowered;
	s4 =	sadd.s32 s4, s6;
	[dreg:$0x0] =	wrdreg $0x0  }
0xa9: {  	s6 =	sshll.u32 s28, $0x1;
	[dreg:$0x2] =	wrdreg s4  }
0xaa: {  	[dreg:$0x3] =	wrdreg s6  }
0xab: {  	[dreg:$0x4] =	wrdreg $0xC0  }
0xac: {  	_ =	task [dreg:s8], $0x5FFFF  }
0xad: {  	[dreg:$0x1] =	wrdreg $0xFFFFFFFF  }
0xae: {  	[dreg:$0x0] =	wrdreg $0x60  }
0xaf: {  	[dreg:$0x2] =	wrdreg s2  }
0xb0: {  	[dreg:$0x3] =	wrdreg s18  }
0xb1: {  	[dreg:$0x4] =	wrdreg s24  }
0xb2: {  	[dreg:$0x5] =	wrdreg $0xA8000  }
0xb3: {  	[dreg:$0x6] =	wrdreg $0xA  }
0xb4: {  	_ =	task.clear_ibuf [dreg:s8], $0x7FFFF;
	_ =	strace $0x90000046  }
0xb5: {  	s29 =	simm.s32 $0xA;
	_ =	strace $0x80000048  }
0xb6: {  	_ =	swait.ge [sflag:s29], $0x1  }
0xb7: {  	[sflag:s29] =	ssyncadd.s32 $0xFFFFFFFF  }
0xb8: {  	_ =	strace $0x90000048  }
0xb9: {  	_ =	sfence  }
0xba: {  	s30 =	sld [smem:$0x0];
	_ =	sdelay $0x2  }
0xbb: {  	s31 =	sshll.u32 s1, $0xD;
	s1 =	sshrl.u32 s1, $0x2  }
0xbc: {  	s3 =	sand.u32 $0x4000, s31;
	s1 =	sadd.s32 s1, s30  }
0xbd: {  	s0 =	sor.u32 s3, s0;
	s1 =	sshll.u32 s1, $0x11  }
0xbe: {  	s0 =	sor.u32 s1, s0  }
0xbf: {  	s0 =	sadd.s32 $0x8F2B, s0  }
0xc0: {  	[sflag:s0] =	ssyncadd.remote.s32 $0x1  }
0xc1: {  	_ =	sfence.sel $0xFFFF  }
0xc2: {  	[dreg:$0x0] =	wrdreg $0xFFFFFFFF;
	(pc) =	sbr.abs _section_cstart, $3  }
0xc3: {  	[dreg:$0x1] =	wrdreg $0xFFFFFFFF  }
0xc4: {  	_ =	task.clear_ibuf [dreg:s8], $0x2FFFF;
	_ =	strace $0x9FFFFFFF  }
0xc5: {  	(tm) =	ssettm $0x7FFFFFFF  }
tec
execute0_lowered:
.L_overlay_start_1:
0x0: {  	(tag) =	ssettag $0x1  }
0x1: {  	s1 =	rddreg [dreg:$0x0]  }
0x2: {  	s0 =	rddreg [dreg:$0x1]  }
0x3: {  	s2 =	rddreg [dreg:$0x2]  }
0x4: {  	s3 =	rddreg [dreg:$0x3]  }
0x5: {  	s5 =	srdreg.scid;
	s9 =	stileid.u32;
	s4 =	simm.s32 $0x0  }
0x6: {  	s28 =	simm.s32 $0x2;
	s29 =	simm.s32 $0x1380;
	s30 =	simm.s32 $0x2700  }
0x7: {  	s31 =	simm.s32 $0x2780;
	s5 =	sand.u32 $0x1, s5;
	s6 =	smul.u32 $0x280, s9  }
0x8: {  	[smem:$0x7FF] =	sst s4;
	s14 =	sadd.s32 $0x2200, s2;
	s20 =	smul.u32 $0x50000, s9  }
0x9: {  	s8 =	sadd.s32 $0xC200, s2;
	s7 =	smul.u32 $0x2800, s5;
	_ =	strace $0x80000047  }
0xa: {  	[dreg:$0x5] =	wrdreg s8;
	s22 =	sshll.u32 s5, $0x4;
	s5 =	ssub.s32 $0x2, s5  }
0xb: {  	s9 =	sor.u32 s9, s22;
	s23 =	sshrl.u32 s20, $0x2;
	s24 =	sshrl.u32 s5, $0x1  }
0xc: {  	s22 =	simm.s32 $0x3;
	s6 =	sadd.s32 s6, s7;
	s10 =	smul.u32 $0x2800, s9  }
0xd: {  	s5 =	ssub.s32 s5, s24;
	s12 =	smul.u32 $0x500, s9;
	s24 =	simm.s32 $0x80  }
0xe: {  	s21 =	sshll.u32 s6, $0x4;
	s6 =	sadd.s32 s23, s3;
	s20 =	smax.u32 s5, $0x1  }
0xf: {  	s23 =	simm.s32 $0x1400;
	s2 =	sadd.s32 s21, s2;
	s7 =	sadd.s32 $0x4000, s6  }
0x10: {  	s8 =	sadd.s32 $0x8000, s6;
	s11 =	sshrl.u32 s10, $0x3;
	s9 =	sadd.s32 $0xC000, s6  }
0x11: {  	s10 =	sadd.s32 $0x10000, s6;
	s25 =	sadd.s32 s0, s12;
	s26 =	sadd.s32 s14, s12  }
0x12: {  	s21 =	simm.s32 $0x2800;
	s15 =	sadd.s32 $0x280, s11;
	[dreg:$0x6] =	wrdreg s25  }
0x13: {  	[dreg:$0x7] =	wrdreg s26;
	s16 =	sadd.s32 $0xD200, s2;
	s17 =	sadd.s32 $0xDA00, s2  }
0x14: {  	s18 =	sadd.s32 $0xE200, s2;
	s19 =	sadd.s32 $0xEA00, s2;
	s25 =	simm.s32 $0x6800  }
0x15: {  	s26 =	simm.s32 $0x1;
	s0 =	sadd.s32 s0, s15;
	s14 =	sadd.s32 s14, s15  }
0x16: {  	s15 =	sadd.s32 $0xCA00, s2;
	[dreg:$0x8] =	wrdreg s0;
	s0 =	simm.s32 $0x0  }
.LBB2_1:
0x17: {  	s2 =	rddreg [dreg:$0x5]  }
0x18: {  	[tilespmem:s21], [sflag:$0x3] =	stream.linear.gather [hbm4b:s2+s4], $0x4000, $0x38;
	[tilespmem:$0x1E800] =	vst v63  }
0x19: {  	_ =	swait.ge [sflag:s22], $0x4000  }
0x1a: {  	[sflag:s22] =	ssyncset.done $0x0  }
0x1b: {  	[sflag:s22] =	ssyncadd.s32 $0xFFFFC000  }
0x1c: {  	[spmem:s6] =	stream.linear.scatter [tilespmem:s21], [sflag:$0x3], $0x4000, $0x38;
	[tilespmem:$0x1E800] =	vst v63  }
0x1d: {  	_ =	swait.ge [sflag:s22], $0x4000  }
0x1e: {  	[sflag:s22] =	ssyncset.done $0x0  }
0x1f: {  	[sflag:s22] =	ssyncadd.s32 $0xFFFFC000  }
0x20: {  	[spmem:s7] =	stream.linear.scatter [tilespmem:s21], [sflag:$0x3], $0x4000, $0x38;
	[tilespmem:$0x1E800] =	vst v63  }
0x21: {  	_ =	swait.ge [sflag:s22], $0x4000  }
0x22: {  	[sflag:s22] =	ssyncset.done $0x0  }
0x23: {  	[sflag:s22] =	ssyncadd.s32 $0xFFFFC000  }
0x24: {  	[spmem:s8] =	stream.linear.scatter [tilespmem:s21], [sflag:$0x3], $0x4000, $0x38;
	[tilespmem:$0x1E800] =	vst v63  }
0x25: {  	_ =	swait.ge [sflag:s22], $0x4000  }
0x26: {  	[sflag:s22] =	ssyncset.done $0x0  }
0x27: {  	[sflag:s22] =	ssyncadd.s32 $0xFFFFC000  }
0x28: {  	[spmem:s9] =	stream.linear.scatter [tilespmem:s21], [sflag:$0x3], $0x4000, $0x38;
	[tilespmem:$0x1E800] =	vst v63  }
0x29: {  	_ =	swait.ge [sflag:s22], $0x4000  }
0x2a: {  	[sflag:s22] =	ssyncset.done $0x0  }
0x2b: {  	[sflag:s22] =	ssyncadd.s32 $0xFFFFC000  }
0x2c: {  	[spmem:s10] =	stream.linear.scatter [tilespmem:s21], [sflag:$0x3], $0x4000, $0x38;
	[tilespmem:$0x1E800] =	vst v63  }
0x2d: {  	_ =	swait.ge [sflag:s22], $0x4000  }
0x2e: {  	[sflag:s22] =	ssyncset.done $0x0  }
0x2f: {  	[sflag:s22] =	ssyncadd.s32 $0xFFFFC000  }
0x30: {  	[bflag:$0x0] =	sbarrier.arrive $0xFFFF  }
0x31: {  	s12 =	rddreg [dreg:$0x6]  }
0x32: {  	[tilespmem:s4], [sflag:$0x3] =	stream.linear.gather [hbm4b:s12+s4], $0x1400, $0x38;
	[tilespmem:$0x1E800] =	vst v63  }
0x33: {  	_ =	swait.ge [sflag:s22], $0x1400  }
0x34: {  	[sflag:s22] =	ssyncset.done $0x0  }
0x35: {  	s13 =	rddreg [dreg:$0x7];
	[sflag:s22] =	ssyncadd.s32 $0xFFFFEC00  }
0x36: {  	[tilespmem:s23], [sflag:$0x3] =	stream.linear.gather [hbm4b:s13+s4], $0x1400, $0x38;
	[tilespmem:$0x1E800] =	vst v63  }
0x37: {  	_ =	swait.ge [sflag:s22], $0x1400  }
0x38: {  	[sflag:s22] =	ssyncset.done $0x0  }
0x39: {  	[sflag:s22] =	ssyncadd.s32 $0xFFFFEC00  }
0x3a: {  	[tilespmem:s21], [sflag:$0x1] =	stream.indirect.gather [hbm4b:s1+s24], $0x80, s4, s24, $0xb8;
	[tilespmem:$0x1E800] =	vst v63  }
0x3b: {  	s5 =	simm.s32 $0x80  }
0x3c: {  	[tilespmem:s25], [sflag:$0x2] =	stream.indirect.gather [hbm4b:s1+s24], $0x80, s5, s24, $0xb8;
	[tilespmem:$0x1E800] =	vst v63  }
0x3d: {  	_ =	swait.ge [sflag:s26], $0x4000  }
0x3e: {  	[sflag:s26] =	ssyncset.done $0x0  }
0x3f: {  	s11 =	simm.s32 $0x1400;
	[sflag:s26] =	ssyncadd.s32 $0xFFFFC000  }
0x40: {  	[spmem:s3] =	stream.indirect.scatter.add.f32 [tilespmem:s21], [sflag:$0x3], $0x80, s11, s24, $0xb8;
	[tilespmem:$0x1E800] =	vst v63  }
0x41: {  	_ =	swait.ge [sflag:s22], $0x4000  }
0x42: {  	[sflag:s22] =	ssyncset.done $0x0  }
0x43: {  	s12 =	simm.s32 $0x100;
	[sflag:s22] =	ssyncadd.s32 $0xFFFFC000  }
0x44: {  	[tilespmem:s21], [sflag:$0x1] =	stream.indirect.gather [hbm4b:s1+s24], $0x80, s12, s24, $0xb8;
	[tilespmem:$0x1E800] =	vst v63  }
0x45: {  	_ =	swait.ge [sflag:s28], $0x4000  }
0x46: {  	[sflag:s28] =	ssyncset.done $0x0  }
0x47: {  	s13 =	simm.s32 $0x1480;
	[sflag:s28] =	ssyncadd.s32 $0xFFFFC000  }
0x48: {  	[spmem:s3] =	stream.indirect.scatter.add.f32 [tilespmem:s25], [sflag:$0x3], $0x80, s13, s24, $0xb8;
	[tilespmem:$0x1E800] =	vst v63  }
0x49: {  	_ =	swait.ge [sflag:s22], $0x4000  }
0x4a: {  	s2 =	simm.s32 $0x100;
	s5 =	simm.s32 $0x800;
	[sflag:s22] =	ssyncset.done $0x0  }
.LBB2_2:
0x4b: {  	s11 =	sadd.s32 $0x80, s2  }
0x4c: {  	[sflag:s22] =	ssyncadd.s32 $0xFFFFC000;
	s12 =	smov.u32 s5;
	s13 =	sadd.s32 $0x400, s5  }
0x4d: {  	[tilespmem:s25], [sflag:$0x2] =	stream.indirect.gather [hbm4b:s1+s24], $0x80, s11, s24, $0xb8;
	[tilespmem:$0x1E800] =	vst v63  }
0x4e: {  	p0 =	sne.s32 s5, $0x4800;
	_ =	swait.ge [sflag:s26], $0x4000  }
0x4f: {  	[sflag:s26] =	ssyncset.done $0x0  }
0x50: {  	s5 =	sadd.s32 $0x1400, s2;
	[sflag:s26] =	ssyncadd.s32 $0xFFFFC000  }
0x51: {  	[spmem:s3] =	stream.indirect.scatter.add.f32 [tilespmem:s21], [sflag:$0x3], $0x80, s5, s24, $0xb8;
	[tilespmem:$0x1E800] =	vst v63  }
0x52: {  	_ =	swait.ge [sflag:s22], $0x4000  }
0x53: {  	[sflag:s22] =	ssyncset.done $0x0  }
0x54: {  	s5 =	sadd.s32 $0x100, s2;
	[sflag:s22] =	ssyncadd.s32 $0xFFFFC000  }
0x55: {  	[tilespmem:s21], [sflag:$0x1] =	stream.indirect.gather [hbm4b:s1+s24], $0x80, s5, s24, $0xb8;
	[tilespmem:$0x1E800] =	vst v63  }
0x56: {  	_ =	swait.ge [sflag:s28], $0x4000  }
.Ltmp0:
0x57: {  	[sflag:s28] =	ssyncset.done $0x0;
	(pc) =	sbr.rel @p0 .LBB2_2-.Ltmp0, $4  }
0x58: {  	s2 =	sadd.s32 $0x1480, s2;
	[sflag:s28] =	ssyncadd.s32 $0xFFFFC000  }
0x59: {  	[spmem:s3] =	stream.indirect.scatter.add.f32 [tilespmem:s25], [sflag:$0x3], $0x80, s2, s24, $0xb8;
	[tilespmem:$0x1E800] =	vst v63  }
0x5a: {  	_ =	swait.ge [sflag:s22], $0x4000  }
0x5b: {  	s5 =	smov.u32 s13;
	s2 =	sshra.s32 s12, $0x2;
	[sflag:s22] =	ssyncset.done $0x0  }
0x5c: {  	s5 =	sadd.s32 $0x80, s2;
	[sflag:s22] =	ssyncadd.s32 $0xFFFFC000  }
0x5d: {  	[tilespmem:s25], [sflag:$0x2] =	stream.indirect.gather [hbm4b:s1+s24], $0x80, s5, s24, $0xb8;
	[tilespmem:$0x1E800] =	vst v63  }
0x5e: {  	_ =	swait.ge [sflag:s26], $0x4000  }
0x5f: {  	[sflag:s26] =	ssyncset.done $0x0  }
0x60: {  	s12 =	sadd.s32 $0x1400, s2;
	[sflag:s26] =	ssyncadd.s32 $0xFFFFC000  }
0x61: {  	[spmem:s3] =	stream.indirect.scatter.add.f32 [tilespmem:s21], [sflag:$0x3], $0x80, s12, s24, $0xb8;
	[tilespmem:$0x1E800] =	vst v63  }
0x62: {  	_ =	swait.ge [sflag:s22], $0x4000  }
0x63: {  	[sflag:s22] =	ssyncset.done $0x0  }
0x64: {  	s13 =	sadd.s32 $0x100, s2;
	[sflag:s22] =	ssyncadd.s32 $0xFFFFC000  }
0x65: {  	[tilespmem:s21], [sflag:$0x1] =	stream.indirect.gather [hbm4b:s1+s24], $0x80, s13, s24, $0xb8;
	[tilespmem:$0x1E800] =	vst v63  }
0x66: {  	_ =	swait.ge [sflag:s28], $0x4000  }
0x67: {  	[sflag:s28] =	ssyncset.done $0x0  }
0x68: {  	s11 =	sadd.s32 $0x1480, s2;
	[sflag:s28] =	ssyncadd.s32 $0xFFFFC000  }
0x69: {  	[spmem:s3] =	stream.indirect.scatter.add.f32 [tilespmem:s25], [sflag:$0x3], $0x80, s11, s24, $0xb8;
	[tilespmem:$0x1E800] =	vst v63  }
0x6a: {  	_ =	swait.ge [sflag:s22], $0x4000  }
0x6b: {  	[sflag:s22] =	ssyncset.done $0x0  }
0x6c: {  	[sflag:s22] =	ssyncadd.s32 $0xFFFFC000  }
0x6d: {  	[tilespmem:s25], [sflag:$0x2] =	stream.indirect.gather [hbm4b:s1+s24], $0x80, s29, s24, $0xb8;
	[tilespmem:$0x1E800] =	vst v63  }
0x6e: {  	_ =	swait.ge [sflag:s26], $0x4000  }
0x6f: {  	[sflag:s26] =	ssyncset.done $0x0  }
0x70: {  	[sflag:s26] =	ssyncadd.s32 $0xFFFFC000  }
0x71: {  	[spmem:s3] =	stream.indirect.scatter.add.f32 [tilespmem:s21], [sflag:$0x3], $0x80, s30, s24, $0xb8;
	[tilespmem:$0x1E800] =	vst v63  }
0x72: {  	_ =	swait.ge [sflag:s22], $0x4000  }
0x73: {  	[sflag:s22] =	ssyncset.done $0x0  }
0x74: {  	[sflag:s22] =	ssyncadd.s32 $0xFFFFC000  }
0x75: {  	_ =	swait.ge [sflag:s28], $0x4000  }
0x76: {  	[sflag:s28] =	ssyncset.done $0x0  }
0x77: {  	[sflag:s28] =	ssyncadd.s32 $0xFFFFC000  }
0x78: {  	[spmem:s3] =	stream.indirect.scatter.add.f32 [tilespmem:s25], [sflag:$0x3], $0x80, s31, s24, $0xb8;
	[tilespmem:$0x1E800] =	vst v63  }
0x79: {  	_ =	swait.ge [sflag:s22], $0x4000  }
0x7a: {  	[sflag:s22] =	ssyncset.done $0x0  }
0x7b: {  	s12 =	simm.s32 $0x0;
	s13 =	rddreg [dreg:$0x8];
	[sflag:s22] =	ssyncadd.s32 $0xFFFFC000  }
0x7c: {  	[tilespmem:s12], [sflag:$0x3] =	stream.linear.gather [hbm4b:s13+s12], $0x1400, $0x38;
	[tilespmem:$0x1E800] =	vst v63  }
0x7d: {  	_ =	swait.ge [sflag:s22], $0x1400  }
0x7e: {  	[sflag:s22] =	ssyncset.done $0x0  }
0x7f: {  	[sflag:s22] =	ssyncadd.s32 $0xFFFFEC00  }
0x80: {  	[tilespmem:s23], [sflag:$0x3] =	stream.linear.gather [hbm4b:s14+s12], $0x1400, $0x38;
	[tilespmem:$0x1E800] =	vst v63  }
0x81: {  	_ =	swait.ge [sflag:s22], $0x1400  }
0x82: {  	[sflag:s22] =	ssyncset.done $0x0  }
0x83: {  	[sflag:s22] =	ssyncadd.s32 $0xFFFFEC00  }
0x84: {  	[tilespmem:s21], [sflag:$0x1] =	stream.indirect.gather [hbm4b:s1+s24], $0x80, s12, s24, $0xb8;
	[tilespmem:$0x1E800] =	vst v63  }
0x85: {  	s5 =	simm.s32 $0x80  }
0x86: {  	[tilespmem:s25], [sflag:$0x2] =	stream.indirect.gather [hbm4b:s1+s24], $0x80, s5, s24, $0xb8;
	[tilespmem:$0x1E800] =	vst v63  }
0x87: {  	_ =	swait.ge [sflag:s26], $0x4000  }
0x88: {  	[sflag:s26] =	ssyncset.done $0x0  }
0x89: {  	s11 =	simm.s32 $0x1400;
	[sflag:s26] =	ssyncadd.s32 $0xFFFFC000  }
0x8a: {  	[spmem:s3] =	stream.indirect.scatter.add.f32 [tilespmem:s21], [sflag:$0x3], $0x80, s11, s24, $0xb8;
	[tilespmem:$0x1E800] =	vst v63  }
0x8b: {  	_ =	swait.ge [sflag:s22], $0x4000  }
0x8c: {  	[sflag:s22] =	ssyncset.done $0x0  }
0x8d: {  	s12 =	simm.s32 $0x100;
	[sflag:s22] =	ssyncadd.s32 $0xFFFFC000  }
0x8e: {  	[tilespmem:s21], [sflag:$0x1] =	stream.indirect.gather [hbm4b:s1+s24], $0x80, s12, s24, $0xb8;
	[tilespmem:$0x1E800] =	vst v63  }
0x8f: {  	_ =	swait.ge [sflag:s28], $0x4000  }
0x90: {  	[sflag:s28] =	ssyncset.done $0x0  }
0x91: {  	s13 =	simm.s32 $0x1480;
	[sflag:s28] =	ssyncadd.s32 $0xFFFFC000  }
0x92: {  	[spmem:s3] =	stream.indirect.scatter.add.f32 [tilespmem:s25], [sflag:$0x3], $0x80, s13, s24, $0xb8;
	[tilespmem:$0x1E800] =	vst v63  }
0x93: {  	_ =	swait.ge [sflag:s22], $0x4000  }
0x94: {  	s2 =	simm.s32 $0x100;
	s5 =	simm.s32 $0x800;
	[sflag:s22] =	ssyncset.done $0x0  }
.LBB2_4:
0x95: {  	s11 =	sadd.s32 $0x80, s2  }
0x96: {  	[sflag:s22] =	ssyncadd.s32 $0xFFFFC000;
	s12 =	smov.u32 s5;
	s13 =	sadd.s32 $0x400, s5  }
0x97: {  	[tilespmem:s25], [sflag:$0x2] =	stream.indirect.gather [hbm4b:s1+s24], $0x80, s11, s24, $0xb8;
	[tilespmem:$0x1E800] =	vst v63  }
0x98: {  	p0 =	sne.s32 s5, $0x4800;
	_ =	swait.ge [sflag:s26], $0x4000  }
0x99: {  	[sflag:s26] =	ssyncset.done $0x0  }
0x9a: {  	s5 =	sadd.s32 $0x1400, s2;
	[sflag:s26] =	ssyncadd.s32 $0xFFFFC000  }
0x9b: {  	[spmem:s3] =	stream.indirect.scatter.add.f32 [tilespmem:s21], [sflag:$0x3], $0x80, s5, s24, $0xb8;
	[tilespmem:$0x1E800] =	vst v63  }
0x9c: {  	_ =	swait.ge [sflag:s22], $0x4000  }
0x9d: {  	[sflag:s22] =	ssyncset.done $0x0  }
0x9e: {  	s5 =	sadd.s32 $0x100, s2;
	[sflag:s22] =	ssyncadd.s32 $0xFFFFC000  }
0x9f: {  	[tilespmem:s21], [sflag:$0x1] =	stream.indirect.gather [hbm4b:s1+s24], $0x80, s5, s24, $0xb8;
	[tilespmem:$0x1E800] =	vst v63  }
0xa0: {  	_ =	swait.ge [sflag:s28], $0x4000  }
.Ltmp1:
0xa1: {  	[sflag:s28] =	ssyncset.done $0x0;
	(pc) =	sbr.rel @p0 .LBB2_4-.Ltmp1, $4  }
0xa2: {  	s2 =	sadd.s32 $0x1480, s2;
	[sflag:s28] =	ssyncadd.s32 $0xFFFFC000  }
0xa3: {  	[spmem:s3] =	stream.indirect.scatter.add.f32 [tilespmem:s25], [sflag:$0x3], $0x80, s2, s24, $0xb8;
	[tilespmem:$0x1E800] =	vst v63  }
0xa4: {  	_ =	swait.ge [sflag:s22], $0x4000  }
0xa5: {  	s5 =	smov.u32 s13;
	s2 =	sshra.s32 s12, $0x2;
	[sflag:s22] =	ssyncset.done $0x0  }
0xa6: {  	s5 =	sadd.s32 $0x80, s2;
	[sflag:s22] =	ssyncadd.s32 $0xFFFFC000  }
0xa7: {  	[tilespmem:s25], [sflag:$0x2] =	stream.indirect.gather [hbm4b:s1+s24], $0x80, s5, s24, $0xb8;
	[tilespmem:$0x1E800] =	vst v63  }
0xa8: {  	_ =	swait.ge [sflag:s26], $0x4000  }
0xa9: {  	[sflag:s26] =	ssyncset.done $0x0  }
0xaa: {  	s11 =	sadd.s32 $0x1400, s2;
	[sflag:s26] =	ssyncadd.s32 $0xFFFFC000  }
0xab: {  	[spmem:s3] =	stream.indirect.scatter.add.f32 [tilespmem:s21], [sflag:$0x3], $0x80, s11, s24, $0xb8;
	[tilespmem:$0x1E800] =	vst v63  }
0xac: {  	_ =	swait.ge [sflag:s22], $0x4000  }
0xad: {  	[sflag:s22] =	ssyncset.done $0x0  }
0xae: {  	s12 =	sadd.s32 $0x100, s2;
	[sflag:s22] =	ssyncadd.s32 $0xFFFFC000  }
0xaf: {  	[tilespmem:s21], [sflag:$0x1] =	stream.indirect.gather [hbm4b:s1+s24], $0x80, s12, s24, $0xb8;
	[tilespmem:$0x1E800] =	vst v63  }
0xb0: {  	_ =	swait.ge [sflag:s28], $0x4000  }
0xb1: {  	[sflag:s28] =	ssyncset.done $0x0  }
0xb2: {  	s13 =	sadd.s32 $0x1480, s2;
	[sflag:s28] =	ssyncadd.s32 $0xFFFFC000  }
0xb3: {  	[spmem:s3] =	stream.indirect.scatter.add.f32 [tilespmem:s25], [sflag:$0x3], $0x80, s13, s24, $0xb8;
	[tilespmem:$0x1E800] =	vst v63  }
0xb4: {  	_ =	swait.ge [sflag:s22], $0x4000  }
0xb5: {  	[sflag:s22] =	ssyncset.done $0x0  }
0xb6: {  	[sflag:s22] =	ssyncadd.s32 $0xFFFFC000  }
0xb7: {  	[tilespmem:s25], [sflag:$0x2] =	stream.indirect.gather [hbm4b:s1+s24], $0x80, s29, s24, $0xb8;
	[tilespmem:$0x1E800] =	vst v63  }
0xb8: {  	_ =	swait.ge [sflag:s26], $0x4000  }
0xb9: {  	[sflag:s26] =	ssyncset.done $0x0  }
0xba: {  	[sflag:s26] =	ssyncadd.s32 $0xFFFFC000  }
0xbb: {  	[spmem:s3] =	stream.indirect.scatter.add.f32 [tilespmem:s21], [sflag:$0x3], $0x80, s30, s24, $0xb8;
	[tilespmem:$0x1E800] =	vst v63  }
0xbc: {  	_ =	swait.ge [sflag:s22], $0x4000  }
0xbd: {  	[sflag:s22] =	ssyncset.done $0x0  }
0xbe: {  	[sflag:s22] =	ssyncadd.s32 $0xFFFFC000  }
0xbf: {  	_ =	swait.ge [sflag:s28], $0x4000  }
0xc0: {  	[sflag:s28] =	ssyncset.done $0x0  }
0xc1: {  	[sflag:s28] =	ssyncadd.s32 $0xFFFFC000  }
0xc2: {  	[spmem:s3] =	stream.indirect.scatter.add.f32 [tilespmem:s25], [sflag:$0x3], $0x80, s31, s24, $0xb8;
	[tilespmem:$0x1E800] =	vst v63  }
0xc3: {  	_ =	swait.ge [sflag:s22], $0x4000  }
0xc4: {  	[sflag:s22] =	ssyncset.done $0x0  }
0xc5: {  	[sflag:s22] =	ssyncadd.s32 $0xFFFFC000  }
0xc6: {  	[bflag:$0x0] =	sbarrier.arrive $0xFFFF  }
0xc7: {  	[tilespmem:s21], [sflag:$0x3] =	stream.linear.gather [spmem:s6], $0x4000, $0x38;
	[tilespmem:$0x1E800] =	vst v63  }
0xc8: {  	_ =	swait.ge [sflag:s22], $0x4000  }
0xc9: {  	[sflag:s22] =	ssyncset.done $0x0  }
0xca: {  	[sflag:s22] =	ssyncadd.s32 $0xFFFFC000  }
0xcb: {  	[hbm4b:s15+s4] =	stream.linear.scatter [tilespmem:s21], [sflag:$0x3], $0x4000, $0x38;
	[tilespmem:$0x1E800] =	vst v63  }
0xcc: {  	_ =	swait.ge [sflag:s22], $0x4000  }
0xcd: {  	[sflag:s22] =	ssyncset.done $0x0  }
0xce: {  	[sflag:s22] =	ssyncadd.s32 $0xFFFFC000  }
0xcf: {  	[tilespmem:s21], [sflag:$0x3] =	stream.linear.gather [spmem:s7], $0x4000, $0x38;
	[tilespmem:$0x1E800] =	vst v63  }
0xd0: {  	_ =	swait.ge [sflag:s22], $0x4000  }
0xd1: {  	[sflag:s22] =	ssyncset.done $0x0  }
0xd2: {  	[sflag:s22] =	ssyncadd.s32 $0xFFFFC000  }
0xd3: {  	[hbm4b:s16+s4] =	stream.linear.scatter [tilespmem:s21], [sflag:$0x3], $0x4000, $0x38;
	[tilespmem:$0x1E800] =	vst v63  }
0xd4: {  	_ =	swait.ge [sflag:s22], $0x4000  }
0xd5: {  	[sflag:s22] =	ssyncset.done $0x0  }
0xd6: {  	[sflag:s22] =	ssyncadd.s32 $0xFFFFC000  }
0xd7: {  	[tilespmem:s21], [sflag:$0x3] =	stream.linear.gather [spmem:s8], $0x4000, $0x38;
	[tilespmem:$0x1E800] =	vst v63  }
0xd8: {  	_ =	swait.ge [sflag:s22], $0x4000  }
0xd9: {  	[sflag:s22] =	ssyncset.done $0x0  }
0xda: {  	[sflag:s22] =	ssyncadd.s32 $0xFFFFC000  }
0xdb: {  	[hbm4b:s17+s4] =	stream.linear.scatter [tilespmem:s21], [sflag:$0x3], $0x4000, $0x38;
	[tilespmem:$0x1E800] =	vst v63  }
0xdc: {  	_ =	swait.ge [sflag:s22], $0x4000  }
0xdd: {  	[sflag:s22] =	ssyncset.done $0x0  }
0xde: {  	[sflag:s22] =	ssyncadd.s32 $0xFFFFC000  }
0xdf: {  	[tilespmem:s21], [sflag:$0x3] =	stream.linear.gather [spmem:s9], $0x4000, $0x38;
	[tilespmem:$0x1E800] =	vst v63  }
0xe0: {  	_ =	swait.ge [sflag:s22], $0x4000  }
0xe1: {  	[sflag:s22] =	ssyncset.done $0x0  }
0xe2: {  	[sflag:s22] =	ssyncadd.s32 $0xFFFFC000  }
0xe3: {  	[hbm4b:s18+s4] =	stream.linear.scatter [tilespmem:s21], [sflag:$0x3], $0x4000, $0x38;
	[tilespmem:$0x1E800] =	vst v63  }
0xe4: {  	_ =	swait.ge [sflag:s22], $0x4000  }
0xe5: {  	[sflag:s22] =	ssyncset.done $0x0  }
0xe6: {  	[sflag:s22] =	ssyncadd.s32 $0xFFFFC000  }
0xe7: {  	[tilespmem:s21], [sflag:$0x3] =	stream.linear.gather [spmem:s10], $0x4000, $0x38;
	[tilespmem:$0x1E800] =	vst v63  }
0xe8: {  	s0 =	sadd.s32 $0x1, s0;
	_ =	swait.ge [sflag:s22], $0x4000  }
0xe9: {  	p0 =	sne.s32 s0, s20;
	[sflag:s22] =	ssyncset.done $0x0  }
.Ltmp2:
0xea: {  	[sflag:s22] =	ssyncadd.s32 $0xFFFFC000;
	(pc) =	sbr.rel @p0 .LBB2_1-.Ltmp2, $4  }
0xeb: {  	[hbm4b:s19+s4] =	stream.linear.scatter [tilespmem:s21], [sflag:$0x3], $0x4000, $0x38;
	[tilespmem:$0x1E800] =	vst v63  }
0xec: {  	_ =	swait.ge [sflag:s22], $0x4000  }
0xed: {  	[sflag:s22] =	ssyncset.done $0x0  }
0xee: {  	[sflag:s22] =	ssyncadd.s32 $0xFFFFC000  }
0xef: {  	_ =	sfence.sel $0x180000  }
0xf0: {  	[bflag:$0x0] =	sbarrier.arrive $0xFFFF  }
0xf1: {  	_ =	strace $0x90000047  }
0xf2: {  	s0 =	stileid.u32;
	[bflag:$0x2] =	sbarrier.arrive $0xFFFF  }
0xf3: {  	p0 =	sne.s32 s0, $0x0;
	s0 =	rddreg [dreg:$0x4]  }
0xf4: {  	s0 =	sadd.s32 @!p0 $0x100000, s0  }
0xf5: {  	[sflag:s0] =	ssyncadd.tile.s32 @!p0 $0x1;
	_ =	shalt  }
.Lfunc_end2:
_tile_overlayer_lowered:
.L_overlay_start_2:
0xf6: {  	(tag) =	ssettag $0x2  }
0xf7: {  	s0 =	rddreg [dreg:$0x0];
	s2 =	stileid.u32  }
0xf8: {  	s1 =	rddreg [dreg:$0x1];
	p0 =	sne.s32 s2, $0x0  }
0xf9: {  	s3 =	rddreg [dreg:$0x2];
	[bflag:$0x3] =	sbarrier.arrive $0xFFFF;
	s2 =	simm.s32 @!p0 $0x1C03  }
0xfa: {  	[timem:s3], [sflag:s2] =	dma.local @!p0 [hbm:s0], s1  }
0xfb: {  	s0 =	simm.s32 @!p0 $0x3  }
0xfc: {  	_ =	swait.ge @!p0 [sflag:s0], s1  }
0xfd: {  	s1 =	ssub.s32 @!p0 $0x0, s1;
	[sflag:s0] =	ssyncset.done @!p0 $0x0  }
0xfe: {  	[sflag:s0] =	ssyncadd.s32 @!p0 s1  }
0xff: {  	[bflag:$0x3] =	sbarrier.arrive $0xFFFF  }
0x100: {  	_ =	shalt  }

// kernel: kernel.13.cloned.1.call-start
scs
__scs_entry_jumppad:
0x0: {  	(pc) =	sbr.rel $0x88, $3  }
0x1: {  	(tag) =	ssettag $0x0;
	lr =	simm.s32 $0x1  }
0x2: {  	[smem:$0x3F99] =	sst lr;
	_ =	strace $0xD0000000  }
0x3: {  	_ = 	snop  }
0x4: {  	_ = 	snop  }
0x5: {  	_ = 	snop  }
0x6: {  	_ = 	snop  }
0x7: {  	_ = 	snop  }
__scs_overlays_trampoline_lowered:
0x8: {  	[smem:$0x3FA8] =	sst s0  }
0x9: {  	[smem:$0x3FA9] =	sst s1  }
0xa: {  	[smem:$0x3FAA] =	sst s2  }
0xb: {  	[smem:$0x3FAB] =	sst s3  }
0xc: {  	[smem:$0x3FAC] =	sst s4  }
0xd: {  	[smem:$0x3FAD] =	sst s5  }
0xe: {  	[smem:$0x3FAE] =	sst s6  }
0xf: {  	[smem:$0x3FAF] =	sst s7  }
0x10: {  	[smem:$0x3FB0] =	sst s8  }
0x11: {  	[smem:$0x3FB1] =	sst s9;
	s0 =	simm.s32 @!p0 $0x0  }
0x12: {  	s1 =	sld [smem:$0x3F97];
	s0 =	simm.s32 @p0 $0x1  }
0x13: {  	[smem:$0x3FB2] =	sst s0;
	s0 =	simm.s32 @!p1 $0x0  }
0x14: {  	s2 =	sld [smem:$0x3F96];
	s0 =	simm.s32 @p1 $0x1  }
0x15: {  	[smem:$0x3FB3] =	sst s0;
	s0 =	simm.s32 @!p2 $0x0  }
0x16: {  	s3 =	sld [smem:$0x3FDB];
	s0 =	simm.s32 @p2 $0x1  }
0x17: {  	s4 =	simm.s32 $0x1BF5;
	[smem:$0x3FB5] =	sst s0  }
0x18: {  	s0 =	sld [smem:$0x3F98];
	_ =	swait.ge [sflag:s4], $0x0  }
0x19: {  	s7 =	sld [smem:$0x3F99]  }
0x1a: {  	s8 =	sadd.s32 $0xFFFFE003, lr  }
0x1b: {  	s9 =	sadd.s32 $0xFFFFFEF7, lr;
	s5 =	simm.s32 $0xFFFFFFFF;
	p2 =	slt.u32 s8, $0xFFFFF086  }
0x1c: {  	p1 =	slt.u32 s9, $0xF7A;
	s5 =	simm.s32 @!p2 $0x0  }
0x1d: {  	s5 =	simm.s32 @p1 $0x1;
	p0 =	seq.s32 s7, s2  }
0x1e: {  	s7 =	smul.u32 @!p0 $0xF7A, s2;
	p2 =	seq.s32 @!p0 s5, $0x0  }
0x1f: {  	s9 =	smul.u32 $0xF7A, s1;
	s8 =	simm.s32 @!p0 $0x1BF5;
	p2 =	por !p2, p0  }
0x20: {  	[sflag:s8] =	ssyncset.s32 @!p0 $0xFFFFF086;
	s6 =	sadd.s32 @!p0 s3, s7;
	s7 =	simm.s32 @!p0 $0x108  }
0x21: {  	s3 =	sadd.s32 s3, s9;
	s6 =	sadd.s32 @!p0 $0x88, s6;
	s7 =	simm.s32 @p2 $0x1082  }
0x22: {  	[simem:s7], [sflag:s8] =	dma.local @!p0 [hbm:s6], $0xF7A  }
0x23: {  	s9 =	sor.u32 $0xD0000000, s2;
	s6 =	simm.s32 $0x108;
	_ =	swait.ge @!p0 [sflag:s8], $0x0  }
0x24: {  	s3 =	sadd.s32 $0x88, s3;
	s6 =	simm.s32 @!p1 $0x1082;
	[sflag:s4] =	ssyncset.s32 $0xFFFFF086  }
0x25: {  	[simem:s6], [sflag:s4] =	dma.local [hbm:s3], $0xF7A  }
0x26: {  	[smem:$0x3F99] =	sst s1;
	(tag) =	ssettag s2;
	_ =	strace s9  }
0x27: {  	s1 =	sld [smem:$0x3FA9]  }
0x28: {  	s2 =	sld [smem:$0x3FAA]  }
0x29: {  	s4 =	sld [smem:$0x3FAC]  }
0x2a: {  	p0 =	seq.s32 s5, $0x0;
	s5 =	sld [smem:$0x3FAD]  }
0x2b: {  	s6 =	sld [smem:$0x3FAE]  }
0x2c: {  	s7 =	sld [smem:$0x3FAF]  }
0x2d: {  	s3 =	simm.s32 $0x108;
	s8 =	sld [smem:$0x3FB0]  }
0x2e: {  	s3 =	simm.s32 @!p0 $0x1082;
	s9 =	sld [smem:$0x3FB1]  }
0x2f: {  	lr =	sadd.s32 s0, s3;
	s0 =	sld [smem:$0x3FA8]  }
0x30: {  	s3 =	sld [smem:$0x3FAB]  }
0x31: {  	[smem:$0x3FB4] =	sst s10  }
0x32: {  	s10 =	sld [smem:$0x3FB2];
	_ =	sdelay $0x3  }
0x33: {  	p0 =	seq.s32 s10, $0x1;
	s10 =	sld [smem:$0x3FB4];
	_ =	sdelay $0x3  }
0x34: {  	[smem:$0x3FB4] =	sst s10  }
0x35: {  	s10 =	sld [smem:$0x3FB3];
	_ =	sdelay $0x3  }
0x36: {  	p1 =	seq.s32 s10, $0x1;
	s10 =	sld [smem:$0x3FB4];
	_ =	sdelay $0x3  }
0x37: {  	[smem:$0x3FB4] =	sst s10  }
0x38: {  	s10 =	sld [smem:$0x3FB5]  }
0x39: {  	_ = 	snop;
	(pc) =	sbr.ind lr, $3  }
0x3a: {  	_ = 	snop  }
0x3b: {  	_ = 	snop  }
0x3c: {  	p2 =	seq.s32 s10, $0x1;
	s10 =	sld [smem:$0x3FB4]  }
0x3d: {  	_ =	shalt  }
0x3e: {  	_ =	shalt  }
0x3f: {  	_ =	shalt  }
0x40: {  	_ =	shalt  }
0x41: {  	_ =	shalt  }
0x42: {  	_ =	shalt  }
0x43: {  	_ =	shalt  }
0x44: {  	_ =	shalt  }
0x45: {  	_ =	shalt  }
0x46: {  	_ =	shalt  }
0x47: {  	_ =	shalt  }
0x48: {  	_ =	shalt  }
0x49: {  	_ =	shalt  }
0x4a: {  	_ =	shalt  }
0x4b: {  	_ =	shalt  }
0x4c: {  	_ =	shalt  }
0x4d: {  	_ =	shalt  }
0x4e: {  	_ =	shalt  }
0x4f: {  	_ =	shalt  }
0x50: {  	_ =	shalt  }
0x51: {  	_ =	shalt  }
0x52: {  	_ =	shalt  }
0x53: {  	_ =	shalt  }
0x54: {  	_ =	shalt  }
0x55: {  	_ =	shalt  }
0x56: {  	_ =	shalt  }
0x57: {  	_ =	shalt  }
0x58: {  	_ =	shalt  }
0x59: {  	_ =	shalt  }
0x5a: {  	_ =	shalt  }
0x5b: {  	_ =	shalt  }
0x5c: {  	_ =	shalt  }
0x5d: {  	_ =	shalt  }
0x5e: {  	_ =	shalt  }
0x5f: {  	_ =	shalt  }
0x60: {  	_ =	shalt  }
0x61: {  	_ =	shalt  }
0x62: {  	_ =	shalt  }
0x63: {  	_ =	shalt  }
0x64: {  	_ =	shalt  }
0x65: {  	_ =	shalt  }
0x66: {  	_ =	shalt  }
0x67: {  	_ =	shalt  }
0x68: {  	_ =	shalt  }
0x69: {  	_ =	shalt  }
0x6a: {  	_ =	shalt  }
0x6b: {  	_ =	shalt  }
0x6c: {  	_ =	shalt  }
0x6d: {  	_ =	shalt  }
0x6e: {  	_ =	shalt  }
0x6f: {  	_ =	shalt  }
0x70: {  	_ =	shalt  }
0x71: {  	_ =	shalt  }
0x72: {  	_ =	shalt  }
0x73: {  	_ =	shalt  }
0x74: {  	_ =	shalt  }
0x75: {  	_ =	shalt  }
0x76: {  	_ =	shalt  }
0x77: {  	_ =	shalt  }
0x78: {  	_ =	shalt  }
0x79: {  	_ =	shalt  }
0x7a: {  	_ =	shalt  }
0x7b: {  	_ =	shalt  }
0x7c: {  	_ =	shalt  }
0x7d: {  	_ =	shalt  }
0x7e: {  	_ =	shalt  }
0x7f: {  	_ =	shalt  }
0x80: {  	_ =	shalt  }
0x81: {  	_ =	shalt  }
0x82: {  	_ =	shalt  }
0x83: {  	_ =	shalt  }
0x84: {  	_ =	shalt  }
0x85: {  	_ =	shalt  }
0x86: {  	_ =	shalt  }
0x87: {  	_ =	shalt  }
.Lfunc_end0:
.L_simem_size_0:
called_computation.2_lowered:
.L_overlay_start_0:
0x88: {  	s2 =	sld [smem:$0x3FD9]  }
0x89: {  	s3 =	sld [smem:$0x3FFE];
	_ =	sdelay $0x1  }
0x8a: {  	s1 =	srdreg.scid  }
0x8b: {  	s0 =	sand.u32 $0x1, s1  }
0x8c: {  	s17 =	sshll.u32 s0, $0xA;
	s2 =	sadd.s32 s3, s2  }
0x8d: {  	s2 =	sadd.s32 s2, s17  }
0x8e: {  	[smem:$0x3FC0] =	sst s2  }
0x8f: {  	_ = 	snop  }
0x90: {  	s2 =	sld [smem:$0x3FD0];
	(tm) =	ssettm $0x1  }
0x91: {  	s18 =	sld [smem:$0x3FFB];
	_ =	sdelay $0x3  }
0x92: {  	_ =	strace s18  }
0x93: {  	s3 =	sld [smem:$0x3FFC];
	_ =	sdelay $0x3  }
0x94: {  	_ =	strace s3  }
0x95: {  	s3 =	sld [smem:$0x3FFD];
	_ =	sdelay $0x3  }
0x96: {  	_ =	strace s3  }
0x97: {  	_ =	strace $0x8FFFFFFF  }
0x98: {  	s19 =	sld [smem:$0x3FDB];
	_ =	sdelay $0x1  }
0x99: {  	s4 =	simm.s32 $_scs_section_size  }
0x9a: {  	s5 =	simm.s32 $_size__tile_overlayer_lowered;
	s6 =	simm.s32 $_tile_overlayer_lowered  }
0x9b: {  	s22 =	simm.s32 $0x1BFF;
	s21 =	sshll.u32 s6, $0x1;
	s3 =	sadd.s32 s4, s19  }
0x9c: {  	s7 =	simm.s32 $0x0;
	s20 =	sshll.u32 s5, $0x1;
	s5 =	sadd.s32 s21, s3  }
0x9d: {  	[timem:s7], [sflag:s22] =	dma.local [hbm:s5], s20  }
0x9e: {  	_ =	swait.ge [sflag:s22], s20  }
0x9f: {  	s4 =	ssub.s32 $0x0, s20;
	[sflag:s22] =	ssyncset.done $0x0  }
0xa0: {  	[sflag:s22] =	ssyncadd.s32 s4;
	_ =	sdelay $0x1  }
0xa1: {  	s23 =	simm.s32 $0x1B8B  }
0xa2: {  	_ =	swait.ge [sflag:s23], $0x1  }
0xa3: {  	[sflag:s23] =	ssyncset.done $0x0  }
0xa4: {  	s25 =	simm.s32 $0x1B8E;
	s24 =	sld [smem:$0x3FFE];
	[sflag:s23] =	ssyncadd.s32 $0xFFFFFFFF  }
0xa5: {  	s26 =	simm.s32 $execute0_lowered;
	[smem:$0x3FD2] =	sst s25  }
0xa6: {  	s5 =	sshll.u32 s26, $0x1;
	_ =	strace $0x8000004C;
	[dreg:$0x1] =	wrdreg $0xFFFFFFFF  }
0xa7: {  	s28 =	simm.s32 $_size_execute0_lowered;
	s3 =	sadd.s32 s3, s5;
	[dreg:$0x0] =	wrdreg $0x0  }
0xa8: {  	s5 =	sshll.u32 s28, $0x1;
	[dreg:$0x2] =	wrdreg s3  }
0xa9: {  	[dreg:$0x3] =	wrdreg s5  }
0xaa: {  	[dreg:$0x4] =	wrdreg $0xC0  }
0xab: {  	_ =	task [dreg:s7], $0x5FFFF  }
0xac: {  	[dreg:$0x1] =	wrdreg $0xFFFFFFFF  }
0xad: {  	[dreg:$0x0] =	wrdreg $0x60  }
0xae: {  	[dreg:$0x2] =	wrdreg s24  }
0xaf: {  	[dreg:$0x3] =	wrdreg s2  }
0xb0: {  	[dreg:$0x4] =	wrdreg $0xA8000  }
0xb1: {  	[dreg:$0x5] =	wrdreg $0x9  }
0xb2: {  	_ =	task.clear_ibuf [dreg:s7], $0x6FFFF;
	_ =	strace $0x9000004C  }
0xb3: {  	s29 =	simm.s32 $0x9;
	_ =	strace $0x8000004E  }
0xb4: {  	_ =	swait.ge [sflag:s29], $0x1  }
0xb5: {  	[sflag:s29] =	ssyncadd.s32 $0xFFFFFFFF  }
0xb6: {  	_ =	strace $0x9000004E  }
0xb7: {  	_ =	sfence  }
0xb8: {  	s30 =	sld [smem:$0x0];
	_ =	sdelay $0x2  }
0xb9: {  	s31 =	sshll.u32 s1, $0xD;
	s1 =	sshrl.u32 s1, $0x2  }
0xba: {  	s3 =	sand.u32 $0x4000, s31;
	s1 =	sadd.s32 s1, s30  }
0xbb: {  	s0 =	sor.u32 s3, s0;
	s1 =	sshll.u32 s1, $0x11  }
0xbc: {  	s0 =	sor.u32 s1, s0  }
0xbd: {  	s0 =	sadd.s32 $0x8F2B, s0  }
0xbe: {  	[sflag:s0] =	ssyncadd.remote.s32 $0x1  }
0xbf: {  	_ =	sfence.sel $0xFFFF  }
0xc0: {  	[dreg:$0x0] =	wrdreg $0xFFFFFFFF;
	(pc) =	sbr.abs _section_cstart, $3  }
0xc1: {  	[dreg:$0x1] =	wrdreg $0xFFFFFFFF  }
0xc2: {  	_ =	task.clear_ibuf [dreg:s7], $0x2FFFF;
	_ =	strace $0x9FFFFFFF  }
0xc3: {  	(tm) =	ssettm $0x7FFFFFFF  }
tec
execute0_lowered:
.L_overlay_start_1:
0x0: {  	(tag) =	ssettag $0x1  }
0x1: {  	s0 =	rddreg [dreg:$0x0]  }
0x2: {  	s1 =	rddreg [dreg:$0x1]  }
0x3: {  	s2 =	rddreg [dreg:$0x2];
	s4 =	srdreg.scid  }
0x4: {  	s9 =	stileid.u32;
	s3 =	simm.s32 $0x0;
	s28 =	simm.s32 $0x2  }
0x5: {  	s29 =	simm.s32 $0x1380;
	s30 =	simm.s32 $0x2700;
	s31 =	simm.s32 $0x2780  }
0x6: {  	s5 =	sand.u32 $0x1, s4;
	s6 =	smul.u32 $0x280, s9;
	[smem:$0x7FF] =	sst s3  }
0x7: {  	s4 =	sadd.s32 $0xCA00, s0;
	s14 =	sadd.s32 $0x2200, s0;
	s20 =	smul.u32 $0x50000, s9  }
0x8: {  	s8 =	sadd.s32 $0xC200, s0;
	s7 =	smul.u32 $0x2800, s5;
	_ =	strace $0x8000004D  }
0x9: {  	[dreg:$0x4] =	wrdreg s8;
	s22 =	sshll.u32 s5, $0x4;
	s5 =	ssub.s32 $0x2, s5  }
0xa: {  	s9 =	sor.u32 s9, s22;
	s23 =	sshrl.u32 s20, $0x2;
	s24 =	sshrl.u32 s5, $0x1  }
0xb: {  	s22 =	simm.s32 $0x3;
	s6 =	sadd.s32 s6, s7;
	s10 =	smul.u32 $0x2800, s9  }
0xc: {  	s5 =	ssub.s32 s5, s24;
	s12 =	smul.u32 $0x500, s9;
	s24 =	simm.s32 $0x80  }
0xd: {  	s21 =	sshll.u32 s6, $0x4;
	s6 =	sadd.s32 s23, s2;
	s20 =	smax.u32 s5, $0x1  }
0xe: {  	s23 =	simm.s32 $0x1400;
	s0 =	sadd.s32 s21, s0;
	s7 =	sadd.s32 $0x4000, s6  }
0xf: {  	s8 =	sadd.s32 $0x8000, s6;
	s11 =	sshrl.u32 s10, $0x3;
	s9 =	sadd.s32 $0xC000, s6  }
0x10: {  	s10 =	sadd.s32 $0x10000, s6;
	s25 =	sadd.s32 s1, s12;
	s26 =	sadd.s32 s14, s12  }
0x11: {  	s21 =	simm.s32 $0x2800;
	s15 =	sadd.s32 $0x280, s11;
	[dreg:$0x5] =	wrdreg s25  }
0x12: {  	[dreg:$0x6] =	wrdreg s26;
	s16 =	sadd.s32 $0x35200, s0;
	s17 =	sadd.s32 $0x35A00, s0  }
0x13: {  	s18 =	sadd.s32 $0x36200, s0;
	s19 =	sadd.s32 $0x36A00, s0;
	s25 =	simm.s32 $0x6800  }
0x14: {  	s26 =	simm.s32 $0x1;
	s1 =	sadd.s32 s1, s15;
	s14 =	sadd.s32 s14, s15  }
0x15: {  	s15 =	sadd.s32 $0x34A00, s0;
	s0 =	simm.s32 $0x0;
	[dreg:$0x7] =	wrdreg s1  }
.LBB2_1:
0x16: {  	s1 =	rddreg [dreg:$0x4]  }
0x17: {  	[tilespmem:s21], [sflag:$0x3] =	stream.linear.gather [hbm4b:s1+s3], $0x4000, $0x38;
	[tilespmem:$0x1E800] =	vst v63  }
0x18: {  	_ =	swait.ge [sflag:s22], $0x4000  }
0x19: {  	[sflag:s22] =	ssyncset.done $0x0  }
0x1a: {  	[sflag:s22] =	ssyncadd.s32 $0xFFFFC000  }
0x1b: {  	[spmem:s6] =	stream.linear.scatter [tilespmem:s21], [sflag:$0x3], $0x4000, $0x38;
	[tilespmem:$0x1E800] =	vst v63  }
0x1c: {  	_ =	swait.ge [sflag:s22], $0x4000  }
0x1d: {  	[sflag:s22] =	ssyncset.done $0x0  }
0x1e: {  	[sflag:s22] =	ssyncadd.s32 $0xFFFFC000  }
0x1f: {  	[spmem:s7] =	stream.linear.scatter [tilespmem:s21], [sflag:$0x3], $0x4000, $0x38;
	[tilespmem:$0x1E800] =	vst v63  }
0x20: {  	_ =	swait.ge [sflag:s22], $0x4000  }
0x21: {  	[sflag:s22] =	ssyncset.done $0x0  }
0x22: {  	[sflag:s22] =	ssyncadd.s32 $0xFFFFC000  }
0x23: {  	[spmem:s8] =	stream.linear.scatter [tilespmem:s21], [sflag:$0x3], $0x4000, $0x38;
	[tilespmem:$0x1E800] =	vst v63  }
0x24: {  	_ =	swait.ge [sflag:s22], $0x4000  }
0x25: {  	[sflag:s22] =	ssyncset.done $0x0  }
0x26: {  	[sflag:s22] =	ssyncadd.s32 $0xFFFFC000  }
0x27: {  	[spmem:s9] =	stream.linear.scatter [tilespmem:s21], [sflag:$0x3], $0x4000, $0x38;
	[tilespmem:$0x1E800] =	vst v63  }
0x28: {  	_ =	swait.ge [sflag:s22], $0x4000  }
0x29: {  	[sflag:s22] =	ssyncset.done $0x0  }
0x2a: {  	[sflag:s22] =	ssyncadd.s32 $0xFFFFC000  }
0x2b: {  	[spmem:s10] =	stream.linear.scatter [tilespmem:s21], [sflag:$0x3], $0x4000, $0x38;
	[tilespmem:$0x1E800] =	vst v63  }
0x2c: {  	_ =	swait.ge [sflag:s22], $0x4000  }
0x2d: {  	[sflag:s22] =	ssyncset.done $0x0  }
0x2e: {  	[sflag:s22] =	ssyncadd.s32 $0xFFFFC000  }
0x2f: {  	[bflag:$0x0] =	sbarrier.arrive $0xFFFF  }
0x30: {  	s12 =	rddreg [dreg:$0x5]  }
0x31: {  	[tilespmem:s3], [sflag:$0x3] =	stream.linear.gather [hbm4b:s12+s3], $0x1400, $0x38;
	[tilespmem:$0x1E800] =	vst v63  }
0x32: {  	_ =	swait.ge [sflag:s22], $0x1400  }
0x33: {  	[sflag:s22] =	ssyncset.done $0x0  }
0x34: {  	s13 =	rddreg [dreg:$0x6];
	[sflag:s22] =	ssyncadd.s32 $0xFFFFEC00  }
0x35: {  	[tilespmem:s23], [sflag:$0x3] =	stream.linear.gather [hbm4b:s13+s3], $0x1400, $0x38;
	[tilespmem:$0x1E800] =	vst v63  }
0x36: {  	_ =	swait.ge [sflag:s22], $0x1400  }
0x37: {  	[sflag:s22] =	ssyncset.done $0x0  }
0x38: {  	[sflag:s22] =	ssyncadd.s32 $0xFFFFEC00  }
0x39: {  	[tilespmem:s21], [sflag:$0x1] =	stream.indirect.gather [hbm4b:s4+s24], $0x80, s3, s24, $0xb8;
	[tilespmem:$0x1E800] =	vst v63  }
0x3a: {  	s5 =	simm.s32 $0x80  }
0x3b: {  	[tilespmem:s25], [sflag:$0x2] =	stream.indirect.gather [hbm4b:s4+s24], $0x80, s5, s24, $0xb8;
	[tilespmem:$0x1E800] =	vst v63  }
0x3c: {  	_ =	swait.ge [sflag:s26], $0x4000  }
0x3d: {  	[sflag:s26] =	ssyncset.done $0x0  }
0x3e: {  	s11 =	simm.s32 $0x1400;
	[sflag:s26] =	ssyncadd.s32 $0xFFFFC000  }
0x3f: {  	[spmem:s2] =	stream.indirect.scatter.add.f32 [tilespmem:s21], [sflag:$0x3], $0x80, s11, s24, $0xb8;
	[tilespmem:$0x1E800] =	vst v63  }
0x40: {  	_ =	swait.ge [sflag:s22], $0x4000  }
0x41: {  	[sflag:s22] =	ssyncset.done $0x0  }
0x42: {  	s12 =	simm.s32 $0x100;
	[sflag:s22] =	ssyncadd.s32 $0xFFFFC000  }
0x43: {  	[tilespmem:s21], [sflag:$0x1] =	stream.indirect.gather [hbm4b:s4+s24], $0x80, s12, s24, $0xb8;
	[tilespmem:$0x1E800] =	vst v63  }
0x44: {  	_ =	swait.ge [sflag:s28], $0x4000  }
0x45: {  	[sflag:s28] =	ssyncset.done $0x0  }
0x46: {  	s13 =	simm.s32 $0x1480;
	[sflag:s28] =	ssyncadd.s32 $0xFFFFC000  }
0x47: {  	[spmem:s2] =	stream.indirect.scatter.add.f32 [tilespmem:s25], [sflag:$0x3], $0x80, s13, s24, $0xb8;
	[tilespmem:$0x1E800] =	vst v63  }
0x48: {  	_ =	swait.ge [sflag:s22], $0x4000  }
0x49: {  	s1 =	simm.s32 $0x100;
	s5 =	simm.s32 $0x800;
	[sflag:s22] =	ssyncset.done $0x0  }
.LBB2_2:
0x4a: {  	s11 =	sadd.s32 $0x80, s1  }
0x4b: {  	[sflag:s22] =	ssyncadd.s32 $0xFFFFC000;
	s12 =	smov.u32 s5;
	s13 =	sadd.s32 $0x400, s5  }
0x4c: {  	[tilespmem:s25], [sflag:$0x2] =	stream.indirect.gather [hbm4b:s4+s24], $0x80, s11, s24, $0xb8;
	[tilespmem:$0x1E800] =	vst v63  }
0x4d: {  	p0 =	sne.s32 s5, $0x4800;
	_ =	swait.ge [sflag:s26], $0x4000  }
0x4e: {  	[sflag:s26] =	ssyncset.done $0x0  }
0x4f: {  	s5 =	sadd.s32 $0x1400, s1;
	[sflag:s26] =	ssyncadd.s32 $0xFFFFC000  }
0x50: {  	[spmem:s2] =	stream.indirect.scatter.add.f32 [tilespmem:s21], [sflag:$0x3], $0x80, s5, s24, $0xb8;
	[tilespmem:$0x1E800] =	vst v63  }
0x51: {  	_ =	swait.ge [sflag:s22], $0x4000  }
0x52: {  	[sflag:s22] =	ssyncset.done $0x0  }
0x53: {  	s5 =	sadd.s32 $0x100, s1;
	[sflag:s22] =	ssyncadd.s32 $0xFFFFC000  }
0x54: {  	[tilespmem:s21], [sflag:$0x1] =	stream.indirect.gather [hbm4b:s4+s24], $0x80, s5, s24, $0xb8;
	[tilespmem:$0x1E800] =	vst v63  }
0x55: {  	_ =	swait.ge [sflag:s28], $0x4000  }
.Ltmp0:
0x56: {  	[sflag:s28] =	ssyncset.done $0x0;
	(pc) =	sbr.rel @p0 .LBB2_2-.Ltmp0, $4  }
0x57: {  	s1 =	sadd.s32 $0x1480, s1;
	[sflag:s28] =	ssyncadd.s32 $0xFFFFC000  }
0x58: {  	[spmem:s2] =	stream.indirect.scatter.add.f32 [tilespmem:s25], [sflag:$0x3], $0x80, s1, s24, $0xb8;
	[tilespmem:$0x1E800] =	vst v63  }
0x59: {  	_ =	swait.ge [sflag:s22], $0x4000  }
0x5a: {  	s5 =	smov.u32 s13;
	s1 =	sshra.s32 s12, $0x2;
	[sflag:s22] =	ssyncset.done $0x0  }
0x5b: {  	s5 =	sadd.s32 $0x80, s1;
	[sflag:s22] =	ssyncadd.s32 $0xFFFFC000  }
0x5c: {  	[tilespmem:s25], [sflag:$0x2] =	stream.indirect.gather [hbm4b:s4+s24], $0x80, s5, s24, $0xb8;
	[tilespmem:$0x1E800] =	vst v63  }
0x5d: {  	_ =	swait.ge [sflag:s26], $0x4000  }
0x5e: {  	[sflag:s26] =	ssyncset.done $0x0  }
0x5f: {  	s12 =	sadd.s32 $0x1400, s1;
	[sflag:s26] =	ssyncadd.s32 $0xFFFFC000  }
0x60: {  	[spmem:s2] =	stream.indirect.scatter.add.f32 [tilespmem:s21], [sflag:$0x3], $0x80, s12, s24, $0xb8;
	[tilespmem:$0x1E800] =	vst v63  }
0x61: {  	_ =	swait.ge [sflag:s22], $0x4000  }
0x62: {  	[sflag:s22] =	ssyncset.done $0x0  }
0x63: {  	s13 =	sadd.s32 $0x100, s1;
	[sflag:s22] =	ssyncadd.s32 $0xFFFFC000  }
0x64: {  	[tilespmem:s21], [sflag:$0x1] =	stream.indirect.gather [hbm4b:s4+s24], $0x80, s13, s24, $0xb8;
	[tilespmem:$0x1E800] =	vst v63  }
0x65: {  	_ =	swait.ge [sflag:s28], $0x4000  }
0x66: {  	[sflag:s28] =	ssyncset.done $0x0  }
0x67: {  	s11 =	sadd.s32 $0x1480, s1;
	[sflag:s28] =	ssyncadd.s32 $0xFFFFC000  }
0x68: {  	[spmem:s2] =	stream.indirect.scatter.add.f32 [tilespmem:s25], [sflag:$0x3], $0x80, s11, s24, $0xb8;
	[tilespmem:$0x1E800] =	vst v63  }
0x69: {  	_ =	swait.ge [sflag:s22], $0x4000  }
0x6a: {  	[sflag:s22] =	ssyncset.done $0x0  }
0x6b: {  	[sflag:s22] =	ssyncadd.s32 $0xFFFFC000  }
0x6c: {  	[tilespmem:s25], [sflag:$0x2] =	stream.indirect.gather [hbm4b:s4+s24], $0x80, s29, s24, $0xb8;
	[tilespmem:$0x1E800] =	vst v63  }
0x6d: {  	_ =	swait.ge [sflag:s26], $0x4000  }
0x6e: {  	[sflag:s26] =	ssyncset.done $0x0  }
0x6f: {  	[sflag:s26] =	ssyncadd.s32 $0xFFFFC000  }
0x70: {  	[spmem:s2] =	stream.indirect.scatter.add.f32 [tilespmem:s21], [sflag:$0x3], $0x80, s30, s24, $0xb8;
	[tilespmem:$0x1E800] =	vst v63  }
0x71: {  	_ =	swait.ge [sflag:s22], $0x4000  }
0x72: {  	[sflag:s22] =	ssyncset.done $0x0  }
0x73: {  	[sflag:s22] =	ssyncadd.s32 $0xFFFFC000  }
0x74: {  	_ =	swait.ge [sflag:s28], $0x4000  }
0x75: {  	[sflag:s28] =	ssyncset.done $0x0  }
0x76: {  	[sflag:s28] =	ssyncadd.s32 $0xFFFFC000  }
0x77: {  	[spmem:s2] =	stream.indirect.scatter.add.f32 [tilespmem:s25], [sflag:$0x3], $0x80, s31, s24, $0xb8;
	[tilespmem:$0x1E800] =	vst v63  }
0x78: {  	_ =	swait.ge [sflag:s22], $0x4000  }
0x79: {  	[sflag:s22] =	ssyncset.done $0x0  }
0x7a: {  	s12 =	simm.s32 $0x0;
	s13 =	rddreg [dreg:$0x7];
	[sflag:s22] =	ssyncadd.s32 $0xFFFFC000  }
0x7b: {  	[tilespmem:s12], [sflag:$0x3] =	stream.linear.gather [hbm4b:s13+s12], $0x1400, $0x38;
	[tilespmem:$0x1E800] =	vst v63  }
0x7c: {  	_ =	swait.ge [sflag:s22], $0x1400  }
0x7d: {  	[sflag:s22] =	ssyncset.done $0x0  }
0x7e: {  	[sflag:s22] =	ssyncadd.s32 $0xFFFFEC00  }
0x7f: {  	[tilespmem:s23], [sflag:$0x3] =	stream.linear.gather [hbm4b:s14+s12], $0x1400, $0x38;
	[tilespmem:$0x1E800] =	vst v63  }
0x80: {  	_ =	swait.ge [sflag:s22], $0x1400  }
0x81: {  	[sflag:s22] =	ssyncset.done $0x0  }
0x82: {  	[sflag:s22] =	ssyncadd.s32 $0xFFFFEC00  }
0x83: {  	[tilespmem:s21], [sflag:$0x1] =	stream.indirect.gather [hbm4b:s4+s24], $0x80, s12, s24, $0xb8;
	[tilespmem:$0x1E800] =	vst v63  }
0x84: {  	s5 =	simm.s32 $0x80  }
0x85: {  	[tilespmem:s25], [sflag:$0x2] =	stream.indirect.gather [hbm4b:s4+s24], $0x80, s5, s24, $0xb8;
	[tilespmem:$0x1E800] =	vst v63  }
0x86: {  	_ =	swait.ge [sflag:s26], $0x4000  }
0x87: {  	[sflag:s26] =	ssyncset.done $0x0  }
0x88: {  	s11 =	simm.s32 $0x1400;
	[sflag:s26] =	ssyncadd.s32 $0xFFFFC000  }
0x89: {  	[spmem:s2] =	stream.indirect.scatter.add.f32 [tilespmem:s21], [sflag:$0x3], $0x80, s11, s24, $0xb8;
	[tilespmem:$0x1E800] =	vst v63  }
0x8a: {  	_ =	swait.ge [sflag:s22], $0x4000  }
0x8b: {  	[sflag:s22] =	ssyncset.done $0x0  }
0x8c: {  	s12 =	simm.s32 $0x100;
	[sflag:s22] =	ssyncadd.s32 $0xFFFFC000  }
0x8d: {  	[tilespmem:s21], [sflag:$0x1] =	stream.indirect.gather [hbm4b:s4+s24], $0x80, s12, s24, $0xb8;
	[tilespmem:$0x1E800] =	vst v63  }
0x8e: {  	_ =	swait.ge [sflag:s28], $0x4000  }
0x8f: {  	[sflag:s28] =	ssyncset.done $0x0  }
0x90: {  	s13 =	simm.s32 $0x1480;
	[sflag:s28] =	ssyncadd.s32 $0xFFFFC000  }
0x91: {  	[spmem:s2] =	stream.indirect.scatter.add.f32 [tilespmem:s25], [sflag:$0x3], $0x80, s13, s24, $0xb8;
	[tilespmem:$0x1E800] =	vst v63  }
0x92: {  	_ =	swait.ge [sflag:s22], $0x4000  }
0x93: {  	s1 =	simm.s32 $0x100;
	s5 =	simm.s32 $0x800;
	[sflag:s22] =	ssyncset.done $0x0  }
.LBB2_4:
0x94: {  	s11 =	sadd.s32 $0x80, s1  }
0x95: {  	[sflag:s22] =	ssyncadd.s32 $0xFFFFC000;
	s12 =	smov.u32 s5;
	s13 =	sadd.s32 $0x400, s5  }
0x96: {  	[tilespmem:s25], [sflag:$0x2] =	stream.indirect.gather [hbm4b:s4+s24], $0x80, s11, s24, $0xb8;
	[tilespmem:$0x1E800] =	vst v63  }
0x97: {  	p0 =	sne.s32 s5, $0x4800;
	_ =	swait.ge [sflag:s26], $0x4000  }
0x98: {  	[sflag:s26] =	ssyncset.done $0x0  }
0x99: {  	s5 =	sadd.s32 $0x1400, s1;
	[sflag:s26] =	ssyncadd.s32 $0xFFFFC000  }
0x9a: {  	[spmem:s2] =	stream.indirect.scatter.add.f32 [tilespmem:s21], [sflag:$0x3], $0x80, s5, s24, $0xb8;
	[tilespmem:$0x1E800] =	vst v63  }
0x9b: {  	_ =	swait.ge [sflag:s22], $0x4000  }
0x9c: {  	[sflag:s22] =	ssyncset.done $0x0  }
0x9d: {  	s5 =	sadd.s32 $0x100, s1;
	[sflag:s22] =	ssyncadd.s32 $0xFFFFC000  }
0x9e: {  	[tilespmem:s21], [sflag:$0x1] =	stream.indirect.gather [hbm4b:s4+s24], $0x80, s5, s24, $0xb8;
	[tilespmem:$0x1E800] =	vst v63  }
0x9f: {  	_ =	swait.ge [sflag:s28], $0x4000  }
.Ltmp1:
0xa0: {  	[sflag:s28] =	ssyncset.done $0x0;
	(pc) =	sbr.rel @p0 .LBB2_4-.Ltmp1, $4  }
0xa1: {  	s1 =	sadd.s32 $0x1480, s1;
	[sflag:s28] =	ssyncadd.s32 $0xFFFFC000  }
0xa2: {  	[spmem:s2] =	stream.indirect.scatter.add.f32 [tilespmem:s25], [sflag:$0x3], $0x80, s1, s24, $0xb8;
	[tilespmem:$0x1E800] =	vst v63  }
0xa3: {  	_ =	swait.ge [sflag:s22], $0x4000  }
0xa4: {  	s5 =	smov.u32 s13;
	s1 =	sshra.s32 s12, $0x2;
	[sflag:s22] =	ssyncset.done $0x0  }
0xa5: {  	s5 =	sadd.s32 $0x80, s1;
	[sflag:s22] =	ssyncadd.s32 $0xFFFFC000  }
0xa6: {  	[tilespmem:s25], [sflag:$0x2] =	stream.indirect.gather [hbm4b:s4+s24], $0x80, s5, s24, $0xb8;
	[tilespmem:$0x1E800] =	vst v63  }
0xa7: {  	_ =	swait.ge [sflag:s26], $0x4000  }
0xa8: {  	[sflag:s26] =	ssyncset.done $0x0  }
0xa9: {  	s11 =	sadd.s32 $0x1400, s1;
	[sflag:s26] =	ssyncadd.s32 $0xFFFFC000  }
0xaa: {  	[spmem:s2] =	stream.indirect.scatter.add.f32 [tilespmem:s21], [sflag:$0x3], $0x80, s11, s24, $0xb8;
	[tilespmem:$0x1E800] =	vst v63  }
0xab: {  	_ =	swait.ge [sflag:s22], $0x4000  }
0xac: {  	[sflag:s22] =	ssyncset.done $0x0  }
0xad: {  	s12 =	sadd.s32 $0x100, s1;
	[sflag:s22] =	ssyncadd.s32 $0xFFFFC000  }
0xae: {  	[tilespmem:s21], [sflag:$0x1] =	stream.indirect.gather [hbm4b:s4+s24], $0x80, s12, s24, $0xb8;
	[tilespmem:$0x1E800] =	vst v63  }
0xaf: {  	_ =	swait.ge [sflag:s28], $0x4000  }
0xb0: {  	[sflag:s28] =	ssyncset.done $0x0  }
0xb1: {  	s13 =	sadd.s32 $0x1480, s1;
	[sflag:s28] =	ssyncadd.s32 $0xFFFFC000  }
0xb2: {  	[spmem:s2] =	stream.indirect.scatter.add.f32 [tilespmem:s25], [sflag:$0x3], $0x80, s13, s24, $0xb8;
	[tilespmem:$0x1E800] =	vst v63  }
0xb3: {  	_ =	swait.ge [sflag:s22], $0x4000  }
0xb4: {  	[sflag:s22] =	ssyncset.done $0x0  }
0xb5: {  	[sflag:s22] =	ssyncadd.s32 $0xFFFFC000  }
0xb6: {  	[tilespmem:s25], [sflag:$0x2] =	stream.indirect.gather [hbm4b:s4+s24], $0x80, s29, s24, $0xb8;
	[tilespmem:$0x1E800] =	vst v63  }
0xb7: {  	_ =	swait.ge [sflag:s26], $0x4000  }
0xb8: {  	[sflag:s26] =	ssyncset.done $0x0  }
0xb9: {  	[sflag:s26] =	ssyncadd.s32 $0xFFFFC000  }
0xba: {  	[spmem:s2] =	stream.indirect.scatter.add.f32 [tilespmem:s21], [sflag:$0x3], $0x80, s30, s24, $0xb8;
	[tilespmem:$0x1E800] =	vst v63  }
0xbb: {  	_ =	swait.ge [sflag:s22], $0x4000  }
0xbc: {  	[sflag:s22] =	ssyncset.done $0x0  }
0xbd: {  	[sflag:s22] =	ssyncadd.s32 $0xFFFFC000  }
0xbe: {  	_ =	swait.ge [sflag:s28], $0x4000  }
0xbf: {  	[sflag:s28] =	ssyncset.done $0x0  }
0xc0: {  	[sflag:s28] =	ssyncadd.s32 $0xFFFFC000  }
0xc1: {  	[spmem:s2] =	stream.indirect.scatter.add.f32 [tilespmem:s25], [sflag:$0x3], $0x80, s31, s24, $0xb8;
	[tilespmem:$0x1E800] =	vst v63  }
0xc2: {  	_ =	swait.ge [sflag:s22], $0x4000  }
0xc3: {  	[sflag:s22] =	ssyncset.done $0x0  }
0xc4: {  	[sflag:s22] =	ssyncadd.s32 $0xFFFFC000  }
0xc5: {  	[bflag:$0x0] =	sbarrier.arrive $0xFFFF  }
0xc6: {  	[tilespmem:s21], [sflag:$0x3] =	stream.linear.gather [spmem:s6], $0x4000, $0x38;
	[tilespmem:$0x1E800] =	vst v63  }
0xc7: {  	_ =	swait.ge [sflag:s22], $0x4000  }
0xc8: {  	[sflag:s22] =	ssyncset.done $0x0  }
0xc9: {  	[sflag:s22] =	ssyncadd.s32 $0xFFFFC000  }
0xca: {  	[hbm4b:s15+s3] =	stream.linear.scatter [tilespmem:s21], [sflag:$0x3], $0x4000, $0x38;
	[tilespmem:$0x1E800] =	vst v63  }
0xcb: {  	_ =	swait.ge [sflag:s22], $0x4000  }
0xcc: {  	[sflag:s22] =	ssyncset.done $0x0  }
0xcd: {  	[sflag:s22] =	ssyncadd.s32 $0xFFFFC000  }
0xce: {  	[tilespmem:s21], [sflag:$0x3] =	stream.linear.gather [spmem:s7], $0x4000, $0x38;
	[tilespmem:$0x1E800] =	vst v63  }
0xcf: {  	_ =	swait.ge [sflag:s22], $0x4000  }
0xd0: {  	[sflag:s22] =	ssyncset.done $0x0  }
0xd1: {  	[sflag:s22] =	ssyncadd.s32 $0xFFFFC000  }
0xd2: {  	[hbm4b:s16+s3] =	stream.linear.scatter [tilespmem:s21], [sflag:$0x3], $0x4000, $0x38;
	[tilespmem:$0x1E800] =	vst v63  }
0xd3: {  	_ =	swait.ge [sflag:s22], $0x4000  }
0xd4: {  	[sflag:s22] =	ssyncset.done $0x0  }
0xd5: {  	[sflag:s22] =	ssyncadd.s32 $0xFFFFC000  }
0xd6: {  	[tilespmem:s21], [sflag:$0x3] =	stream.linear.gather [spmem:s8], $0x4000, $0x38;
	[tilespmem:$0x1E800] =	vst v63  }
0xd7: {  	_ =	swait.ge [sflag:s22], $0x4000  }
0xd8: {  	[sflag:s22] =	ssyncset.done $0x0  }
0xd9: {  	[sflag:s22] =	ssyncadd.s32 $0xFFFFC000  }
0xda: {  	[hbm4b:s17+s3] =	stream.linear.scatter [tilespmem:s21], [sflag:$0x3], $0x4000, $0x38;
	[tilespmem:$0x1E800] =	vst v63  }
0xdb: {  	_ =	swait.ge [sflag:s22], $0x4000  }
0xdc: {  	[sflag:s22] =	ssyncset.done $0x0  }
0xdd: {  	[sflag:s22] =	ssyncadd.s32 $0xFFFFC000  }
0xde: {  	[tilespmem:s21], [sflag:$0x3] =	stream.linear.gather [spmem:s9], $0x4000, $0x38;
	[tilespmem:$0x1E800] =	vst v63  }
0xdf: {  	_ =	swait.ge [sflag:s22], $0x4000  }
0xe0: {  	[sflag:s22] =	ssyncset.done $0x0  }
0xe1: {  	[sflag:s22] =	ssyncadd.s32 $0xFFFFC000  }
0xe2: {  	[hbm4b:s18+s3] =	stream.linear.scatter [tilespmem:s21], [sflag:$0x3], $0x4000, $0x38;
	[tilespmem:$0x1E800] =	vst v63  }
0xe3: {  	_ =	swait.ge [sflag:s22], $0x4000  }
0xe4: {  	[sflag:s22] =	ssyncset.done $0x0  }
0xe5: {  	[sflag:s22] =	ssyncadd.s32 $0xFFFFC000  }
0xe6: {  	[tilespmem:s21], [sflag:$0x3] =	stream.linear.gather [spmem:s10], $0x4000, $0x38;
	[tilespmem:$0x1E800] =	vst v63  }
0xe7: {  	s0 =	sadd.s32 $0x1, s0;
	_ =	swait.ge [sflag:s22], $0x4000  }
0xe8: {  	p0 =	sne.s32 s0, s20;
	[sflag:s22] =	ssyncset.done $0x0  }
.Ltmp2:
0xe9: {  	[sflag:s22] =	ssyncadd.s32 $0xFFFFC000;
	(pc) =	sbr.rel @p0 .LBB2_1-.Ltmp2, $4  }
0xea: {  	[hbm4b:s19+s3] =	stream.linear.scatter [tilespmem:s21], [sflag:$0x3], $0x4000, $0x38;
	[tilespmem:$0x1E800] =	vst v63  }
0xeb: {  	_ =	swait.ge [sflag:s22], $0x4000  }
0xec: {  	[sflag:s22] =	ssyncset.done $0x0  }
0xed: {  	[sflag:s22] =	ssyncadd.s32 $0xFFFFC000  }
0xee: {  	_ =	sfence.sel $0x180000  }
0xef: {  	[bflag:$0x0] =	sbarrier.arrive $0xFFFF  }
0xf0: {  	_ =	strace $0x9000004D  }
0xf1: {  	s0 =	stileid.u32;
	[bflag:$0x2] =	sbarrier.arrive $0xFFFF  }
0xf2: {  	p0 =	sne.s32 s0, $0x0;
	s0 =	rddreg [dreg:$0x3]  }
0xf3: {  	s0 =	sadd.s32 @!p0 $0x100000, s0  }
0xf4: {  	[sflag:s0] =	ssyncadd.tile.s32 @!p0 $0x1;
	_ =	shalt  }
.Lfunc_end2:
_tile_overlayer_lowered:
.L_overlay_start_2:
0xf5: {  	(tag) =	ssettag $0x2  }
0xf6: {  	s0 =	rddreg [dreg:$0x0];
	s2 =	stileid.u32  }
0xf7: {  	s1 =	rddreg [dreg:$0x1];
	p0 =	sne.s32 s2, $0x0  }
0xf8: {  	s3 =	rddreg [dreg:$0x2];
	[bflag:$0x3] =	sbarrier.arrive $0xFFFF;
	s2 =	simm.s32 @!p0 $0x1C03  }
0xf9: {  	[timem:s3], [sflag:s2] =	dma.local @!p0 [hbm:s0], s1  }
0xfa: {  	s0 =	simm.s32 @!p0 $0x3  }
0xfb: {  	_ =	swait.ge @!p0 [sflag:s0], s1  }
0xfc: {  	s1 =	ssub.s32 @!p0 $0x0, s1;
	[sflag:s0] =	ssyncset.done @!p0 $0x0  }
0xfd: {  	[sflag:s0] =	ssyncadd.s32 @!p0 s1  }
0xfe: {  	[bflag:$0x3] =	sbarrier.arrive $0xFFFF  }
0xff: {  	_ =	shalt  }

// kernel: kernel.7.cloned.1.call-start
scs
__scs_entry_jumppad:
0x0: {  	(pc) =	sbr.rel $0x88, $3  }
0x1: {  	(tag) =	ssettag $0x0;
	lr =	simm.s32 $0x1  }
0x2: {  	[smem:$0x3F99] =	sst lr;
	_ =	strace $0xD0000000  }
0x3: {  	_ = 	snop  }
0x4: {  	_ = 	snop  }
0x5: {  	_ = 	snop  }
0x6: {  	_ = 	snop  }
0x7: {  	_ = 	snop  }
__scs_overlays_trampoline_lowered:
0x8: {  	[smem:$0x3FA8] =	sst s0  }
0x9: {  	[smem:$0x3FA9] =	sst s1  }
0xa: {  	[smem:$0x3FAA] =	sst s2  }
0xb: {  	[smem:$0x3FAB] =	sst s3  }
0xc: {  	[smem:$0x3FAC] =	sst s4  }
0xd: {  	[smem:$0x3FAD] =	sst s5  }
0xe: {  	[smem:$0x3FAE] =	sst s6  }
0xf: {  	[smem:$0x3FAF] =	sst s7  }
0x10: {  	[smem:$0x3FB0] =	sst s8  }
0x11: {  	[smem:$0x3FB1] =	sst s9;
	s0 =	simm.s32 @!p0 $0x0  }
0x12: {  	s1 =	sld [smem:$0x3F97];
	s0 =	simm.s32 @p0 $0x1  }
0x13: {  	[smem:$0x3FB2] =	sst s0;
	s0 =	simm.s32 @!p1 $0x0  }
0x14: {  	s2 =	sld [smem:$0x3F96];
	s0 =	simm.s32 @p1 $0x1  }
0x15: {  	[smem:$0x3FB3] =	sst s0;
	s0 =	simm.s32 @!p2 $0x0  }
0x16: {  	s3 =	sld [smem:$0x3FDB];
	s0 =	simm.s32 @p2 $0x1  }
0x17: {  	s4 =	simm.s32 $0x1BF5;
	[smem:$0x3FB5] =	sst s0  }
0x18: {  	s0 =	sld [smem:$0x3F98];
	_ =	swait.ge [sflag:s4], $0x0  }
0x19: {  	s7 =	sld [smem:$0x3F99]  }
0x1a: {  	s8 =	sadd.s32 $0xFFFFE003, lr  }
0x1b: {  	s9 =	sadd.s32 $0xFFFFFEF7, lr;
	s5 =	simm.s32 $0xFFFFFFFF;
	p2 =	slt.u32 s8, $0xFFFFF086  }
0x1c: {  	p1 =	slt.u32 s9, $0xF7A;
	s5 =	simm.s32 @!p2 $0x0  }
0x1d: {  	s5 =	simm.s32 @p1 $0x1;
	p0 =	seq.s32 s7, s2  }
0x1e: {  	s7 =	smul.u32 @!p0 $0xF7A, s2;
	p2 =	seq.s32 @!p0 s5, $0x0  }
0x1f: {  	s9 =	smul.u32 $0xF7A, s1;
	s8 =	simm.s32 @!p0 $0x1BF5;
	p2 =	por !p2, p0  }
0x20: {  	[sflag:s8] =	ssyncset.s32 @!p0 $0xFFFFF086;
	s6 =	sadd.s32 @!p0 s3, s7;
	s7 =	simm.s32 @!p0 $0x108  }
0x21: {  	s3 =	sadd.s32 s3, s9;
	s6 =	sadd.s32 @!p0 $0x88, s6;
	s7 =	simm.s32 @p2 $0x1082  }
0x22: {  	[simem:s7], [sflag:s8] =	dma.local @!p0 [hbm:s6], $0xF7A  }
0x23: {  	s9 =	sor.u32 $0xD0000000, s2;
	s6 =	simm.s32 $0x108;
	_ =	swait.ge @!p0 [sflag:s8], $0x0  }
0x24: {  	s3 =	sadd.s32 $0x88, s3;
	s6 =	simm.s32 @!p1 $0x1082;
	[sflag:s4] =	ssyncset.s32 $0xFFFFF086  }
0x25: {  	[simem:s6], [sflag:s4] =	dma.local [hbm:s3], $0xF7A  }
0x26: {  	[smem:$0x3F99] =	sst s1;
	(tag) =	ssettag s2;
	_ =	strace s9  }
0x27: {  	s1 =	sld [smem:$0x3FA9]  }
0x28: {  	s2 =	sld [smem:$0x3FAA]  }
0x29: {  	s4 =	sld [smem:$0x3FAC]  }
0x2a: {  	p0 =	seq.s32 s5, $0x0;
	s5 =	sld [smem:$0x3FAD]  }
0x2b: {  	s6 =	sld [smem:$0x3FAE]  }
0x2c: {  	s7 =	sld [smem:$0x3FAF]  }
0x2d: {  	s3 =	simm.s32 $0x108;
	s8 =	sld [smem:$0x3FB0]  }
0x2e: {  	s3 =	simm.s32 @!p0 $0x1082;
	s9 =	sld [smem:$0x3FB1]  }
0x2f: {  	lr =	sadd.s32 s0, s3;
	s0 =	sld [smem:$0x3FA8]  }
0x30: {  	s3 =	sld [smem:$0x3FAB]  }
0x31: {  	[smem:$0x3FB4] =	sst s10  }
0x32: {  	s10 =	sld [smem:$0x3FB2];
	_ =	sdelay $0x3  }
0x33: {  	p0 =	seq.s32 s10, $0x1;
	s10 =	sld [smem:$0x3FB4];
	_ =	sdelay $0x3  }
0x34: {  	[smem:$0x3FB4] =	sst s10  }
0x35: {  	s10 =	sld [smem:$0x3FB3];
	_ =	sdelay $0x3  }
0x36: {  	p1 =	seq.s32 s10, $0x1;
	s10 =	sld [smem:$0x3FB4];
	_ =	sdelay $0x3  }
0x37: {  	[smem:$0x3FB4] =	sst s10  }
0x38: {  	s10 =	sld [smem:$0x3FB5]  }
0x39: {  	_ = 	snop;
	(pc) =	sbr.ind lr, $3  }
0x3a: {  	_ = 	snop  }
0x3b: {  	_ = 	snop  }
0x3c: {  	p2 =	seq.s32 s10, $0x1;
	s10 =	sld [smem:$0x3FB4]  }
0x3d: {  	_ =	shalt  }
0x3e: {  	_ =	shalt  }
0x3f: {  	_ =	shalt  }
0x40: {  	_ =	shalt  }
0x41: {  	_ =	shalt  }
0x42: {  	_ =	shalt  }
0x43: {  	_ =	shalt  }
0x44: {  	_ =	shalt  }
0x45: {  	_ =	shalt  }
0x46: {  	_ =	shalt  }
0x47: {  	_ =	shalt  }
0x48: {  	_ =	shalt  }
0x49: {  	_ =	shalt  }
0x4a: {  	_ =	shalt  }
0x4b: {  	_ =	shalt  }
0x4c: {  	_ =	shalt  }
0x4d: {  	_ =	shalt  }
0x4e: {  	_ =	shalt  }
0x4f: {  	_ =	shalt  }
0x50: {  	_ =	shalt  }
0x51: {  	_ =	shalt  }
0x52: {  	_ =	shalt  }
0x53: {  	_ =	shalt  }
0x54: {  	_ =	shalt  }
0x55: {  	_ =	shalt  }
0x56: {  	_ =	shalt  }
0x57: {  	_ =	shalt  }
0x58: {  	_ =	shalt  }
0x59: {  	_ =	shalt  }
0x5a: {  	_ =	shalt  }
0x5b: {  	_ =	shalt  }
0x5c: {  	_ =	shalt  }
0x5d: {  	_ =	shalt  }
0x5e: {  	_ =	shalt  }
0x5f: {  	_ =	shalt  }
0x60: {  	_ =	shalt  }
0x61: {  	_ =	shalt  }
0x62: {  	_ =	shalt  }
0x63: {  	_ =	shalt  }
0x64: {  	_ =	shalt  }
0x65: {  	_ =	shalt  }
0x66: {  	_ =	shalt  }
0x67: {  	_ =	shalt  }
0x68: {  	_ =	shalt  }
0x69: {  	_ =	shalt  }
0x6a: {  	_ =	shalt  }
0x6b: {  	_ =	shalt  }
0x6c: {  	_ =	shalt  }
0x6d: {  	_ =	shalt  }
0x6e: {  	_ =	shalt  }
0x6f: {  	_ =	shalt  }
0x70: {  	_ =	shalt  }
0x71: {  	_ =	shalt  }
0x72: {  	_ =	shalt  }
0x73: {  	_ =	shalt  }
0x74: {  	_ =	shalt  }
0x75: {  	_ =	shalt  }
0x76: {  	_ =	shalt  }
0x77: {  	_ =	shalt  }
0x78: {  	_ =	shalt  }
0x79: {  	_ =	shalt  }
0x7a: {  	_ =	shalt  }
0x7b: {  	_ =	shalt  }
0x7c: {  	_ =	shalt  }
0x7d: {  	_ =	shalt  }
0x7e: {  	_ =	shalt  }
0x7f: {  	_ =	shalt  }
0x80: {  	_ =	shalt  }
0x81: {  	_ =	shalt  }
0x82: {  	_ =	shalt  }
0x83: {  	_ =	shalt  }
0x84: {  	_ =	shalt  }
0x85: {  	_ =	shalt  }
0x86: {  	_ =	shalt  }
0x87: {  	_ =	shalt  }
.Lfunc_end0:
.L_simem_size_0:
called_computation_lowered:
.L_overlay_start_0:
0x88: {  	s2 =	sld [smem:$0x3FD9]  }
0x89: {  	s3 =	sld [smem:$0x3FFE];
	_ =	sdelay $0x1  }
0x8a: {  	s1 =	srdreg.scid  }
0x8b: {  	s0 =	sand.u32 $0x1, s1  }
0x8c: {  	s17 =	sshll.u32 s0, $0xA;
	s2 =	sadd.s32 s3, s2  }
0x8d: {  	s2 =	sadd.s32 s2, s17  }
0x8e: {  	[smem:$0x3FC0] =	sst s2  }
0x8f: {  	_ = 	snop  }
0x90: {  	(tm) =	ssettm $0x1  }
0x91: {  	s18 =	sld [smem:$0x3FFB];
	_ =	sdelay $0x3  }
0x92: {  	_ =	strace s18  }
0x93: {  	s2 =	sld [smem:$0x3FFC];
	_ =	sdelay $0x3  }
0x94: {  	_ =	strace s2  }
0x95: {  	s2 =	sld [smem:$0x3FFD];
	_ =	sdelay $0x3  }
0x96: {  	_ =	strace s2  }
0x97: {  	_ =	strace $0x8FFFFFFF  }
0x98: {  	s19 =	sld [smem:$0x3FDB];
	_ =	sdelay $0x1  }
0x99: {  	s20 =	simm.s32 $_scs_section_size  }
0x9a: {  	s4 =	simm.s32 $_size__tile_overlayer_lowered;
	s5 =	simm.s32 $_tile_overlayer_lowered  }
0x9b: {  	s6 =	simm.s32 $0x1BFF;
	s21 =	sshll.u32 s5, $0x1;
	s3 =	sadd.s32 s20, s19  }
0x9c: {  	s22 =	simm.s32 $0x0;
	s4 =	sshll.u32 s4, $0x1;
	s5 =	sadd.s32 s21, s3  }
0x9d: {  	[timem:s22], [sflag:s6] =	dma.local [hbm:s5], s4  }
0x9e: {  	_ =	swait.ge [sflag:s6], s4  }
0x9f: {  	s4 =	ssub.s32 $0x0, s4;
	[sflag:s6] =	ssyncset.done $0x0  }
0xa0: {  	[sflag:s6] =	ssyncadd.s32 s4;
	_ =	sdelay $0x1  }
0xa1: {  	s23 =	simm.s32 $0x1B8B  }
0xa2: {  	_ =	swait.ge [sflag:s23], $0x1  }
0xa3: {  	[sflag:s23] =	ssyncset.done $0x0  }
0xa4: {  	[sflag:s23] =	ssyncadd.s32 $0xFFFFFFFF  }
0xa5: {  	s4 =	sld [smem:$0x0]  }
0xa6: {  	s5 =	sand.u32 $0xFFFFFFFE, s1  }
0xa7: {  	p0 =	sne.s32 s1, s5  }
0xa8: {  	s5 =	sshll.u32 @p0 s5, $0xE  }
0xa9: {  	s5 =	sadd.s32 @p0 $0x11B8D, s5;
	s6 =	sshll.u32 @p0 s4, $0x11  }
0xaa: {  	s5 =	sor.u32 @p0 s6, s5  }
0xab: {  	[sflag:s5] =	ssyncadd.remote.s32 @p0 $0x1;
	_ =	sdelay $0x1  }
0xac: {  	s5 =	simm.s32 @p0 $0x1B8D  }
0xad: {  	_ =	swait.eq @p0 [sflag:s5], $0x1  }
0xae: {  	[sflag:s5] =	ssyncadd.s32 @p0 $0xFFFFFFFF  }
0xaf: {  	s6 =	sshll.u32 @!p0 s1, $0xE  }
0xb0: {  	s6 =	sor.u32 @!p0 $0x4000, s6;
	s5 =	simm.s32 @!p0 $0x1B8D  }
0xb1: {  	s4 =	sshll.u32 @!p0 s4, $0x11;
	s6 =	sadd.s32 @!p0 $0x11B8D, s6;
	_ =	swait.eq @!p0 [sflag:s5], $0x1  }
0xb2: {  	s4 =	sor.u32 @!p0 s4, s6;
	[sflag:s5] =	ssyncadd.s32 @!p0 $0xFFFFFFFF  }
0xb3: {  	s25 =	simm.s32 $0x1B8E;
	s24 =	sld [smem:$0x3FFE];
	[sflag:s4] =	ssyncadd.remote.s32 @!p0 $0x1  }
0xb4: {  	s26 =	simm.s32 $execute0_lowered;
	[smem:$0x3FD2] =	sst s25  }
0xb5: {  	s5 =	sshll.u32 s26, $0x1;
	_ =	strace $0x80000049;
	[dreg:$0x1] =	wrdreg $0xFFFFFFFF  }
0xb6: {  	s28 =	simm.s32 $_size_execute0_lowered;
	s3 =	sadd.s32 s3, s5;
	[dreg:$0x0] =	wrdreg $0x0  }
0xb7: {  	s5 =	sshll.u32 s28, $0x1;
	[dreg:$0x2] =	wrdreg s3  }
0xb8: {  	[dreg:$0x3] =	wrdreg s5  }
0xb9: {  	[dreg:$0x4] =	wrdreg $0xC0  }
0xba: {  	_ =	task [dreg:s22], $0x5FFFF  }
0xbb: {  	[dreg:$0x1] =	wrdreg $0xFFFFFFFF  }
0xbc: {  	[dreg:$0x0] =	wrdreg $0x60  }
0xbd: {  	[dreg:$0x2] =	wrdreg s24  }
0xbe: {  	[dreg:$0x3] =	wrdreg $0x50800  }
0xbf: {  	[dreg:$0x4] =	wrdreg $0x9  }
0xc0: {  	_ =	task.clear_ibuf [dreg:s22], $0x5FFFF;
	_ =	strace $0x90000049  }
0xc1: {  	s29 =	simm.s32 $0x9;
	_ =	strace $0x8000004B  }
0xc2: {  	_ =	swait.ge [sflag:s29], $0x1  }
0xc3: {  	[sflag:s29] =	ssyncadd.s32 $0xFFFFFFFF  }
0xc4: {  	_ =	strace $0x9000004B  }
0xc5: {  	_ =	sfence  }
0xc6: {  	s30 =	sld [smem:$0x0];
	_ =	sdelay $0x2  }
0xc7: {  	s31 =	sshll.u32 s1, $0xD;
	s1 =	sshrl.u32 s1, $0x2  }
0xc8: {  	s4 =	sand.u32 $0x4000, s31;
	s1 =	sadd.s32 s1, s30  }
0xc9: {  	s0 =	sor.u32 s4, s0;
	s1 =	sshll.u32 s1, $0x11  }
0xca: {  	s0 =	sor.u32 s1, s0  }
0xcb: {  	s0 =	sadd.s32 $0x8F2B, s0  }
0xcc: {  	[sflag:s0] =	ssyncadd.remote.s32 $0x1  }
0xcd: {  	_ =	sfence.sel $0xFFFF  }
0xce: {  	[dreg:$0x0] =	wrdreg $0xFFFFFFFF;
	(pc) =	sbr.abs _section_cstart, $3  }
0xcf: {  	[dreg:$0x1] =	wrdreg $0xFFFFFFFF  }
0xd0: {  	_ =	task.clear_ibuf [dreg:s22], $0x2FFFF;
	_ =	strace $0x9FFFFFFF  }
0xd1: {  	(tm) =	ssettm $0x7FFFFFFF  }
tec
execute0_lowered:
.L_overlay_start_1:
0x0: {  	(tag) =	ssettag $0x1  }
0x1: {  	s5 =	rddreg [dreg:$0x0]  }
0x2: {  	s0 =	srdreg.scid;
	s1 =	rddreg [dreg:$0x1]  }
0x3: {  	s8 =	stileid.u32;
	s2 =	simm.s32 $0x0;
	s11 =	simm.s32 $0x5000  }
0x4: {  	s12 =	simm.s32 $0x50;
	s3 =	sand.u32 $0x1, s0;
	s0 =	rddreg [dreg:$0x2]  }
0x5: {  	s13 =	simm.s32 $0x0;
	[smem:$0x7FF] =	sst s2;
	s4 =	sshll.u32 s3, $0x4  }
0x6: {  	p0 =	sne.s32 s8, $0x0;
	s7 =	smul.u32 $0x500, s3;
	s4 =	sor.u32 s8, s4  }
0x7: {  	_ =	strace $0x8000004A;
	s9 =	ssub.s32 $0x2, s3;
	s4 =	smul.u32 $0x500, s4  }
0x8: {  	s3 =	sadd.s32 $0xC200, s5;
	s10 =	sshrl.u32 s9, $0x1;
	s8 =	simm.s32 $0x2800  }
0x9: {  	s7 =	sadd.s32 s7, s5;
	s9 =	ssub.s32 s9, s10;
	s6 =	sadd.s32 s4, s5  }
0xa: {  	s10 =	sshrl.u32 @!p0 s1, $0x3;
	s4 =	sadd.s32 $0x66A00, s5;
	s5 =	sadd.s32 $0x5CA00, s6  }
0xb: {  	v0 =	vimm.f32 $1.000000000e+00;
	s6 =	sadd.s32 $0x66C00, s7;
	s7 =	smax.u32 s9, $0x1;
	s9 =	simm.s32 $0x1  }
.LBB2_1:
0xc: {  	[tilespmem:s8], [sflag:$0x1] =	stream.linear.gather [hbm4b:s3+s2], $0x2800, $0x38;
	[tilespmem:$0x5300] =	vst v63  }
0xd: {  	_ =	swait.ge [sflag:s9], $0x2800  }
0xe: {  	[sflag:s9] =	ssyncset.done $0x0  }
0xf: {  	s14 =	simm.s32 @!p0 $0x1C01;
	[sflag:s9] =	ssyncadd.s32 $0xFFFFD800  }
0x10: {  	[spmem:s10], [sflag:s14] =	dma.local @!p0 [hbm:s3], $0x500  }
0x11: {  	s14 =	simm.s32 @!p0 $0x1  }
0x12: {  	_ =	swait.ge @!p0 [sflag:s14], $0x500  }
0x13: {  	[sflag:s14] =	ssyncset.done @!p0 $0x0  }
0x14: {  	[sflag:s14] =	ssyncadd.s32 @!p0 $0xFFFFFB00  }
0x15: {  	[tilespmem:s2], [sflag:$0x1] =	stream.linear.gather [hbm4b:s5+s2], $0x2800, $0x38;
	[tilespmem:$0x5300] =	vst v63  }
0x16: {  	_ =	swait.ge [sflag:s9], $0x2800  }
0x17: {  	[sflag:s9] =	ssyncset.done $0x0  }
0x18: {  	[sflag:s9] =	ssyncadd.s32 $0xFFFFD800  }
0x19: {  	[tilespmem:s11], [sflag:$0x1] =	stream.linear.gather [hbm4b:s4+s2], $0x80, $0x38;
	[tilespmem:$0x5300] =	vst v63  }
0x1a: {  	_ =	swait.ge [sflag:s9], $0x80  }
0x1b: {  	[sflag:s9] =	ssyncset.done $0x0  }
0x1c: {  	[sflag:s9] =	ssyncadd.s32 $0xFFFFFF80  }
0x1d: {  	s15 =	simm.s32 $0x0;
	s14 =	simm.s32 $0x40;
	[bflag:$0x0] =	sbarrier.arrive $0xFFFF  }
.LBB2_2:
0x1e: {  	p1 =	sne.s32 s14, $0x9FC0;
	v1 =	vld [tilespmem:s15+$0x0];
	_ =	sdelay $0x3  }
.Ltmp0:
0x1f: {  	(pc) =	sbr.rel @p1 .LBB2_2-.Ltmp0, $2  }
0x20: {  	_ =	sdelay $0x2  }
0x21: {  	s15 =	sshra.s32 s14, $0x2;
	s14 =	sadd.s32 $0x40, s14;
	[tilespmem:v1+s8+$0x0] =	vst.idx.add.f32.msk $0xffff, v0  }
0x22: {  	v1 =	vld [tilespmem:s15+$0x0];
	_ =	sdelay $0x7  }
0x23: {  	[tilespmem:v1+s8+$0x0] =	vst.idx.add.f32.msk $0xffff, v0  }
0x24: {  	[spmem:s1] =	stream.indirect.scatter.add.f32 [tilespmem:s8], [sflag:$0x1], $0x80, s11, s12, $0xb8;
	[tilespmem:$0x5300] =	vst v63  }
0x25: {  	_ =	swait.ge [sflag:s9], $0x2800  }
0x26: {  	[sflag:s9] =	ssyncset.done $0x0  }
0x27: {  	[sflag:s9] =	ssyncadd.s32 $0xFFFFD800  }
0x28: {  	s14 =	simm.s32 @!p0 $0x2800;
	s15 =	simm.s32 @!p0 $0x1;
	[bflag:$0x0] =	sbarrier.arrive $0xFFFF  }
0x29: {  	[tilespmem:s14], [sflag:$0x1] =	stream.linear.gather @!p0 [spmem:s1], $0x2800, $0x38;
	[tilespmem:$0x5300] =	vst v63  }
0x2a: {  	s13 =	sadd.s32 $0x1, s13;
	_ =	swait.ge @!p0 [sflag:s15], $0x2800  }
0x2b: {  	p1 =	sne.s32 s13, s7;
	[sflag:s15] =	ssyncset.done @!p0 $0x0  }
.Ltmp1:
0x2c: {  	s16 =	simm.s32 @!p0 $0x0;
	[sflag:s15] =	ssyncadd.s32 @!p0 $0xFFFFD800;
	(pc) =	sbr.rel @p1 .LBB2_1-.Ltmp1, $4  }
0x2d: {  	[hbm4b:s6+s16] =	stream.linear.scatter @!p0 [tilespmem:s14], [sflag:$0x1], $0x2800, $0x38;
	[tilespmem:$0x5300] =	vst v63  }
0x2e: {  	_ =	swait.ge @!p0 [sflag:s15], $0x2800  }
0x2f: {  	[sflag:s15] =	ssyncset.done @!p0 $0x0  }
0x30: {  	[sflag:s15] =	ssyncadd.s32 @!p0 $0xFFFFD800  }
0x31: {  	_ =	sfence.sel $0x180000  }
0x32: {  	[bflag:$0x0] =	sbarrier.arrive $0xFFFF  }
0x33: {  	_ =	strace $0x9000004A  }
0x34: {  	s0 =	sadd.s32 @!p0 $0x100000, s0;
	[bflag:$0x2] =	sbarrier.arrive $0xFFFF  }
0x35: {  	[sflag:s0] =	ssyncadd.tile.s32 @!p0 $0x1;
	_ =	shalt  }
.Lfunc_end2:
_tile_overlayer_lowered:
.L_overlay_start_2:
0x36: {  	(tag) =	ssettag $0x2  }
0x37: {  	s0 =	rddreg [dreg:$0x0];
	s2 =	stileid.u32  }
0x38: {  	s1 =	rddreg [dreg:$0x1];
	p0 =	sne.s32 s2, $0x0  }
0x39: {  	s3 =	rddreg [dreg:$0x2];
	[bflag:$0x3] =	sbarrier.arrive $0xFFFF;
	s2 =	simm.s32 @!p0 $0x1C01  }
0x3a: {  	[timem:s3], [sflag:s2] =	dma.local @!p0 [hbm:s0], s1  }
0x3b: {  	s0 =	simm.s32 @!p0 $0x1  }
0x3c: {  	_ =	swait.ge @!p0 [sflag:s0], s1  }
0x3d: {  	s1 =	ssub.s32 @!p0 $0x0, s1;
	[sflag:s0] =	ssyncset.done @!p0 $0x0  }
0x3e: {  	[sflag:s0] =	ssyncadd.s32 @!p0 s1  }
0x3f: {  	[bflag:$0x3] =	sbarrier.arrive $0xFFFF  }
0x40: {  	_ =	shalt  }

</sc_bundles>
